<compile_context>
chip_gen: v7x
topology: tpu7x:2x2x1
jax: 0.10.2.dev20260603
libtpu: 0.0.44.dev20260713+nightly
codegen_flags: <defaults>
</compile_context>

<pallas_src>
import functools

import jax
import jax.numpy as jnp
from jax import lax
from jax.experimental import pallas as pl
from jax.experimental.pallas import tpu as pltpu
from jax.experimental.pallas import tpu_sc as plsc

NUM_EMBEDDINGS = 100000
EMBEDDING_DIM = 128

_INFO = plsc.get_sparse_core_info()
_NC, _NS = _INFO.num_cores, _INFO.num_subcores
_NW = _NC * _NS

_B = 4096 * 200
_BPW = _B // _NW
_CH = 64
_ITERS = _BPW // _CH
_R = 12
_K = _R // 2


def _make_kernel():
    mesh = plsc.VectorSubcoreMesh(core_axis_name="c", subcore_axis_name="s")

    @functools.partial(
        pl.kernel,
        mesh=mesh,
        out_type=jax.ShapeDtypeStruct((_B, EMBEDDING_DIM), jnp.float32),
        scratch_types=[
            pltpu.VMEM((_BPW,), jnp.int32),
            pltpu.VMEM((_R, _CH, EMBEDDING_DIM), jnp.float32),
        ]
        + [pltpu.SemaphoreType.DMA] * (2 * _R),
    )
    def gather_kernel(idx_hbm, table_hbm, out_hbm, idx_v, rows_v, *sems):
        sem_in, sem_out = sems[:_R], sems[_R:]
        wid = lax.axis_index("s") * _NC + lax.axis_index("c")
        base = wid * _BPW
        pltpu.sync_copy(idx_hbm.at[wid], idx_v)

        def start_gather(i, b):
            pltpu.async_copy(table_hbm.at[idx_v.at[pl.ds(i * _CH, _CH)]], rows_v.at[b], sem_in[b])

        def wait_gather(i, b):
            pltpu.make_async_copy(
                table_hbm.at[idx_v.at[pl.ds(i * _CH, _CH)]], rows_v.at[b], sem_in[b]
            ).wait()

        def start_out(i, b):
            pltpu.async_copy(
                rows_v.at[b], out_hbm.at[pl.ds(base + i * _CH, _CH)], sem_out[b]
            )

        def wait_out(i, b):
            pltpu.make_async_copy(
                rows_v.at[b], out_hbm.at[pl.ds(base + i * _CH, _CH)], sem_out[b]
            ).wait()

        for b in range(_K):
            start_gather(b, b)
        for i in range(_K):
            wait_gather(i, i)
            start_out(i, i)
            start_gather(i + _K, i + _K)

        n_groups = (_ITERS - 2 * _K) // _R

        def steady(i, t):
            b = (t + _K) % _R
            wait_gather(i, b)
            start_out(i, b)
            b2 = t % _R
            wait_out(i - _K, b2)
            start_gather(i + _K, b2)

        def group(g, carry):
            for t in range(_R):
                steady(_K + g * _R + t, t)
            return carry

        lax.fori_loop(0, n_groups, group, 0)

        for i in range(_K + n_groups * _R, _ITERS - _K):
            steady(i, (i - _K) % _R)

        for i in range(_ITERS - _K, _ITERS):
            b = i % _R
            wait_gather(i, b)
            start_out(i, b)
            wait_out(i - _K, (i - _K) % _R)
        for i in range(_ITERS - _K, _ITERS):
            wait_out(i, i % _R)

    return gather_kernel


_GATHER = _make_kernel()


def kernel(x, table):
    idx = x.astype(jnp.int32).reshape(_NW, _BPW)
    out = _GATHER(idx, table)
    return out.reshape(x.shape[0], x.shape[1], EMBEDDING_DIM)

# --- scband reference (transcript-rebuilt; emitter-appended) ---
"""Pipeline reference for scband-count-embedding-63204738728593 (READ-ONLY COPY).

The authoritative reference and input builder live on the scoring server;
editing this copy changes nothing except your own understanding.
"""

import jax, jax.numpy as jnp
import numpy as np

NUM_EMBEDDINGS = 100000
EMBEDDING_DIM = 128
PADDING_IDX = 0


def setup_inputs(seed: int = 0) -> dict:
    key = jax.random.key(seed)
    k_idx, k_tab = jax.random.split(key)
    x = jax.random.randint(k_idx, (4096, 200), 0, NUM_EMBEDDINGS, dtype=jnp.int64) if jax.config.jax_enable_x64 else jax.random.randint(k_idx, (4096, 200), 0, NUM_EMBEDDINGS, dtype=jnp.int32)
    table = jax.random.normal(k_tab, (NUM_EMBEDDINGS, EMBEDDING_DIM), dtype=jnp.float32)
    # nn.Embedding with padding_idx zeroes that row at init
    table = table.at[PADDING_IDX].set(0.0)
    return {"x": x, "table": table}


def reference(x, table):
    # nn.Embedding forward: simple row gather
    return jnp.take(table, x, axis=0)

if __name__ == "__main__":
    import jax
    _d = setup_inputs()
    print(jax.jit(kernel)(*tuple(_d.values())))

</pallas_src>

<mosaic_0001>
#map = affine_map<(d0, d1) -> (0, 0)>
module attributes {stable_mosaic.version = 14 : i64} {
  func.func @gather_kernel(%arg0: i32, %arg1: i32, %arg2: memref<32x25600xi32, #tpu.memory_space<hbm>>, %arg3: memref<100000x128xf32, #tpu.memory_space<hbm>>, %arg4: memref<819200x128xf32, #tpu.memory_space<hbm>>, %arg5: memref<25600xi32, #tpu.memory_space<vmem>>, %arg6: memref<12x64x128xf32, #tpu.memory_space<vmem>>, %arg7: memref<!tpu.dma_semaphore, #tpu.memory_space<semaphore_mem>>, %arg8: memref<!tpu.dma_semaphore, #tpu.memory_space<semaphore_mem>>, %arg9: memref<!tpu.dma_semaphore, #tpu.memory_space<semaphore_mem>>, %arg10: memref<!tpu.dma_semaphore, #tpu.memory_space<semaphore_mem>>, %arg11: memref<!tpu.dma_semaphore, #tpu.memory_space<semaphore_mem>>, %arg12: memref<!tpu.dma_semaphore, #tpu.memory_space<semaphore_mem>>, %arg13: memref<!tpu.dma_semaphore, #tpu.memory_space<semaphore_mem>>, %arg14: memref<!tpu.dma_semaphore, #tpu.memory_space<semaphore_mem>>, %arg15: memref<!tpu.dma_semaphore, #tpu.memory_space<semaphore_mem>>, %arg16: memref<!tpu.dma_semaphore, #tpu.memory_space<semaphore_mem>>, %arg17: memref<!tpu.dma_semaphore, #tpu.memory_space<semaphore_mem>>, %arg18: memref<!tpu.dma_semaphore, #tpu.memory_space<semaphore_mem>>, %arg19: memref<!tpu.dma_semaphore, #tpu.memory_space<semaphore_mem>>, %arg20: memref<!tpu.dma_semaphore, #tpu.memory_space<semaphore_mem>>, %arg21: memref<!tpu.dma_semaphore, #tpu.memory_space<semaphore_mem>>, %arg22: memref<!tpu.dma_semaphore, #tpu.memory_space<semaphore_mem>>, %arg23: memref<!tpu.dma_semaphore, #tpu.memory_space<semaphore_mem>>, %arg24: memref<!tpu.dma_semaphore, #tpu.memory_space<semaphore_mem>>, %arg25: memref<!tpu.dma_semaphore, #tpu.memory_space<semaphore_mem>>, %arg26: memref<!tpu.dma_semaphore, #tpu.memory_space<semaphore_mem>>, %arg27: memref<!tpu.dma_semaphore, #tpu.memory_space<semaphore_mem>>, %arg28: memref<!tpu.dma_semaphore, #tpu.memory_space<semaphore_mem>>, %arg29: memref<!tpu.dma_semaphore, #tpu.memory_space<semaphore_mem>>, %arg30: memref<!tpu.dma_semaphore, #tpu.memory_space<semaphore_mem>>) attributes {dimension_semantics = [#tpu.dimension_semantics<core_parallel>, #tpu.dimension_semantics<subcore_parallel>], iteration_bounds = array<i64: 2, 16>, scalar_prefetch = 0 : i64, scratch_operands = 26 : i64, tpu.core_type = #tpu.core_type<sc_vector_subcore>, window_params = [{transform_indices = #map}, {transform_indices = #map}, {transform_indices = #map}]} {
    %mul3A = arith.constant 2 : i32
    %mul3A_0 = arith.muli %arg1, %mul3A : i32
    %add3A = arith.addi %mul3A_0, %arg0 : i32
    %mul3A_1 = arith.constant 25600 : i32
    %mul3A_2 = arith.muli %add3A, %mul3A_1 : i32
    "tpu.region"() ({
      %run_scoped3A = tpu.sem_alloc : memref<!tpu.dma_semaphore, #tpu.memory_space<semaphore_mem>>
      %dma_start3A_806 = arith.constant 0 : i32
      %dma_start3A_807 = tpu.memref_slice %arg2[%add3A, %dma_start3A_806] : memref<32x25600xi32, #tpu.memory_space<hbm>> -> memref<1x25600xi32, #tpu.memory_space<hbm>>
      %dma_start3A_808 = tpu.memref_squeeze %dma_start3A_807 : memref<1x25600xi32, #tpu.memory_space<hbm>> -> memref<25600xi32, #tpu.memory_space<hbm>>
      %dma_start3A_809 = arith.constant 0 : i32
      %dma_start3A_810 = tpu.memref_slice %arg2[%add3A, %dma_start3A_809] : memref<32x25600xi32, #tpu.memory_space<hbm>> -> memref<1x25600xi32, #tpu.memory_space<hbm>>
      %dma_start3A_811 = tpu.memref_squeeze %dma_start3A_810 : memref<1x25600xi32, #tpu.memory_space<hbm>> -> memref<25600xi32, #tpu.memory_space<hbm>>
      tpu.enqueue_dma source(%dma_start3A_811 : memref<25600xi32, #tpu.memory_space<hbm>>) target(%arg5 : memref<25600xi32, #tpu.memory_space<vmem>>) target_semaphore(%run_scoped3A : memref<!tpu.dma_semaphore, #tpu.memory_space<semaphore_mem>>)
      %dma_wait3A_812 = arith.constant 0 : i32
      %dma_wait3A_813 = tpu.memref_slice %arg2[%add3A, %dma_wait3A_812] : memref<32x25600xi32, #tpu.memory_space<hbm>> -> memref<1x25600xi32, #tpu.memory_space<hbm>>
      %dma_wait3A_814 = tpu.memref_squeeze %dma_wait3A_813 : memref<1x25600xi32, #tpu.memory_space<hbm>> -> memref<25600xi32, #tpu.memory_space<hbm>>
      %dma_wait3A_815 = arith.constant 0 : i32
      %dma_wait3A_816 = tpu.memref_slice %arg2[%add3A, %dma_wait3A_815] : memref<32x25600xi32, #tpu.memory_space<hbm>> -> memref<1x25600xi32, #tpu.memory_space<hbm>>
      %dma_wait3A_817 = tpu.memref_squeeze %dma_wait3A_816 : memref<1x25600xi32, #tpu.memory_space<hbm>> -> memref<25600xi32, #tpu.memory_space<hbm>>
      tpu.wait_dma2 semaphore(%run_scoped3A : memref<!tpu.dma_semaphore, #tpu.memory_space<semaphore_mem>>) src(%dma_wait3A_817 : memref<25600xi32, #tpu.memory_space<hbm>>) dst(%arg5 : memref<25600xi32, #tpu.memory_space<vmem>>)
      tpu.yield
    }) : () -> ()
    %dma_start3A = arith.constant 0 : i32
    %dma_start3A_3 = arith.constant 0 : i32
    %dma_start3A_4 = arith.constant 0 : i32
    %dma_start3A_5 = tpu.memref_slice %arg6[%dma_start3A, %dma_start3A_3, %dma_start3A_4] : memref<12x64x128xf32, #tpu.memory_space<vmem>> -> memref<1x64x128xf32, #tpu.memory_space<vmem>>
    %dma_start3A_6 = tpu.memref_squeeze %dma_start3A_5 : memref<1x64x128xf32, #tpu.memory_space<vmem>> -> memref<64x128xf32, #tpu.memory_space<vmem>>
    %dma_start3A_7 = arith.constant 0 : i32
    %dma_start3A_8 = tpu.memref_slice %arg5[%dma_start3A_7] : memref<25600xi32, #tpu.memory_space<vmem>> -> memref<64xi32, #tpu.memory_space<vmem>>
    %dma_start3A_9 = arith.constant 0 : i32
    %dma_start3A_10 = arith.constant 0 : i32
    %dma_start3A_11 = tpu.memref_slice %arg3[%dma_start3A_9, %dma_start3A_10] : memref<100000x128xf32, #tpu.memory_space<hbm>> -> memref<100000x128xf32, #tpu.memory_space<hbm>>
    tpu.enqueue_indirect_dma source(%dma_start3A_11 : memref<100000x128xf32, #tpu.memory_space<hbm>>) target(%dma_start3A_6 : memref<64x128xf32, #tpu.memory_space<vmem>>) offsets(%dma_start3A_8 : memref<64xi32, #tpu.memory_space<vmem>>) semaphore(%arg7 : memref<!tpu.dma_semaphore, #tpu.memory_space<semaphore_mem>>)
    %dma_start3A_12 = arith.constant 1 : i32
    %dma_start3A_13 = arith.constant 0 : i32
    %dma_start3A_14 = arith.constant 0 : i32
    %dma_start3A_15 = tpu.memref_slice %arg6[%dma_start3A_12, %dma_start3A_13, %dma_start3A_14] : memref<12x64x128xf32, #tpu.memory_space<vmem>> -> memref<1x64x128xf32, #tpu.memory_space<vmem>>
    %dma_start3A_16 = tpu.memref_squeeze %dma_start3A_15 : memref<1x64x128xf32, #tpu.memory_space<vmem>> -> memref<64x128xf32, #tpu.memory_space<vmem>>
    %dma_start3A_17 = arith.constant 64 : i32
    %dma_start3A_18 = tpu.memref_slice %arg5[%dma_start3A_17] : memref<25600xi32, #tpu.memory_space<vmem>> -> memref<64xi32, #tpu.memory_space<vmem>>
    %dma_start3A_19 = arith.constant 0 : i32
    %dma_start3A_20 = arith.constant 0 : i32
    %dma_start3A_21 = tpu.memref_slice %arg3[%dma_start3A_19, %dma_start3A_20] : memref<100000x128xf32, #tpu.memory_space<hbm>> -> memref<100000x128xf32, #tpu.memory_space<hbm>>
    tpu.enqueue_indirect_dma source(%dma_start3A_21 : memref<100000x128xf32, #tpu.memory_space<hbm>>) target(%dma_start3A_16 : memref<64x128xf32, #tpu.memory_space<vmem>>) offsets(%dma_start3A_18 : memref<64xi32, #tpu.memory_space<vmem>>) semaphore(%arg8 : memref<!tpu.dma_semaphore, #tpu.memory_space<semaphore_mem>>)
    %dma_start3A_22 = arith.constant 2 : i32
    %dma_start3A_23 = arith.constant 0 : i32
    %dma_start3A_24 = arith.constant 0 : i32
    %dma_start3A_25 = tpu.memref_slice %arg6[%dma_start3A_22, %dma_start3A_23, %dma_start3A_24] : memref<12x64x128xf32, #tpu.memory_space<vmem>> -> memref<1x64x128xf32, #tpu.memory_space<vmem>>
    %dma_start3A_26 = tpu.memref_squeeze %dma_start3A_25 : memref<1x64x128xf32, #tpu.memory_space<vmem>> -> memref<64x128xf32, #tpu.memory_space<vmem>>
    %dma_start3A_27 = arith.constant 128 : i32
    %dma_start3A_28 = tpu.memref_slice %arg5[%dma_start3A_27] : memref<25600xi32, #tpu.memory_space<vmem>> -> memref<64xi32, #tpu.memory_space<vmem>>
    %dma_start3A_29 = arith.constant 0 : i32
    %dma_start3A_30 = arith.constant 0 : i32
    %dma_start3A_31 = tpu.memref_slice %arg3[%dma_start3A_29, %dma_start3A_30] : memref<100000x128xf32, #tpu.memory_space<hbm>> -> memref<100000x128xf32, #tpu.memory_space<hbm>>
    tpu.enqueue_indirect_dma source(%dma_start3A_31 : memref<100000x128xf32, #tpu.memory_space<hbm>>) target(%dma_start3A_26 : memref<64x128xf32, #tpu.memory_space<vmem>>) offsets(%dma_start3A_28 : memref<64xi32, #tpu.memory_space<vmem>>) semaphore(%arg9 : memref<!tpu.dma_semaphore, #tpu.memory_space<semaphore_mem>>)
    %dma_start3A_32 = arith.constant 3 : i32
    %dma_start3A_33 = arith.constant 0 : i32
    %dma_start3A_34 = arith.constant 0 : i32
    %dma_start3A_35 = tpu.memref_slice %arg6[%dma_start3A_32, %dma_start3A_33, %dma_start3A_34] : memref<12x64x128xf32, #tpu.memory_space<vmem>> -> memref<1x64x128xf32, #tpu.memory_space<vmem>>
    %dma_start3A_36 = tpu.memref_squeeze %dma_start3A_35 : memref<1x64x128xf32, #tpu.memory_space<vmem>> -> memref<64x128xf32, #tpu.memory_space<vmem>>
    %dma_start3A_37 = arith.constant 192 : i32
    %dma_start3A_38 = tpu.memref_slice %arg5[%dma_start3A_37] : memref<25600xi32, #tpu.memory_space<vmem>> -> memref<64xi32, #tpu.memory_space<vmem>>
    %dma_start3A_39 = arith.constant 0 : i32
    %dma_start3A_40 = arith.constant 0 : i32
    %dma_start3A_41 = tpu.memref_slice %arg3[%dma_start3A_39, %dma_start3A_40] : memref<100000x128xf32, #tpu.memory_space<hbm>> -> memref<100000x128xf32, #tpu.memory_space<hbm>>
    tpu.enqueue_indirect_dma source(%dma_start3A_41 : memref<100000x128xf32, #tpu.memory_space<hbm>>) target(%dma_start3A_36 : memref<64x128xf32, #tpu.memory_space<vmem>>) offsets(%dma_start3A_38 : memref<64xi32, #tpu.memory_space<vmem>>) semaphore(%arg10 : memref<!tpu.dma_semaphore, #tpu.memory_space<semaphore_mem>>)
    %dma_start3A_42 = arith.constant 4 : i32
    %dma_start3A_43 = arith.constant 0 : i32
    %dma_start3A_44 = arith.constant 0 : i32
    %dma_start3A_45 = tpu.memref_slice %arg6[%dma_start3A_42, %dma_start3A_43, %dma_start3A_44] : memref<12x64x128xf32, #tpu.memory_space<vmem>> -> memref<1x64x128xf32, #tpu.memory_space<vmem>>
    %dma_start3A_46 = tpu.memref_squeeze %dma_start3A_45 : memref<1x64x128xf32, #tpu.memory_space<vmem>> -> memref<64x128xf32, #tpu.memory_space<vmem>>
    %dma_start3A_47 = arith.constant 256 : i32
    %dma_start3A_48 = tpu.memref_slice %arg5[%dma_start3A_47] : memref<25600xi32, #tpu.memory_space<vmem>> -> memref<64xi32, #tpu.memory_space<vmem>>
    %dma_start3A_49 = arith.constant 0 : i32
    %dma_start3A_50 = arith.constant 0 : i32
    %dma_start3A_51 = tpu.memref_slice %arg3[%dma_start3A_49, %dma_start3A_50] : memref<100000x128xf32, #tpu.memory_space<hbm>> -> memref<100000x128xf32, #tpu.memory_space<hbm>>
    tpu.enqueue_indirect_dma source(%dma_start3A_51 : memref<100000x128xf32, #tpu.memory_space<hbm>>) target(%dma_start3A_46 : memref<64x128xf32, #tpu.memory_space<vmem>>) offsets(%dma_start3A_48 : memref<64xi32, #tpu.memory_space<vmem>>) semaphore(%arg11 : memref<!tpu.dma_semaphore, #tpu.memory_space<semaphore_mem>>)
    %dma_start3A_52 = arith.constant 5 : i32
    %dma_start3A_53 = arith.constant 0 : i32
    %dma_start3A_54 = arith.constant 0 : i32
    %dma_start3A_55 = tpu.memref_slice %arg6[%dma_start3A_52, %dma_start3A_53, %dma_start3A_54] : memref<12x64x128xf32, #tpu.memory_space<vmem>> -> memref<1x64x128xf32, #tpu.memory_space<vmem>>
    %dma_start3A_56 = tpu.memref_squeeze %dma_start3A_55 : memref<1x64x128xf32, #tpu.memory_space<vmem>> -> memref<64x128xf32, #tpu.memory_space<vmem>>
    %dma_start3A_57 = arith.constant 320 : i32
    %dma_start3A_58 = tpu.memref_slice %arg5[%dma_start3A_57] : memref<25600xi32, #tpu.memory_space<vmem>> -> memref<64xi32, #tpu.memory_space<vmem>>
    %dma_start3A_59 = arith.constant 0 : i32
    %dma_start3A_60 = arith.constant 0 : i32
    %dma_start3A_61 = tpu.memref_slice %arg3[%dma_start3A_59, %dma_start3A_60] : memref<100000x128xf32, #tpu.memory_space<hbm>> -> memref<100000x128xf32, #tpu.memory_space<hbm>>
    tpu.enqueue_indirect_dma source(%dma_start3A_61 : memref<100000x128xf32, #tpu.memory_space<hbm>>) target(%dma_start3A_56 : memref<64x128xf32, #tpu.memory_space<vmem>>) offsets(%dma_start3A_58 : memref<64xi32, #tpu.memory_space<vmem>>) semaphore(%arg12 : memref<!tpu.dma_semaphore, #tpu.memory_space<semaphore_mem>>)
    %dma_wait3A = arith.constant 0 : i32
    %dma_wait3A_62 = arith.constant 0 : i32
    %dma_wait3A_63 = arith.constant 0 : i32
    %dma_wait3A_64 = tpu.memref_slice %arg6[%dma_wait3A, %dma_wait3A_62, %dma_wait3A_63] : memref<12x64x128xf32, #tpu.memory_space<vmem>> -> memref<1x64x128xf32, #tpu.memory_space<vmem>>
    %dma_wait3A_65 = tpu.memref_squeeze %dma_wait3A_64 : memref<1x64x128xf32, #tpu.memory_space<vmem>> -> memref<64x128xf32, #tpu.memory_space<vmem>>
    %dma_wait3A_66 = arith.constant 0 : i32
    %dma_wait3A_67 = tpu.memref_slice %arg5[%dma_wait3A_66] : memref<25600xi32, #tpu.memory_space<vmem>> -> memref<64xi32, #tpu.memory_space<vmem>>
    %dma_wait3A_68 = arith.constant 0 : i32
    %dma_wait3A_69 = arith.constant 0 : i32
    %dma_wait3A_70 = tpu.memref_slice %arg3[%dma_wait3A_68, %dma_wait3A_69] : memref<100000x128xf32, #tpu.memory_space<hbm>> -> memref<100000x128xf32, #tpu.memory_space<hbm>>
    tpu.wait_indirect_dma semaphore(%arg7 : memref<!tpu.dma_semaphore, #tpu.memory_space<semaphore_mem>>) src(%dma_wait3A_70 : memref<100000x128xf32, #tpu.memory_space<hbm>>) dst(%dma_wait3A_65 : memref<64x128xf32, #tpu.memory_space<vmem>>)
    %add3A_71 = arith.constant 0 : i32
    %add3A_72 = arith.addi %mul3A_2, %add3A_71 : i32
    %dma_start3A_73 = arith.constant 0 : i32
    %dma_start3A_74 = arith.constant 0 : i32
    %dma_start3A_75 = arith.constant 0 : i32
    %dma_start3A_76 = tpu.memref_slice %arg6[%dma_start3A_73, %dma_start3A_74, %dma_start3A_75] : memref<12x64x128xf32, #tpu.memory_space<vmem>> -> memref<1x64x128xf32, #tpu.memory_space<vmem>>
    %dma_start3A_77 = tpu.memref_squeeze %dma_start3A_76 : memref<1x64x128xf32, #tpu.memory_space<vmem>> -> memref<64x128xf32, #tpu.memory_space<vmem>>
    %dma_start3A_78 = arith.constant 0 : i32
    %dma_start3A_79 = tpu.memref_slice %arg4[%add3A_72, %dma_start3A_78] : memref<819200x128xf32, #tpu.memory_space<hbm>> -> memref<64x128xf32, #tpu.memory_space<hbm>>
    %dma_start3A_80 = arith.constant 0 : i32
    %dma_start3A_81 = tpu.memref_slice %arg4[%add3A_72, %dma_start3A_80] : memref<819200x128xf32, #tpu.memory_space<hbm>> -> memref<64x128xf32, #tpu.memory_space<hbm>>
    %dma_start3A_82 = arith.constant 0 : i32
    %dma_start3A_83 = arith.constant 0 : i32
    %dma_start3A_84 = tpu.memref_slice %arg6[%dma_start3A_73, %dma_start3A_82, %dma_start3A_83] : memref<12x64x128xf32, #tpu.memory_space<vmem>> -> memref<1x64x128xf32, #tpu.memory_space<vmem>>
    %dma_start3A_85 = tpu.memref_squeeze %dma_start3A_84 : memref<1x64x128xf32, #tpu.memory_space<vmem>> -> memref<64x128xf32, #tpu.memory_space<vmem>>
    tpu.enqueue_dma source(%dma_start3A_85 : memref<64x128xf32, #tpu.memory_space<vmem>>) target(%dma_start3A_81 : memref<64x128xf32, #tpu.memory_space<hbm>>) target_semaphore(%arg19 : memref<!tpu.dma_semaphore, #tpu.memory_space<semaphore_mem>>)
    %dma_start3A_86 = arith.constant 6 : i32
    %dma_start3A_87 = arith.constant 0 : i32
    %dma_start3A_88 = arith.constant 0 : i32
    %dma_start3A_89 = tpu.memref_slice %arg6[%dma_start3A_86, %dma_start3A_87, %dma_start3A_88] : memref<12x64x128xf32, #tpu.memory_space<vmem>> -> memref<1x64x128xf32, #tpu.memory_space<vmem>>
    %dma_start3A_90 = tpu.memref_squeeze %dma_start3A_89 : memref<1x64x128xf32, #tpu.memory_space<vmem>> -> memref<64x128xf32, #tpu.memory_space<vmem>>
    %dma_start3A_91 = arith.constant 384 : i32
    %dma_start3A_92 = tpu.memref_slice %arg5[%dma_start3A_91] : memref<25600xi32, #tpu.memory_space<vmem>> -> memref<64xi32, #tpu.memory_space<vmem>>
    %dma_start3A_93 = arith.constant 0 : i32
    %dma_start3A_94 = arith.constant 0 : i32
    %dma_start3A_95 = tpu.memref_slice %arg3[%dma_start3A_93, %dma_start3A_94] : memref<100000x128xf32, #tpu.memory_space<hbm>> -> memref<100000x128xf32, #tpu.memory_space<hbm>>
    tpu.enqueue_indirect_dma source(%dma_start3A_95 : memref<100000x128xf32, #tpu.memory_space<hbm>>) target(%dma_start3A_90 : memref<64x128xf32, #tpu.memory_space<vmem>>) offsets(%dma_start3A_92 : memref<64xi32, #tpu.memory_space<vmem>>) semaphore(%arg13 : memref<!tpu.dma_semaphore, #tpu.memory_space<semaphore_mem>>)
    %dma_wait3A_96 = arith.constant 1 : i32
    %dma_wait3A_97 = arith.constant 0 : i32
    %dma_wait3A_98 = arith.constant 0 : i32
    %dma_wait3A_99 = tpu.memref_slice %arg6[%dma_wait3A_96, %dma_wait3A_97, %dma_wait3A_98] : memref<12x64x128xf32, #tpu.memory_space<vmem>> -> memref<1x64x128xf32, #tpu.memory_space<vmem>>
    %dma_wait3A_100 = tpu.memref_squeeze %dma_wait3A_99 : memref<1x64x128xf32, #tpu.memory_space<vmem>> -> memref<64x128xf32, #tpu.memory_space<vmem>>
    %dma_wait3A_101 = arith.constant 64 : i32
    %dma_wait3A_102 = tpu.memref_slice %arg5[%dma_wait3A_101] : memref<25600xi32, #tpu.memory_space<vmem>> -> memref<64xi32, #tpu.memory_space<vmem>>
    %dma_wait3A_103 = arith.constant 0 : i32
    %dma_wait3A_104 = arith.constant 0 : i32
    %dma_wait3A_105 = tpu.memref_slice %arg3[%dma_wait3A_103, %dma_wait3A_104] : memref<100000x128xf32, #tpu.memory_space<hbm>> -> memref<100000x128xf32, #tpu.memory_space<hbm>>
    tpu.wait_indirect_dma semaphore(%arg8 : memref<!tpu.dma_semaphore, #tpu.memory_space<semaphore_mem>>) src(%dma_wait3A_105 : memref<100000x128xf32, #tpu.memory_space<hbm>>) dst(%dma_wait3A_100 : memref<64x128xf32, #tpu.memory_space<vmem>>)
    %add3A_106 = arith.constant 64 : i32
    %add3A_107 = arith.addi %mul3A_2, %add3A_106 : i32
    %dma_start3A_108 = arith.constant 1 : i32
    %dma_start3A_109 = arith.constant 0 : i32
    %dma_start3A_110 = arith.constant 0 : i32
    %dma_start3A_111 = tpu.memref_slice %arg6[%dma_start3A_108, %dma_start3A_109, %dma_start3A_110] : memref<12x64x128xf32, #tpu.memory_space<vmem>> -> memref<1x64x128xf32, #tpu.memory_space<vmem>>
    %dma_start3A_112 = tpu.memref_squeeze %dma_start3A_111 : memref<1x64x128xf32, #tpu.memory_space<vmem>> -> memref<64x128xf32, #tpu.memory_space<vmem>>
    %dma_start3A_113 = arith.constant 0 : i32
    %dma_start3A_114 = tpu.memref_slice %arg4[%add3A_107, %dma_start3A_113] : memref<819200x128xf32, #tpu.memory_space<hbm>> -> memref<64x128xf32, #tpu.memory_space<hbm>>
    %dma_start3A_115 = arith.constant 0 : i32
    %dma_start3A_116 = tpu.memref_slice %arg4[%add3A_107, %dma_start3A_115] : memref<819200x128xf32, #tpu.memory_space<hbm>> -> memref<64x128xf32, #tpu.memory_space<hbm>>
    %dma_start3A_117 = arith.constant 0 : i32
    %dma_start3A_118 = arith.constant 0 : i32
    %dma_start3A_119 = tpu.memref_slice %arg6[%dma_start3A_108, %dma_start3A_117, %dma_start3A_118] : memref<12x64x128xf32, #tpu.memory_space<vmem>> -> memref<1x64x128xf32, #tpu.memory_space<vmem>>
    %dma_start3A_120 = tpu.memref_squeeze %dma_start3A_119 : memref<1x64x128xf32, #tpu.memory_space<vmem>> -> memref<64x128xf32, #tpu.memory_space<vmem>>
    tpu.enqueue_dma source(%dma_start3A_120 : memref<64x128xf32, #tpu.memory_space<vmem>>) target(%dma_start3A_116 : memref<64x128xf32, #tpu.memory_space<hbm>>) target_semaphore(%arg20 : memref<!tpu.dma_semaphore, #tpu.memory_space<semaphore_mem>>)
    %dma_start3A_121 = arith.constant 7 : i32
    %dma_start3A_122 = arith.constant 0 : i32
    %dma_start3A_123 = arith.constant 0 : i32
    %dma_start3A_124 = tpu.memref_slice %arg6[%dma_start3A_121, %dma_start3A_122, %dma_start3A_123] : memref<12x64x128xf32, #tpu.memory_space<vmem>> -> memref<1x64x128xf32, #tpu.memory_space<vmem>>
    %dma_start3A_125 = tpu.memref_squeeze %dma_start3A_124 : memref<1x64x128xf32, #tpu.memory_space<vmem>> -> memref<64x128xf32, #tpu.memory_space<vmem>>
    %dma_start3A_126 = arith.constant 448 : i32
    %dma_start3A_127 = tpu.memref_slice %arg5[%dma_start3A_126] : memref<25600xi32, #tpu.memory_space<vmem>> -> memref<64xi32, #tpu.memory_space<vmem>>
    %dma_start3A_128 = arith.constant 0 : i32
    %dma_start3A_129 = arith.constant 0 : i32
    %dma_start3A_130 = tpu.memref_slice %arg3[%dma_start3A_128, %dma_start3A_129] : memref<100000x128xf32, #tpu.memory_space<hbm>> -> memref<100000x128xf32, #tpu.memory_space<hbm>>
    tpu.enqueue_indirect_dma source(%dma_start3A_130 : memref<100000x128xf32, #tpu.memory_space<hbm>>) target(%dma_start3A_125 : memref<64x128xf32, #tpu.memory_space<vmem>>) offsets(%dma_start3A_127 : memref<64xi32, #tpu.memory_space<vmem>>) semaphore(%arg14 : memref<!tpu.dma_semaphore, #tpu.memory_space<semaphore_mem>>)
    %dma_wait3A_131 = arith.constant 2 : i32
    %dma_wait3A_132 = arith.constant 0 : i32
    %dma_wait3A_133 = arith.constant 0 : i32
    %dma_wait3A_134 = tpu.memref_slice %arg6[%dma_wait3A_131, %dma_wait3A_132, %dma_wait3A_133] : memref<12x64x128xf32, #tpu.memory_space<vmem>> -> memref<1x64x128xf32, #tpu.memory_space<vmem>>
    %dma_wait3A_135 = tpu.memref_squeeze %dma_wait3A_134 : memref<1x64x128xf32, #tpu.memory_space<vmem>> -> memref<64x128xf32, #tpu.memory_space<vmem>>
    %dma_wait3A_136 = arith.constant 128 : i32
    %dma_wait3A_137 = tpu.memref_slice %arg5[%dma_wait3A_136] : memref<25600xi32, #tpu.memory_space<vmem>> -> memref<64xi32, #tpu.memory_space<vmem>>
    %dma_wait3A_138 = arith.constant 0 : i32
    %dma_wait3A_139 = arith.constant 0 : i32
    %dma_wait3A_140 = tpu.memref_slice %arg3[%dma_wait3A_138, %dma_wait3A_139] : memref<100000x128xf32, #tpu.memory_space<hbm>> -> memref<100000x128xf32, #tpu.memory_space<hbm>>
    tpu.wait_indirect_dma semaphore(%arg9 : memref<!tpu.dma_semaphore, #tpu.memory_space<semaphore_mem>>) src(%dma_wait3A_140 : memref<100000x128xf32, #tpu.memory_space<hbm>>) dst(%dma_wait3A_135 : memref<64x128xf32, #tpu.memory_space<vmem>>)
    %add3A_141 = arith.constant 128 : i32
    %add3A_142 = arith.addi %mul3A_2, %add3A_141 : i32
    %dma_start3A_143 = arith.constant 2 : i32
    %dma_start3A_144 = arith.constant 0 : i32
    %dma_start3A_145 = arith.constant 0 : i32
    %dma_start3A_146 = tpu.memref_slice %arg6[%dma_start3A_143, %dma_start3A_144, %dma_start3A_145] : memref<12x64x128xf32, #tpu.memory_space<vmem>> -> memref<1x64x128xf32, #tpu.memory_space<vmem>>
    %dma_start3A_147 = tpu.memref_squeeze %dma_start3A_146 : memref<1x64x128xf32, #tpu.memory_space<vmem>> -> memref<64x128xf32, #tpu.memory_space<vmem>>
    %dma_start3A_148 = arith.constant 0 : i32
    %dma_start3A_149 = tpu.memref_slice %arg4[%add3A_142, %dma_start3A_148] : memref<819200x128xf32, #tpu.memory_space<hbm>> -> memref<64x128xf32, #tpu.memory_space<hbm>>
    %dma_start3A_150 = arith.constant 0 : i32
    %dma_start3A_151 = tpu.memref_slice %arg4[%add3A_142, %dma_start3A_150] : memref<819200x128xf32, #tpu.memory_space<hbm>> -> memref<64x128xf32, #tpu.memory_space<hbm>>
    %dma_start3A_152 = arith.constant 0 : i32
    %dma_start3A_153 = arith.constant 0 : i32
    %dma_start3A_154 = tpu.memref_slice %arg6[%dma_start3A_143, %dma_start3A_152, %dma_start3A_153] : memref<12x64x128xf32, #tpu.memory_space<vmem>> -> memref<1x64x128xf32, #tpu.memory_space<vmem>>
    %dma_start3A_155 = tpu.memref_squeeze %dma_start3A_154 : memref<1x64x128xf32, #tpu.memory_space<vmem>> -> memref<64x128xf32, #tpu.memory_space<vmem>>
    tpu.enqueue_dma source(%dma_start3A_155 : memref<64x128xf32, #tpu.memory_space<vmem>>) target(%dma_start3A_151 : memref<64x128xf32, #tpu.memory_space<hbm>>) target_semaphore(%arg21 : memref<!tpu.dma_semaphore, #tpu.memory_space<semaphore_mem>>)
    %dma_start3A_156 = arith.constant 8 : i32
    %dma_start3A_157 = arith.constant 0 : i32
    %dma_start3A_158 = arith.constant 0 : i32
    %dma_start3A_159 = tpu.memref_slice %arg6[%dma_start3A_156, %dma_start3A_157, %dma_start3A_158] : memref<12x64x128xf32, #tpu.memory_space<vmem>> -> memref<1x64x128xf32, #tpu.memory_space<vmem>>
    %dma_start3A_160 = tpu.memref_squeeze %dma_start3A_159 : memref<1x64x128xf32, #tpu.memory_space<vmem>> -> memref<64x128xf32, #tpu.memory_space<vmem>>
    %dma_start3A_161 = arith.constant 512 : i32
    %dma_start3A_162 = tpu.memref_slice %arg5[%dma_start3A_161] : memref<25600xi32, #tpu.memory_space<vmem>> -> memref<64xi32, #tpu.memory_space<vmem>>
    %dma_start3A_163 = arith.constant 0 : i32
    %dma_start3A_164 = arith.constant 0 : i32
    %dma_start3A_165 = tpu.memref_slice %arg3[%dma_start3A_163, %dma_start3A_164] : memref<100000x128xf32, #tpu.memory_space<hbm>> -> memref<100000x128xf32, #tpu.memory_space<hbm>>
    tpu.enqueue_indirect_dma source(%dma_start3A_165 : memref<100000x128xf32, #tpu.memory_space<hbm>>) target(%dma_start3A_160 : memref<64x128xf32, #tpu.memory_space<vmem>>) offsets(%dma_start3A_162 : memref<64xi32, #tpu.memory_space<vmem>>) semaphore(%arg15 : memref<!tpu.dma_semaphore, #tpu.memory_space<semaphore_mem>>)
    %dma_wait3A_166 = arith.constant 3 : i32
    %dma_wait3A_167 = arith.constant 0 : i32
    %dma_wait3A_168 = arith.constant 0 : i32
    %dma_wait3A_169 = tpu.memref_slice %arg6[%dma_wait3A_166, %dma_wait3A_167, %dma_wait3A_168] : memref<12x64x128xf32, #tpu.memory_space<vmem>> -> memref<1x64x128xf32, #tpu.memory_space<vmem>>
    %dma_wait3A_170 = tpu.memref_squeeze %dma_wait3A_169 : memref<1x64x128xf32, #tpu.memory_space<vmem>> -> memref<64x128xf32, #tpu.memory_space<vmem>>
    %dma_wait3A_171 = arith.constant 192 : i32
    %dma_wait3A_172 = tpu.memref_slice %arg5[%dma_wait3A_171] : memref<25600xi32, #tpu.memory_space<vmem>> -> memref<64xi32, #tpu.memory_space<vmem>>
    %dma_wait3A_173 = arith.constant 0 : i32
    %dma_wait3A_174 = arith.constant 0 : i32
    %dma_wait3A_175 = tpu.memref_slice %arg3[%dma_wait3A_173, %dma_wait3A_174] : memref<100000x128xf32, #tpu.memory_space<hbm>> -> memref<100000x128xf32, #tpu.memory_space<hbm>>
    tpu.wait_indirect_dma semaphore(%arg10 : memref<!tpu.dma_semaphore, #tpu.memory_space<semaphore_mem>>) src(%dma_wait3A_175 : memref<100000x128xf32, #tpu.memory_space<hbm>>) dst(%dma_wait3A_170 : memref<64x128xf32, #tpu.memory_space<vmem>>)
    %add3A_176 = arith.constant 192 : i32
    %add3A_177 = arith.addi %mul3A_2, %add3A_176 : i32
    %dma_start3A_178 = arith.constant 3 : i32
    %dma_start3A_179 = arith.constant 0 : i32
    %dma_start3A_180 = arith.constant 0 : i32
    %dma_start3A_181 = tpu.memref_slice %arg6[%dma_start3A_178, %dma_start3A_179, %dma_start3A_180] : memref<12x64x128xf32, #tpu.memory_space<vmem>> -> memref<1x64x128xf32, #tpu.memory_space<vmem>>
    %dma_start3A_182 = tpu.memref_squeeze %dma_start3A_181 : memref<1x64x128xf32, #tpu.memory_space<vmem>> -> memref<64x128xf32, #tpu.memory_space<vmem>>
    %dma_start3A_183 = arith.constant 0 : i32
    %dma_start3A_184 = tpu.memref_slice %arg4[%add3A_177, %dma_start3A_183] : memref<819200x128xf32, #tpu.memory_space<hbm>> -> memref<64x128xf32, #tpu.memory_space<hbm>>
    %dma_start3A_185 = arith.constant 0 : i32
    %dma_start3A_186 = tpu.memref_slice %arg4[%add3A_177, %dma_start3A_185] : memref<819200x128xf32, #tpu.memory_space<hbm>> -> memref<64x128xf32, #tpu.memory_space<hbm>>
    %dma_start3A_187 = arith.constant 0 : i32
    %dma_start3A_188 = arith.constant 0 : i32
    %dma_start3A_189 = tpu.memref_slice %arg6[%dma_start3A_178, %dma_start3A_187, %dma_start3A_188] : memref<12x64x128xf32, #tpu.memory_space<vmem>> -> memref<1x64x128xf32, #tpu.memory_space<vmem>>
    %dma_start3A_190 = tpu.memref_squeeze %dma_start3A_189 : memref<1x64x128xf32, #tpu.memory_space<vmem>> -> memref<64x128xf32, #tpu.memory_space<vmem>>
    tpu.enqueue_dma source(%dma_start3A_190 : memref<64x128xf32, #tpu.memory_space<vmem>>) target(%dma_start3A_186 : memref<64x128xf32, #tpu.memory_space<hbm>>) target_semaphore(%arg22 : memref<!tpu.dma_semaphore, #tpu.memory_space<semaphore_mem>>)
    %dma_start3A_191 = arith.constant 9 : i32
    %dma_start3A_192 = arith.constant 0 : i32
    %dma_start3A_193 = arith.constant 0 : i32
    %dma_start3A_194 = tpu.memref_slice %arg6[%dma_start3A_191, %dma_start3A_192, %dma_start3A_193] : memref<12x64x128xf32, #tpu.memory_space<vmem>> -> memref<1x64x128xf32, #tpu.memory_space<vmem>>
    %dma_start3A_195 = tpu.memref_squeeze %dma_start3A_194 : memref<1x64x128xf32, #tpu.memory_space<vmem>> -> memref<64x128xf32, #tpu.memory_space<vmem>>
    %dma_start3A_196 = arith.constant 576 : i32
    %dma_start3A_197 = tpu.memref_slice %arg5[%dma_start3A_196] : memref<25600xi32, #tpu.memory_space<vmem>> -> memref<64xi32, #tpu.memory_space<vmem>>
    %dma_start3A_198 = arith.constant 0 : i32
    %dma_start3A_199 = arith.constant 0 : i32
    %dma_start3A_200 = tpu.memref_slice %arg3[%dma_start3A_198, %dma_start3A_199] : memref<100000x128xf32, #tpu.memory_space<hbm>> -> memref<100000x128xf32, #tpu.memory_space<hbm>>
    tpu.enqueue_indirect_dma source(%dma_start3A_200 : memref<100000x128xf32, #tpu.memory_space<hbm>>) target(%dma_start3A_195 : memref<64x128xf32, #tpu.memory_space<vmem>>) offsets(%dma_start3A_197 : memref<64xi32, #tpu.memory_space<vmem>>) semaphore(%arg16 : memref<!tpu.dma_semaphore, #tpu.memory_space<semaphore_mem>>)
    %dma_wait3A_201 = arith.constant 4 : i32
    %dma_wait3A_202 = arith.constant 0 : i32
    %dma_wait3A_203 = arith.constant 0 : i32
    %dma_wait3A_204 = tpu.memref_slice %arg6[%dma_wait3A_201, %dma_wait3A_202, %dma_wait3A_203] : memref<12x64x128xf32, #tpu.memory_space<vmem>> -> memref<1x64x128xf32, #tpu.memory_space<vmem>>
    %dma_wait3A_205 = tpu.memref_squeeze %dma_wait3A_204 : memref<1x64x128xf32, #tpu.memory_space<vmem>> -> memref<64x128xf32, #tpu.memory_space<vmem>>
    %dma_wait3A_206 = arith.constant 256 : i32
    %dma_wait3A_207 = tpu.memref_slice %arg5[%dma_wait3A_206] : memref<25600xi32, #tpu.memory_space<vmem>> -> memref<64xi32, #tpu.memory_space<vmem>>
    %dma_wait3A_208 = arith.constant 0 : i32
    %dma_wait3A_209 = arith.constant 0 : i32
    %dma_wait3A_210 = tpu.memref_slice %arg3[%dma_wait3A_208, %dma_wait3A_209] : memref<100000x128xf32, #tpu.memory_space<hbm>> -> memref<100000x128xf32, #tpu.memory_space<hbm>>
    tpu.wait_indirect_dma semaphore(%arg11 : memref<!tpu.dma_semaphore, #tpu.memory_space<semaphore_mem>>) src(%dma_wait3A_210 : memref<100000x128xf32, #tpu.memory_space<hbm>>) dst(%dma_wait3A_205 : memref<64x128xf32, #tpu.memory_space<vmem>>)
    %add3A_211 = arith.constant 256 : i32
    %add3A_212 = arith.addi %mul3A_2, %add3A_211 : i32
    %dma_start3A_213 = arith.constant 4 : i32
    %dma_start3A_214 = arith.constant 0 : i32
    %dma_start3A_215 = arith.constant 0 : i32
    %dma_start3A_216 = tpu.memref_slice %arg6[%dma_start3A_213, %dma_start3A_214, %dma_start3A_215] : memref<12x64x128xf32, #tpu.memory_space<vmem>> -> memref<1x64x128xf32, #tpu.memory_space<vmem>>
    %dma_start3A_217 = tpu.memref_squeeze %dma_start3A_216 : memref<1x64x128xf32, #tpu.memory_space<vmem>> -> memref<64x128xf32, #tpu.memory_space<vmem>>
    %dma_start3A_218 = arith.constant 0 : i32
    %dma_start3A_219 = tpu.memref_slice %arg4[%add3A_212, %dma_start3A_218] : memref<819200x128xf32, #tpu.memory_space<hbm>> -> memref<64x128xf32, #tpu.memory_space<hbm>>
    %dma_start3A_220 = arith.constant 0 : i32
    %dma_start3A_221 = tpu.memref_slice %arg4[%add3A_212, %dma_start3A_220] : memref<819200x128xf32, #tpu.memory_space<hbm>> -> memref<64x128xf32, #tpu.memory_space<hbm>>
    %dma_start3A_222 = arith.constant 0 : i32
    %dma_start3A_223 = arith.constant 0 : i32
    %dma_start3A_224 = tpu.memref_slice %arg6[%dma_start3A_213, %dma_start3A_222, %dma_start3A_223] : memref<12x64x128xf32, #tpu.memory_space<vmem>> -> memref<1x64x128xf32, #tpu.memory_space<vmem>>
    %dma_start3A_225 = tpu.memref_squeeze %dma_start3A_224 : memref<1x64x128xf32, #tpu.memory_space<vmem>> -> memref<64x128xf32, #tpu.memory_space<vmem>>
    tpu.enqueue_dma source(%dma_start3A_225 : memref<64x128xf32, #tpu.memory_space<vmem>>) target(%dma_start3A_221 : memref<64x128xf32, #tpu.memory_space<hbm>>) target_semaphore(%arg23 : memref<!tpu.dma_semaphore, #tpu.memory_space<semaphore_mem>>)
    %dma_start3A_226 = arith.constant 10 : i32
    %dma_start3A_227 = arith.constant 0 : i32
    %dma_start3A_228 = arith.constant 0 : i32
    %dma_start3A_229 = tpu.memref_slice %arg6[%dma_start3A_226, %dma_start3A_227, %dma_start3A_228] : memref<12x64x128xf32, #tpu.memory_space<vmem>> -> memref<1x64x128xf32, #tpu.memory_space<vmem>>
    %dma_start3A_230 = tpu.memref_squeeze %dma_start3A_229 : memref<1x64x128xf32, #tpu.memory_space<vmem>> -> memref<64x128xf32, #tpu.memory_space<vmem>>
    %dma_start3A_231 = arith.constant 640 : i32
    %dma_start3A_232 = tpu.memref_slice %arg5[%dma_start3A_231] : memref<25600xi32, #tpu.memory_space<vmem>> -> memref<64xi32, #tpu.memory_space<vmem>>
    %dma_start3A_233 = arith.constant 0 : i32
    %dma_start3A_234 = arith.constant 0 : i32
    %dma_start3A_235 = tpu.memref_slice %arg3[%dma_start3A_233, %dma_start3A_234] : memref<100000x128xf32, #tpu.memory_space<hbm>> -> memref<100000x128xf32, #tpu.memory_space<hbm>>
    tpu.enqueue_indirect_dma source(%dma_start3A_235 : memref<100000x128xf32, #tpu.memory_space<hbm>>) target(%dma_start3A_230 : memref<64x128xf32, #tpu.memory_space<vmem>>) offsets(%dma_start3A_232 : memref<64xi32, #tpu.memory_space<vmem>>) semaphore(%arg17 : memref<!tpu.dma_semaphore, #tpu.memory_space<semaphore_mem>>)
    %dma_wait3A_236 = arith.constant 5 : i32
    %dma_wait3A_237 = arith.constant 0 : i32
    %dma_wait3A_238 = arith.constant 0 : i32
    %dma_wait3A_239 = tpu.memref_slice %arg6[%dma_wait3A_236, %dma_wait3A_237, %dma_wait3A_238] : memref<12x64x128xf32, #tpu.memory_space<vmem>> -> memref<1x64x128xf32, #tpu.memory_space<vmem>>
    %dma_wait3A_240 = tpu.memref_squeeze %dma_wait3A_239 : memref<1x64x128xf32, #tpu.memory_space<vmem>> -> memref<64x128xf32, #tpu.memory_space<vmem>>
    %dma_wait3A_241 = arith.constant 320 : i32
    %dma_wait3A_242 = tpu.memref_slice %arg5[%dma_wait3A_241] : memref<25600xi32, #tpu.memory_space<vmem>> -> memref<64xi32, #tpu.memory_space<vmem>>
    %dma_wait3A_243 = arith.constant 0 : i32
    %dma_wait3A_244 = arith.constant 0 : i32
    %dma_wait3A_245 = tpu.memref_slice %arg3[%dma_wait3A_243, %dma_wait3A_244] : memref<100000x128xf32, #tpu.memory_space<hbm>> -> memref<100000x128xf32, #tpu.memory_space<hbm>>
    tpu.wait_indirect_dma semaphore(%arg12 : memref<!tpu.dma_semaphore, #tpu.memory_space<semaphore_mem>>) src(%dma_wait3A_245 : memref<100000x128xf32, #tpu.memory_space<hbm>>) dst(%dma_wait3A_240 : memref<64x128xf32, #tpu.memory_space<vmem>>)
    %add3A_246 = arith.constant 320 : i32
    %add3A_247 = arith.addi %mul3A_2, %add3A_246 : i32
    %dma_start3A_248 = arith.constant 5 : i32
    %dma_start3A_249 = arith.constant 0 : i32
    %dma_start3A_250 = arith.constant 0 : i32
    %dma_start3A_251 = tpu.memref_slice %arg6[%dma_start3A_248, %dma_start3A_249, %dma_start3A_250] : memref<12x64x128xf32, #tpu.memory_space<vmem>> -> memref<1x64x128xf32, #tpu.memory_space<vmem>>
    %dma_start3A_252 = tpu.memref_squeeze %dma_start3A_251 : memref<1x64x128xf32, #tpu.memory_space<vmem>> -> memref<64x128xf32, #tpu.memory_space<vmem>>
    %dma_start3A_253 = arith.constant 0 : i32
    %dma_start3A_254 = tpu.memref_slice %arg4[%add3A_247, %dma_start3A_253] : memref<819200x128xf32, #tpu.memory_space<hbm>> -> memref<64x128xf32, #tpu.memory_space<hbm>>
    %dma_start3A_255 = arith.constant 0 : i32
    %dma_start3A_256 = tpu.memref_slice %arg4[%add3A_247, %dma_start3A_255] : memref<819200x128xf32, #tpu.memory_space<hbm>> -> memref<64x128xf32, #tpu.memory_space<hbm>>
    %dma_start3A_257 = arith.constant 0 : i32
    %dma_start3A_258 = arith.constant 0 : i32
    %dma_start3A_259 = tpu.memref_slice %arg6[%dma_start3A_248, %dma_start3A_257, %dma_start3A_258] : memref<12x64x128xf32, #tpu.memory_space<vmem>> -> memref<1x64x128xf32, #tpu.memory_space<vmem>>
    %dma_start3A_260 = tpu.memref_squeeze %dma_start3A_259 : memref<1x64x128xf32, #tpu.memory_space<vmem>> -> memref<64x128xf32, #tpu.memory_space<vmem>>
    tpu.enqueue_dma source(%dma_start3A_260 : memref<64x128xf32, #tpu.memory_space<vmem>>) target(%dma_start3A_256 : memref<64x128xf32, #tpu.memory_space<hbm>>) target_semaphore(%arg24 : memref<!tpu.dma_semaphore, #tpu.memory_space<semaphore_mem>>)
    %dma_start3A_261 = arith.constant 11 : i32
    %dma_start3A_262 = arith.constant 0 : i32
    %dma_start3A_263 = arith.constant 0 : i32
    %dma_start3A_264 = tpu.memref_slice %arg6[%dma_start3A_261, %dma_start3A_262, %dma_start3A_263] : memref<12x64x128xf32, #tpu.memory_space<vmem>> -> memref<1x64x128xf32, #tpu.memory_space<vmem>>
    %dma_start3A_265 = tpu.memref_squeeze %dma_start3A_264 : memref<1x64x128xf32, #tpu.memory_space<vmem>> -> memref<64x128xf32, #tpu.memory_space<vmem>>
    %dma_start3A_266 = arith.constant 704 : i32
    %dma_start3A_267 = tpu.memref_slice %arg5[%dma_start3A_266] : memref<25600xi32, #tpu.memory_space<vmem>> -> memref<64xi32, #tpu.memory_space<vmem>>
    %dma_start3A_268 = arith.constant 0 : i32
    %dma_start3A_269 = arith.constant 0 : i32
    %dma_start3A_270 = tpu.memref_slice %arg3[%dma_start3A_268, %dma_start3A_269] : memref<100000x128xf32, #tpu.memory_space<hbm>> -> memref<100000x128xf32, #tpu.memory_space<hbm>>
    tpu.enqueue_indirect_dma source(%dma_start3A_270 : memref<100000x128xf32, #tpu.memory_space<hbm>>) target(%dma_start3A_265 : memref<64x128xf32, #tpu.memory_space<vmem>>) offsets(%dma_start3A_267 : memref<64xi32, #tpu.memory_space<vmem>>) semaphore(%arg18 : memref<!tpu.dma_semaphore, #tpu.memory_space<semaphore_mem>>)
    %scan3A = arith.constant 0 : i32
    %scan3A_271 = arith.constant 0 : i32
    %scan3A_272 = arith.constant 32 : i32
    %scan3A_273 = arith.addi %scan3A_271, %scan3A_272 : i32
    %scan3A_274 = arith.constant 1 : i32
    scf.for %scan3A_806 = %scan3A_271 to %scan3A_273 step %scan3A_274  : i32 {
      %mul3A_807 = arith.constant 12 : i32
      %mul3A_808 = arith.muli %scan3A_806, %mul3A_807 : i32
      %add3A_809 = arith.constant 6 : i32
      %add3A_810 = arith.addi %add3A_809, %mul3A_808 : i32
      %add3A_811 = arith.constant 0 : i32
      %add3A_812 = arith.addi %add3A_810, %add3A_811 : i32
      %mul3A_813 = arith.constant 64 : i32
      %mul3A_814 = arith.muli %add3A_812, %mul3A_813 : i32
      %dma_wait3A_815 = arith.constant 6 : i32
      %dma_wait3A_816 = arith.constant 0 : i32
      %dma_wait3A_817 = arith.constant 0 : i32
      %dma_wait3A_818 = tpu.memref_slice %arg6[%dma_wait3A_815, %dma_wait3A_816, %dma_wait3A_817] : memref<12x64x128xf32, #tpu.memory_space<vmem>> -> memref<1x64x128xf32, #tpu.memory_space<vmem>>
      %dma_wait3A_819 = tpu.memref_squeeze %dma_wait3A_818 : memref<1x64x128xf32, #tpu.memory_space<vmem>> -> memref<64x128xf32, #tpu.memory_space<vmem>>
      %dma_wait3A_820 = tpu.memref_slice %arg5[%mul3A_814] : memref<25600xi32, #tpu.memory_space<vmem>> -> memref<64xi32, #tpu.memory_space<vmem>>
      %dma_wait3A_821 = arith.constant 0 : i32
      %dma_wait3A_822 = arith.constant 0 : i32
      %dma_wait3A_823 = tpu.memref_slice %arg3[%dma_wait3A_821, %dma_wait3A_822] : memref<100000x128xf32, #tpu.memory_space<hbm>> -> memref<100000x128xf32, #tpu.memory_space<hbm>>
      tpu.wait_indirect_dma semaphore(%arg13 : memref<!tpu.dma_semaphore, #tpu.memory_space<semaphore_mem>>) src(%dma_wait3A_823 : memref<100000x128xf32, #tpu.memory_space<hbm>>) dst(%dma_wait3A_819 : memref<64x128xf32, #tpu.memory_space<vmem>>)
      %mul3A_824 = arith.constant 64 : i32
      %mul3A_825 = arith.muli %add3A_812, %mul3A_824 : i32
      %add3A_826 = arith.addi %mul3A_2, %mul3A_825 : i32
      %dma_start3A_827 = arith.constant 6 : i32
      %dma_start3A_828 = arith.constant 0 : i32
      %dma_start3A_829 = arith.constant 0 : i32
      %dma_start3A_830 = tpu.memref_slice %arg6[%dma_start3A_827, %dma_start3A_828, %dma_start3A_829] : memref<12x64x128xf32, #tpu.memory_space<vmem>> -> memref<1x64x128xf32, #tpu.memory_space<vmem>>
      %dma_start3A_831 = tpu.memref_squeeze %dma_start3A_830 : memref<1x64x128xf32, #tpu.memory_space<vmem>> -> memref<64x128xf32, #tpu.memory_space<vmem>>
      %dma_start3A_832 = arith.constant 0 : i32
      %dma_start3A_833 = tpu.memref_slice %arg4[%add3A_826, %dma_start3A_832] : memref<819200x128xf32, #tpu.memory_space<hbm>> -> memref<64x128xf32, #tpu.memory_space<hbm>>
      %dma_start3A_834 = arith.constant 0 : i32
      %dma_start3A_835 = tpu.memref_slice %arg4[%add3A_826, %dma_start3A_834] : memref<819200x128xf32, #tpu.memory_space<hbm>> -> memref<64x128xf32, #tpu.memory_space<hbm>>
      %dma_start3A_836 = arith.constant 0 : i32
      %dma_start3A_837 = arith.constant 0 : i32
      %dma_start3A_838 = tpu.memref_slice %arg6[%dma_start3A_827, %dma_start3A_836, %dma_start3A_837] : memref<12x64x128xf32, #tpu.memory_space<vmem>> -> memref<1x64x128xf32, #tpu.memory_space<vmem>>
      %dma_start3A_839 = tpu.memref_squeeze %dma_start3A_838 : memref<1x64x128xf32, #tpu.memory_space<vmem>> -> memref<64x128xf32, #tpu.memory_space<vmem>>
      tpu.enqueue_dma source(%dma_start3A_839 : memref<64x128xf32, #tpu.memory_space<vmem>>) target(%dma_start3A_835 : memref<64x128xf32, #tpu.memory_space<hbm>>) target_semaphore(%arg25 : memref<!tpu.dma_semaphore, #tpu.memory_space<semaphore_mem>>)
      %sub3A = arith.constant 6 : i32
      %sub3A_840 = arith.subi %add3A_812, %sub3A : i32
      %mul3A_841 = arith.constant 64 : i32
      %mul3A_842 = arith.muli %sub3A_840, %mul3A_841 : i32
      %add3A_843 = arith.addi %mul3A_2, %mul3A_842 : i32
      %dma_wait3A_844 = arith.constant 0 : i32
      %dma_wait3A_845 = arith.constant 0 : i32
      %dma_wait3A_846 = arith.constant 0 : i32
      %dma_wait3A_847 = tpu.memref_slice %arg6[%dma_wait3A_844, %dma_wait3A_845, %dma_wait3A_846] : memref<12x64x128xf32, #tpu.memory_space<vmem>> -> memref<1x64x128xf32, #tpu.memory_space<vmem>>
      %dma_wait3A_848 = tpu.memref_squeeze %dma_wait3A_847 : memref<1x64x128xf32, #tpu.memory_space<vmem>> -> memref<64x128xf32, #tpu.memory_space<vmem>>
      %dma_wait3A_849 = arith.constant 0 : i32
      %dma_wait3A_850 = tpu.memref_slice %arg4[%add3A_843, %dma_wait3A_849] : memref<819200x128xf32, #tpu.memory_space<hbm>> -> memref<64x128xf32, #tpu.memory_space<hbm>>
      %dma_wait3A_851 = arith.constant 0 : i32
      %dma_wait3A_852 = tpu.memref_slice %arg4[%add3A_843, %dma_wait3A_851] : memref<819200x128xf32, #tpu.memory_space<hbm>> -> memref<64x128xf32, #tpu.memory_space<hbm>>
      %dma_wait3A_853 = arith.constant 0 : i32
      %dma_wait3A_854 = arith.constant 0 : i32
      %dma_wait3A_855 = tpu.memref_slice %arg6[%dma_wait3A_844, %dma_wait3A_853, %dma_wait3A_854] : memref<12x64x128xf32, #tpu.memory_space<vmem>> -> memref<1x64x128xf32, #tpu.memory_space<vmem>>
      %dma_wait3A_856 = tpu.memref_squeeze %dma_wait3A_855 : memref<1x64x128xf32, #tpu.memory_space<vmem>> -> memref<64x128xf32, #tpu.memory_space<vmem>>
      tpu.wait_dma2 semaphore(%arg19 : memref<!tpu.dma_semaphore, #tpu.memory_space<semaphore_mem>>) src(%dma_wait3A_856 : memref<64x128xf32, #tpu.memory_space<vmem>>) dst(%dma_wait3A_852 : memref<64x128xf32, #tpu.memory_space<hbm>>)
      %add3A_857 = arith.constant 6 : i32
      %add3A_858 = arith.addi %add3A_812, %add3A_857 : i32
      %mul3A_859 = arith.constant 64 : i32
      %mul3A_860 = arith.muli %add3A_858, %mul3A_859 : i32
      %dma_start3A_861 = arith.constant 0 : i32
      %dma_start3A_862 = arith.constant 0 : i32
      %dma_start3A_863 = arith.constant 0 : i32
      %dma_start3A_864 = tpu.memref_slice %arg6[%dma_start3A_861, %dma_start3A_862, %dma_start3A_863] : memref<12x64x128xf32, #tpu.memory_space<vmem>> -> memref<1x64x128xf32, #tpu.memory_space<vmem>>
      %dma_start3A_865 = tpu.memref_squeeze %dma_start3A_864 : memref<1x64x128xf32, #tpu.memory_space<vmem>> -> memref<64x128xf32, #tpu.memory_space<vmem>>
      %dma_start3A_866 = tpu.memref_slice %arg5[%mul3A_860] : memref<25600xi32, #tpu.memory_space<vmem>> -> memref<64xi32, #tpu.memory_space<vmem>>
      %dma_start3A_867 = arith.constant 0 : i32
      %dma_start3A_868 = arith.constant 0 : i32
      %dma_start3A_869 = tpu.memref_slice %arg3[%dma_start3A_867, %dma_start3A_868] : memref<100000x128xf32, #tpu.memory_space<hbm>> -> memref<100000x128xf32, #tpu.memory_space<hbm>>
      tpu.enqueue_indirect_dma source(%dma_start3A_869 : memref<100000x128xf32, #tpu.memory_space<hbm>>) target(%dma_start3A_865 : memref<64x128xf32, #tpu.memory_space<vmem>>) offsets(%dma_start3A_866 : memref<64xi32, #tpu.memory_space<vmem>>) semaphore(%arg7 : memref<!tpu.dma_semaphore, #tpu.memory_space<semaphore_mem>>)
      %mul3A_870 = arith.constant 12 : i32
      %mul3A_871 = arith.muli %scan3A_806, %mul3A_870 : i32
      %add3A_872 = arith.constant 6 : i32
      %add3A_873 = arith.addi %add3A_872, %mul3A_871 : i32
      %add3A_874 = arith.constant 1 : i32
      %add3A_875 = arith.addi %add3A_873, %add3A_874 : i32
      %mul3A_876 = arith.constant 64 : i32
      %mul3A_877 = arith.muli %add3A_875, %mul3A_876 : i32
      %dma_wait3A_878 = arith.constant 7 : i32
      %dma_wait3A_879 = arith.constant 0 : i32
      %dma_wait3A_880 = arith.constant 0 : i32
      %dma_wait3A_881 = tpu.memref_slice %arg6[%dma_wait3A_878, %dma_wait3A_879, %dma_wait3A_880] : memref<12x64x128xf32, #tpu.memory_space<vmem>> -> memref<1x64x128xf32, #tpu.memory_space<vmem>>
      %dma_wait3A_882 = tpu.memref_squeeze %dma_wait3A_881 : memref<1x64x128xf32, #tpu.memory_space<vmem>> -> memref<64x128xf32, #tpu.memory_space<vmem>>
      %dma_wait3A_883 = tpu.memref_slice %arg5[%mul3A_877] : memref<25600xi32, #tpu.memory_space<vmem>> -> memref<64xi32, #tpu.memory_space<vmem>>
      %dma_wait3A_884 = arith.constant 0 : i32
      %dma_wait3A_885 = arith.constant 0 : i32
      %dma_wait3A_886 = tpu.memref_slice %arg3[%dma_wait3A_884, %dma_wait3A_885] : memref<100000x128xf32, #tpu.memory_space<hbm>> -> memref<100000x128xf32, #tpu.memory_space<hbm>>
      tpu.wait_indirect_dma semaphore(%arg14 : memref<!tpu.dma_semaphore, #tpu.memory_space<semaphore_mem>>) src(%dma_wait3A_886 : memref<100000x128xf32, #tpu.memory_space<hbm>>) dst(%dma_wait3A_882 : memref<64x128xf32, #tpu.memory_space<vmem>>)
      %mul3A_887 = arith.constant 64 : i32
      %mul3A_888 = arith.muli %add3A_875, %mul3A_887 : i32
      %add3A_889 = arith.addi %mul3A_2, %mul3A_888 : i32
      %dma_start3A_890 = arith.constant 7 : i32
      %dma_start3A_891 = arith.constant 0 : i32
      %dma_start3A_892 = arith.constant 0 : i32
      %dma_start3A_893 = tpu.memref_slice %arg6[%dma_start3A_890, %dma_start3A_891, %dma_start3A_892] : memref<12x64x128xf32, #tpu.memory_space<vmem>> -> memref<1x64x128xf32, #tpu.memory_space<vmem>>
      %dma_start3A_894 = tpu.memref_squeeze %dma_start3A_893 : memref<1x64x128xf32, #tpu.memory_space<vmem>> -> memref<64x128xf32, #tpu.memory_space<vmem>>
      %dma_start3A_895 = arith.constant 0 : i32
      %dma_start3A_896 = tpu.memref_slice %arg4[%add3A_889, %dma_start3A_895] : memref<819200x128xf32, #tpu.memory_space<hbm>> -> memref<64x128xf32, #tpu.memory_space<hbm>>
      %dma_start3A_897 = arith.constant 0 : i32
      %dma_start3A_898 = tpu.memref_slice %arg4[%add3A_889, %dma_start3A_897] : memref<819200x128xf32, #tpu.memory_space<hbm>> -> memref<64x128xf32, #tpu.memory_space<hbm>>
      %dma_start3A_899 = arith.constant 0 : i32
      %dma_start3A_900 = arith.constant 0 : i32
      %dma_start3A_901 = tpu.memref_slice %arg6[%dma_start3A_890, %dma_start3A_899, %dma_start3A_900] : memref<12x64x128xf32, #tpu.memory_space<vmem>> -> memref<1x64x128xf32, #tpu.memory_space<vmem>>
      %dma_start3A_902 = tpu.memref_squeeze %dma_start3A_901 : memref<1x64x128xf32, #tpu.memory_space<vmem>> -> memref<64x128xf32, #tpu.memory_space<vmem>>
      tpu.enqueue_dma source(%dma_start3A_902 : memref<64x128xf32, #tpu.memory_space<vmem>>) target(%dma_start3A_898 : memref<64x128xf32, #tpu.memory_space<hbm>>) target_semaphore(%arg26 : memref<!tpu.dma_semaphore, #tpu.memory_space<semaphore_mem>>)
      %sub3A_903 = arith.constant 6 : i32
      %sub3A_904 = arith.subi %add3A_875, %sub3A_903 : i32
      %mul3A_905 = arith.constant 64 : i32
      %mul3A_906 = arith.muli %sub3A_904, %mul3A_905 : i32
      %add3A_907 = arith.addi %mul3A_2, %mul3A_906 : i32
      %dma_wait3A_908 = arith.constant 1 : i32
      %dma_wait3A_909 = arith.constant 0 : i32
      %dma_wait3A_910 = arith.constant 0 : i32
      %dma_wait3A_911 = tpu.memref_slice %arg6[%dma_wait3A_908, %dma_wait3A_909, %dma_wait3A_910] : memref<12x64x128xf32, #tpu.memory_space<vmem>> -> memref<1x64x128xf32, #tpu.memory_space<vmem>>
      %dma_wait3A_912 = tpu.memref_squeeze %dma_wait3A_911 : memref<1x64x128xf32, #tpu.memory_space<vmem>> -> memref<64x128xf32, #tpu.memory_space<vmem>>
      %dma_wait3A_913 = arith.constant 0 : i32
      %dma_wait3A_914 = tpu.memref_slice %arg4[%add3A_907, %dma_wait3A_913] : memref<819200x128xf32, #tpu.memory_space<hbm>> -> memref<64x128xf32, #tpu.memory_space<hbm>>
      %dma_wait3A_915 = arith.constant 0 : i32
      %dma_wait3A_916 = tpu.memref_slice %arg4[%add3A_907, %dma_wait3A_915] : memref<819200x128xf32, #tpu.memory_space<hbm>> -> memref<64x128xf32, #tpu.memory_space<hbm>>
      %dma_wait3A_917 = arith.constant 0 : i32
      %dma_wait3A_918 = arith.constant 0 : i32
      %dma_wait3A_919 = tpu.memref_slice %arg6[%dma_wait3A_908, %dma_wait3A_917, %dma_wait3A_918] : memref<12x64x128xf32, #tpu.memory_space<vmem>> -> memref<1x64x128xf32, #tpu.memory_space<vmem>>
      %dma_wait3A_920 = tpu.memref_squeeze %dma_wait3A_919 : memref<1x64x128xf32, #tpu.memory_space<vmem>> -> memref<64x128xf32, #tpu.memory_space<vmem>>
      tpu.wait_dma2 semaphore(%arg20 : memref<!tpu.dma_semaphore, #tpu.memory_space<semaphore_mem>>) src(%dma_wait3A_920 : memref<64x128xf32, #tpu.memory_space<vmem>>) dst(%dma_wait3A_916 : memref<64x128xf32, #tpu.memory_space<hbm>>)
      %add3A_921 = arith.constant 6 : i32
      %add3A_922 = arith.addi %add3A_875, %add3A_921 : i32
      %mul3A_923 = arith.constant 64 : i32
      %mul3A_924 = arith.muli %add3A_922, %mul3A_923 : i32
      %dma_start3A_925 = arith.constant 1 : i32
      %dma_start3A_926 = arith.constant 0 : i32
      %dma_start3A_927 = arith.constant 0 : i32
      %dma_start3A_928 = tpu.memref_slice %arg6[%dma_start3A_925, %dma_start3A_926, %dma_start3A_927] : memref<12x64x128xf32, #tpu.memory_space<vmem>> -> memref<1x64x128xf32, #tpu.memory_space<vmem>>
      %dma_start3A_929 = tpu.memref_squeeze %dma_start3A_928 : memref<1x64x128xf32, #tpu.memory_space<vmem>> -> memref<64x128xf32, #tpu.memory_space<vmem>>
      %dma_start3A_930 = tpu.memref_slice %arg5[%mul3A_924] : memref<25600xi32, #tpu.memory_space<vmem>> -> memref<64xi32, #tpu.memory_space<vmem>>
      %dma_start3A_931 = arith.constant 0 : i32
      %dma_start3A_932 = arith.constant 0 : i32
      %dma_start3A_933 = tpu.memref_slice %arg3[%dma_start3A_931, %dma_start3A_932] : memref<100000x128xf32, #tpu.memory_space<hbm>> -> memref<100000x128xf32, #tpu.memory_space<hbm>>
      tpu.enqueue_indirect_dma source(%dma_start3A_933 : memref<100000x128xf32, #tpu.memory_space<hbm>>) target(%dma_start3A_929 : memref<64x128xf32, #tpu.memory_space<vmem>>) offsets(%dma_start3A_930 : memref<64xi32, #tpu.memory_space<vmem>>) semaphore(%arg8 : memref<!tpu.dma_semaphore, #tpu.memory_space<semaphore_mem>>)
      %mul3A_934 = arith.constant 12 : i32
      %mul3A_935 = arith.muli %scan3A_806, %mul3A_934 : i32
      %add3A_936 = arith.constant 6 : i32
      %add3A_937 = arith.addi %add3A_936, %mul3A_935 : i32
      %add3A_938 = arith.constant 2 : i32
      %add3A_939 = arith.addi %add3A_937, %add3A_938 : i32
      %mul3A_940 = arith.constant 64 : i32
      %mul3A_941 = arith.muli %add3A_939, %mul3A_940 : i32
      %dma_wait3A_942 = arith.constant 8 : i32
      %dma_wait3A_943 = arith.constant 0 : i32
      %dma_wait3A_944 = arith.constant 0 : i32
      %dma_wait3A_945 = tpu.memref_slice %arg6[%dma_wait3A_942, %dma_wait3A_943, %dma_wait3A_944] : memref<12x64x128xf32, #tpu.memory_space<vmem>> -> memref<1x64x128xf32, #tpu.memory_space<vmem>>
      %dma_wait3A_946 = tpu.memref_squeeze %dma_wait3A_945 : memref<1x64x128xf32, #tpu.memory_space<vmem>> -> memref<64x128xf32, #tpu.memory_space<vmem>>
      %dma_wait3A_947 = tpu.memref_slice %arg5[%mul3A_941] : memref<25600xi32, #tpu.memory_space<vmem>> -> memref<64xi32, #tpu.memory_space<vmem>>
      %dma_wait3A_948 = arith.constant 0 : i32
      %dma_wait3A_949 = arith.constant 0 : i32
      %dma_wait3A_950 = tpu.memref_slice %arg3[%dma_wait3A_948, %dma_wait3A_949] : memref<100000x128xf32, #tpu.memory_space<hbm>> -> memref<100000x128xf32, #tpu.memory_space<hbm>>
      tpu.wait_indirect_dma semaphore(%arg15 : memref<!tpu.dma_semaphore, #tpu.memory_space<semaphore_mem>>) src(%dma_wait3A_950 : memref<100000x128xf32, #tpu.memory_space<hbm>>) dst(%dma_wait3A_946 : memref<64x128xf32, #tpu.memory_space<vmem>>)
      %mul3A_951 = arith.constant 64 : i32
      %mul3A_952 = arith.muli %add3A_939, %mul3A_951 : i32
      %add3A_953 = arith.addi %mul3A_2, %mul3A_952 : i32
      %dma_start3A_954 = arith.constant 8 : i32
      %dma_start3A_955 = arith.constant 0 : i32
      %dma_start3A_956 = arith.constant 0 : i32
      %dma_start3A_957 = tpu.memref_slice %arg6[%dma_start3A_954, %dma_start3A_955, %dma_start3A_956] : memref<12x64x128xf32, #tpu.memory_space<vmem>> -> memref<1x64x128xf32, #tpu.memory_space<vmem>>
      %dma_start3A_958 = tpu.memref_squeeze %dma_start3A_957 : memref<1x64x128xf32, #tpu.memory_space<vmem>> -> memref<64x128xf32, #tpu.memory_space<vmem>>
      %dma_start3A_959 = arith.constant 0 : i32
      %dma_start3A_960 = tpu.memref_slice %arg4[%add3A_953, %dma_start3A_959] : memref<819200x128xf32, #tpu.memory_space<hbm>> -> memref<64x128xf32, #tpu.memory_space<hbm>>
      %dma_start3A_961 = arith.constant 0 : i32
      %dma_start3A_962 = tpu.memref_slice %arg4[%add3A_953, %dma_start3A_961] : memref<819200x128xf32, #tpu.memory_space<hbm>> -> memref<64x128xf32, #tpu.memory_space<hbm>>
      %dma_start3A_963 = arith.constant 0 : i32
      %dma_start3A_964 = arith.constant 0 : i32
      %dma_start3A_965 = tpu.memref_slice %arg6[%dma_start3A_954, %dma_start3A_963, %dma_start3A_964] : memref<12x64x128xf32, #tpu.memory_space<vmem>> -> memref<1x64x128xf32, #tpu.memory_space<vmem>>
      %dma_start3A_966 = tpu.memref_squeeze %dma_start3A_965 : memref<1x64x128xf32, #tpu.memory_space<vmem>> -> memref<64x128xf32, #tpu.memory_space<vmem>>
      tpu.enqueue_dma source(%dma_start3A_966 : memref<64x128xf32, #tpu.memory_space<vmem>>) target(%dma_start3A_962 : memref<64x128xf32, #tpu.memory_space<hbm>>) target_semaphore(%arg27 : memref<!tpu.dma_semaphore, #tpu.memory_space<semaphore_mem>>)
      %sub3A_967 = arith.constant 6 : i32
      %sub3A_968 = arith.subi %add3A_939, %sub3A_967 : i32
      %mul3A_969 = arith.constant 64 : i32
      %mul3A_970 = arith.muli %sub3A_968, %mul3A_969 : i32
      %add3A_971 = arith.addi %mul3A_2, %mul3A_970 : i32
      %dma_wait3A_972 = arith.constant 2 : i32
      %dma_wait3A_973 = arith.constant 0 : i32
      %dma_wait3A_974 = arith.constant 0 : i32
      %dma_wait3A_975 = tpu.memref_slice %arg6[%dma_wait3A_972, %dma_wait3A_973, %dma_wait3A_974] : memref<12x64x128xf32, #tpu.memory_space<vmem>> -> memref<1x64x128xf32, #tpu.memory_space<vmem>>
      %dma_wait3A_976 = tpu.memref_squeeze %dma_wait3A_975 : memref<1x64x128xf32, #tpu.memory_space<vmem>> -> memref<64x128xf32, #tpu.memory_space<vmem>>
      %dma_wait3A_977 = arith.constant 0 : i32
      %dma_wait3A_978 = tpu.memref_slice %arg4[%add3A_971, %dma_wait3A_977] : memref<819200x128xf32, #tpu.memory_space<hbm>> -> memref<64x128xf32, #tpu.memory_space<hbm>>
      %dma_wait3A_979 = arith.constant 0 : i32
      %dma_wait3A_980 = tpu.memref_slice %arg4[%add3A_971, %dma_wait3A_979] : memref<819200x128xf32, #tpu.memory_space<hbm>> -> memref<64x128xf32, #tpu.memory_space<hbm>>
      %dma_wait3A_981 = arith.constant 0 : i32
      %dma_wait3A_982 = arith.constant 0 : i32
      %dma_wait3A_983 = tpu.memref_slice %arg6[%dma_wait3A_972, %dma_wait3A_981, %dma_wait3A_982] : memref<12x64x128xf32, #tpu.memory_space<vmem>> -> memref<1x64x128xf32, #tpu.memory_space<vmem>>
      %dma_wait3A_984 = tpu.memref_squeeze %dma_wait3A_983 : memref<1x64x128xf32, #tpu.memory_space<vmem>> -> memref<64x128xf32, #tpu.memory_space<vmem>>
      tpu.wait_dma2 semaphore(%arg21 : memref<!tpu.dma_semaphore, #tpu.memory_space<semaphore_mem>>) src(%dma_wait3A_984 : memref<64x128xf32, #tpu.memory_space<vmem>>) dst(%dma_wait3A_980 : memref<64x128xf32, #tpu.memory_space<hbm>>)
      %add3A_985 = arith.constant 6 : i32
      %add3A_986 = arith.addi %add3A_939, %add3A_985 : i32
      %mul3A_987 = arith.constant 64 : i32
      %mul3A_988 = arith.muli %add3A_986, %mul3A_987 : i32
      %dma_start3A_989 = arith.constant 2 : i32
      %dma_start3A_990 = arith.constant 0 : i32
      %dma_start3A_991 = arith.constant 0 : i32
      %dma_start3A_992 = tpu.memref_slice %arg6[%dma_start3A_989, %dma_start3A_990, %dma_start3A_991] : memref<12x64x128xf32, #tpu.memory_space<vmem>> -> memref<1x64x128xf32, #tpu.memory_space<vmem>>
      %dma_start3A_993 = tpu.memref_squeeze %dma_start3A_992 : memref<1x64x128xf32, #tpu.memory_space<vmem>> -> memref<64x128xf32, #tpu.memory_space<vmem>>
      %dma_start3A_994 = tpu.memref_slice %arg5[%mul3A_988] : memref<25600xi32, #tpu.memory_space<vmem>> -> memref<64xi32, #tpu.memory_space<vmem>>
      %dma_start3A_995 = arith.constant 0 : i32
      %dma_start3A_996 = arith.constant 0 : i32
      %dma_start3A_997 = tpu.memref_slice %arg3[%dma_start3A_995, %dma_start3A_996] : memref<100000x128xf32, #tpu.memory_space<hbm>> -> memref<100000x128xf32, #tpu.memory_space<hbm>>
      tpu.enqueue_indirect_dma source(%dma_start3A_997 : memref<100000x128xf32, #tpu.memory_space<hbm>>) target(%dma_start3A_993 : memref<64x128xf32, #tpu.memory_space<vmem>>) offsets(%dma_start3A_994 : memref<64xi32, #tpu.memory_space<vmem>>) semaphore(%arg9 : memref<!tpu.dma_semaphore, #tpu.memory_space<semaphore_mem>>)
      %mul3A_998 = arith.constant 12 : i32
      %mul3A_999 = arith.muli %scan3A_806, %mul3A_998 : i32
      %add3A_1000 = arith.constant 6 : i32
      %add3A_1001 = arith.addi %add3A_1000, %mul3A_999 : i32
      %add3A_1002 = arith.constant 3 : i32
      %add3A_1003 = arith.addi %add3A_1001, %add3A_1002 : i32
      %mul3A_1004 = arith.constant 64 : i32
      %mul3A_1005 = arith.muli %add3A_1003, %mul3A_1004 : i32
      %dma_wait3A_1006 = arith.constant 9 : i32
      %dma_wait3A_1007 = arith.constant 0 : i32
      %dma_wait3A_1008 = arith.constant 0 : i32
      %dma_wait3A_1009 = tpu.memref_slice %arg6[%dma_wait3A_1006, %dma_wait3A_1007, %dma_wait3A_1008] : memref<12x64x128xf32, #tpu.memory_space<vmem>> -> memref<1x64x128xf32, #tpu.memory_space<vmem>>
      %dma_wait3A_1010 = tpu.memref_squeeze %dma_wait3A_1009 : memref<1x64x128xf32, #tpu.memory_space<vmem>> -> memref<64x128xf32, #tpu.memory_space<vmem>>
      %dma_wait3A_1011 = tpu.memref_slice %arg5[%mul3A_1005] : memref<25600xi32, #tpu.memory_space<vmem>> -> memref<64xi32, #tpu.memory_space<vmem>>
      %dma_wait3A_1012 = arith.constant 0 : i32
      %dma_wait3A_1013 = arith.constant 0 : i32
      %dma_wait3A_1014 = tpu.memref_slice %arg3[%dma_wait3A_1012, %dma_wait3A_1013] : memref<100000x128xf32, #tpu.memory_space<hbm>> -> memref<100000x128xf32, #tpu.memory_space<hbm>>
      tpu.wait_indirect_dma semaphore(%arg16 : memref<!tpu.dma_semaphore, #tpu.memory_space<semaphore_mem>>) src(%dma_wait3A_1014 : memref<100000x128xf32, #tpu.memory_space<hbm>>) dst(%dma_wait3A_1010 : memref<64x128xf32, #tpu.memory_space<vmem>>)
      %mul3A_1015 = arith.constant 64 : i32
      %mul3A_1016 = arith.muli %add3A_1003, %mul3A_1015 : i32
      %add3A_1017 = arith.addi %mul3A_2, %mul3A_1016 : i32
      %dma_start3A_1018 = arith.constant 9 : i32
      %dma_start3A_1019 = arith.constant 0 : i32
      %dma_start3A_1020 = arith.constant 0 : i32
      %dma_start3A_1021 = tpu.memref_slice %arg6[%dma_start3A_1018, %dma_start3A_1019, %dma_start3A_1020] : memref<12x64x128xf32, #tpu.memory_space<vmem>> -> memref<1x64x128xf32, #tpu.memory_space<vmem>>
      %dma_start3A_1022 = tpu.memref_squeeze %dma_start3A_1021 : memref<1x64x128xf32, #tpu.memory_space<vmem>> -> memref<64x128xf32, #tpu.memory_space<vmem>>
      %dma_start3A_1023 = arith.constant 0 : i32
      %dma_start3A_1024 = tpu.memref_slice %arg4[%add3A_1017, %dma_start3A_1023] : memref<819200x128xf32, #tpu.memory_space<hbm>> -> memref<64x128xf32, #tpu.memory_space<hbm>>
      %dma_start3A_1025 = arith.constant 0 : i32
      %dma_start3A_1026 = tpu.memref_slice %arg4[%add3A_1017, %dma_start3A_1025] : memref<819200x128xf32, #tpu.memory_space<hbm>> -> memref<64x128xf32, #tpu.memory_space<hbm>>
      %dma_start3A_1027 = arith.constant 0 : i32
      %dma_start3A_1028 = arith.constant 0 : i32
      %dma_start3A_1029 = tpu.memref_slice %arg6[%dma_start3A_1018, %dma_start3A_1027, %dma_start3A_1028] : memref<12x64x128xf32, #tpu.memory_space<vmem>> -> memref<1x64x128xf32, #tpu.memory_space<vmem>>
      %dma_start3A_1030 = tpu.memref_squeeze %dma_start3A_1029 : memref<1x64x128xf32, #tpu.memory_space<vmem>> -> memref<64x128xf32, #tpu.memory_space<vmem>>
      tpu.enqueue_dma source(%dma_start3A_1030 : memref<64x128xf32, #tpu.memory_space<vmem>>) target(%dma_start3A_1026 : memref<64x128xf32, #tpu.memory_space<hbm>>) target_semaphore(%arg28 : memref<!tpu.dma_semaphore, #tpu.memory_space<semaphore_mem>>)
      %sub3A_1031 = arith.constant 6 : i32
      %sub3A_1032 = arith.subi %add3A_1003, %sub3A_1031 : i32
      %mul3A_1033 = arith.constant 64 : i32
      %mul3A_1034 = arith.muli %sub3A_1032, %mul3A_1033 : i32
      %add3A_1035 = arith.addi %mul3A_2, %mul3A_1034 : i32
      %dma_wait3A_1036 = arith.constant 3 : i32
      %dma_wait3A_1037 = arith.constant 0 : i32
      %dma_wait3A_1038 = arith.constant 0 : i32
      %dma_wait3A_1039 = tpu.memref_slice %arg6[%dma_wait3A_1036, %dma_wait3A_1037, %dma_wait3A_1038] : memref<12x64x128xf32, #tpu.memory_space<vmem>> -> memref<1x64x128xf32, #tpu.memory_space<vmem>>
      %dma_wait3A_1040 = tpu.memref_squeeze %dma_wait3A_1039 : memref<1x64x128xf32, #tpu.memory_space<vmem>> -> memref<64x128xf32, #tpu.memory_space<vmem>>
      %dma_wait3A_1041 = arith.constant 0 : i32
      %dma_wait3A_1042 = tpu.memref_slice %arg4[%add3A_1035, %dma_wait3A_1041] : memref<819200x128xf32, #tpu.memory_space<hbm>> -> memref<64x128xf32, #tpu.memory_space<hbm>>
      %dma_wait3A_1043 = arith.constant 0 : i32
      %dma_wait3A_1044 = tpu.memref_slice %arg4[%add3A_1035, %dma_wait3A_1043] : memref<819200x128xf32, #tpu.memory_space<hbm>> -> memref<64x128xf32, #tpu.memory_space<hbm>>
      %dma_wait3A_1045 = arith.constant 0 : i32
      %dma_wait3A_1046 = arith.constant 0 : i32
      %dma_wait3A_1047 = tpu.memref_slice %arg6[%dma_wait3A_1036, %dma_wait3A_1045, %dma_wait3A_1046] : memref<12x64x128xf32, #tpu.memory_space<vmem>> -> memref<1x64x128xf32, #tpu.memory_space<vmem>>
      %dma_wait3A_1048 = tpu.memref_squeeze %dma_wait3A_1047 : memref<1x64x128xf32, #tpu.memory_space<vmem>> -> memref<64x128xf32, #tpu.memory_space<vmem>>
      tpu.wait_dma2 semaphore(%arg22 : memref<!tpu.dma_semaphore, #tpu.memory_space<semaphore_mem>>) src(%dma_wait3A_1048 : memref<64x128xf32, #tpu.memory_space<vmem>>) dst(%dma_wait3A_1044 : memref<64x128xf32, #tpu.memory_space<hbm>>)
      %add3A_1049 = arith.constant 6 : i32
      %add3A_1050 = arith.addi %add3A_1003, %add3A_1049 : i32
      %mul3A_1051 = arith.constant 64 : i32
      %mul3A_1052 = arith.muli %add3A_1050, %mul3A_1051 : i32
      %dma_start3A_1053 = arith.constant 3 : i32
      %dma_start3A_1054 = arith.constant 0 : i32
      %dma_start3A_1055 = arith.constant 0 : i32
      %dma_start3A_1056 = tpu.memref_slice %arg6[%dma_start3A_1053, %dma_start3A_1054, %dma_start3A_1055] : memref<12x64x128xf32, #tpu.memory_space<vmem>> -> memref<1x64x128xf32, #tpu.memory_space<vmem>>
      %dma_start3A_1057 = tpu.memref_squeeze %dma_start3A_1056 : memref<1x64x128xf32, #tpu.memory_space<vmem>> -> memref<64x128xf32, #tpu.memory_space<vmem>>
      %dma_start3A_1058 = tpu.memref_slice %arg5[%mul3A_1052] : memref<25600xi32, #tpu.memory_space<vmem>> -> memref<64xi32, #tpu.memory_space<vmem>>
      %dma_start3A_1059 = arith.constant 0 : i32
      %dma_start3A_1060 = arith.constant 0 : i32
      %dma_start3A_1061 = tpu.memref_slice %arg3[%dma_start3A_1059, %dma_start3A_1060] : memref<100000x128xf32, #tpu.memory_space<hbm>> -> memref<100000x128xf32, #tpu.memory_space<hbm>>
      tpu.enqueue_indirect_dma source(%dma_start3A_1061 : memref<100000x128xf32, #tpu.memory_space<hbm>>) target(%dma_start3A_1057 : memref<64x128xf32, #tpu.memory_space<vmem>>) offsets(%dma_start3A_1058 : memref<64xi32, #tpu.memory_space<vmem>>) semaphore(%arg10 : memref<!tpu.dma_semaphore, #tpu.memory_space<semaphore_mem>>)
      %mul3A_1062 = arith.constant 12 : i32
      %mul3A_1063 = arith.muli %scan3A_806, %mul3A_1062 : i32
      %add3A_1064 = arith.constant 6 : i32
      %add3A_1065 = arith.addi %add3A_1064, %mul3A_1063 : i32
      %add3A_1066 = arith.constant 4 : i32
      %add3A_1067 = arith.addi %add3A_1065, %add3A_1066 : i32
      %mul3A_1068 = arith.constant 64 : i32
      %mul3A_1069 = arith.muli %add3A_1067, %mul3A_1068 : i32
      %dma_wait3A_1070 = arith.constant 10 : i32
      %dma_wait3A_1071 = arith.constant 0 : i32
      %dma_wait3A_1072 = arith.constant 0 : i32
      %dma_wait3A_1073 = tpu.memref_slice %arg6[%dma_wait3A_1070, %dma_wait3A_1071, %dma_wait3A_1072] : memref<12x64x128xf32, #tpu.memory_space<vmem>> -> memref<1x64x128xf32, #tpu.memory_space<vmem>>
      %dma_wait3A_1074 = tpu.memref_squeeze %dma_wait3A_1073 : memref<1x64x128xf32, #tpu.memory_space<vmem>> -> memref<64x128xf32, #tpu.memory_space<vmem>>
      %dma_wait3A_1075 = tpu.memref_slice %arg5[%mul3A_1069] : memref<25600xi32, #tpu.memory_space<vmem>> -> memref<64xi32, #tpu.memory_space<vmem>>
      %dma_wait3A_1076 = arith.constant 0 : i32
      %dma_wait3A_1077 = arith.constant 0 : i32
      %dma_wait3A_1078 = tpu.memref_slice %arg3[%dma_wait3A_1076, %dma_wait3A_1077] : memref<100000x128xf32, #tpu.memory_space<hbm>> -> memref<100000x128xf32, #tpu.memory_space<hbm>>
      tpu.wait_indirect_dma semaphore(%arg17 : memref<!tpu.dma_semaphore, #tpu.memory_space<semaphore_mem>>) src(%dma_wait3A_1078 : memref<100000x128xf32, #tpu.memory_space<hbm>>) dst(%dma_wait3A_1074 : memref<64x128xf32, #tpu.memory_space<vmem>>)
      %mul3A_1079 = arith.constant 64 : i32
      %mul3A_1080 = arith.muli %add3A_1067, %mul3A_1079 : i32
      %add3A_1081 = arith.addi %mul3A_2, %mul3A_1080 : i32
      %dma_start3A_1082 = arith.constant 10 : i32
      %dma_start3A_1083 = arith.constant 0 : i32
      %dma_start3A_1084 = arith.constant 0 : i32
      %dma_start3A_1085 = tpu.memref_slice %arg6[%dma_start3A_1082, %dma_start3A_1083, %dma_start3A_1084] : memref<12x64x128xf32, #tpu.memory_space<vmem>> -> memref<1x64x128xf32, #tpu.memory_space<vmem>>
      %dma_start3A_1086 = tpu.memref_squeeze %dma_start3A_1085 : memref<1x64x128xf32, #tpu.memory_space<vmem>> -> memref<64x128xf32, #tpu.memory_space<vmem>>
      %dma_start3A_1087 = arith.constant 0 : i32
      %dma_start3A_1088 = tpu.memref_slice %arg4[%add3A_1081, %dma_start3A_1087] : memref<819200x128xf32, #tpu.memory_space<hbm>> -> memref<64x128xf32, #tpu.memory_space<hbm>>
      %dma_start3A_1089 = arith.constant 0 : i32
      %dma_start3A_1090 = tpu.memref_slice %arg4[%add3A_1081, %dma_start3A_1089] : memref<819200x128xf32, #tpu.memory_space<hbm>> -> memref<64x128xf32, #tpu.memory_space<hbm>>
      %dma_start3A_1091 = arith.constant 0 : i32
      %dma_start3A_1092 = arith.constant 0 : i32
      %dma_start3A_1093 = tpu.memref_slice %arg6[%dma_start3A_1082, %dma_start3A_1091, %dma_start3A_1092] : memref<12x64x128xf32, #tpu.memory_space<vmem>> -> memref<1x64x128xf32, #tpu.memory_space<vmem>>
      %dma_start3A_1094 = tpu.memref_squeeze %dma_start3A_1093 : memref<1x64x128xf32, #tpu.memory_space<vmem>> -> memref<64x128xf32, #tpu.memory_space<vmem>>
      tpu.enqueue_dma source(%dma_start3A_1094 : memref<64x128xf32, #tpu.memory_space<vmem>>) target(%dma_start3A_1090 : memref<64x128xf32, #tpu.memory_space<hbm>>) target_semaphore(%arg29 : memref<!tpu.dma_semaphore, #tpu.memory_space<semaphore_mem>>)
      %sub3A_1095 = arith.constant 6 : i32
      %sub3A_1096 = arith.subi %add3A_1067, %sub3A_1095 : i32
      %mul3A_1097 = arith.constant 64 : i32
      %mul3A_1098 = arith.muli %sub3A_1096, %mul3A_1097 : i32
      %add3A_1099 = arith.addi %mul3A_2, %mul3A_1098 : i32
      %dma_wait3A_1100 = arith.constant 4 : i32
      %dma_wait3A_1101 = arith.constant 0 : i32
      %dma_wait3A_1102 = arith.constant 0 : i32
      %dma_wait3A_1103 = tpu.memref_slice %arg6[%dma_wait3A_1100, %dma_wait3A_1101, %dma_wait3A_1102] : memref<12x64x128xf32, #tpu.memory_space<vmem>> -> memref<1x64x128xf32, #tpu.memory_space<vmem>>
      %dma_wait3A_1104 = tpu.memref_squeeze %dma_wait3A_1103 : memref<1x64x128xf32, #tpu.memory_space<vmem>> -> memref<64x128xf32, #tpu.memory_space<vmem>>
      %dma_wait3A_1105 = arith.constant 0 : i32
      %dma_wait3A_1106 = tpu.memref_slice %arg4[%add3A_1099, %dma_wait3A_1105] : memref<819200x128xf32, #tpu.memory_space<hbm>> -> memref<64x128xf32, #tpu.memory_space<hbm>>
      %dma_wait3A_1107 = arith.constant 0 : i32
      %dma_wait3A_1108 = tpu.memref_slice %arg4[%add3A_1099, %dma_wait3A_1107] : memref<819200x128xf32, #tpu.memory_space<hbm>> -> memref<64x128xf32, #tpu.memory_space<hbm>>
      %dma_wait3A_1109 = arith.constant 0 : i32
      %dma_wait3A_1110 = arith.constant 0 : i32
      %dma_wait3A_1111 = tpu.memref_slice %arg6[%dma_wait3A_1100, %dma_wait3A_1109, %dma_wait3A_1110] : memref<12x64x128xf32, #tpu.memory_space<vmem>> -> memref<1x64x128xf32, #tpu.memory_space<vmem>>
      %dma_wait3A_1112 = tpu.memref_squeeze %dma_wait3A_1111 : memref<1x64x128xf32, #tpu.memory_space<vmem>> -> memref<64x128xf32, #tpu.memory_space<vmem>>
      tpu.wait_dma2 semaphore(%arg23 : memref<!tpu.dma_semaphore, #tpu.memory_space<semaphore_mem>>) src(%dma_wait3A_1112 : memref<64x128xf32, #tpu.memory_space<vmem>>) dst(%dma_wait3A_1108 : memref<64x128xf32, #tpu.memory_space<hbm>>)
      %add3A_1113 = arith.constant 6 : i32
      %add3A_1114 = arith.addi %add3A_1067, %add3A_1113 : i32
      %mul3A_1115 = arith.constant 64 : i32
      %mul3A_1116 = arith.muli %add3A_1114, %mul3A_1115 : i32
      %dma_start3A_1117 = arith.constant 4 : i32
      %dma_start3A_1118 = arith.constant 0 : i32
      %dma_start3A_1119 = arith.constant 0 : i32
      %dma_start3A_1120 = tpu.memref_slice %arg6[%dma_start3A_1117, %dma_start3A_1118, %dma_start3A_1119] : memref<12x64x128xf32, #tpu.memory_space<vmem>> -> memref<1x64x128xf32, #tpu.memory_space<vmem>>
      %dma_start3A_1121 = tpu.memref_squeeze %dma_start3A_1120 : memref<1x64x128xf32, #tpu.memory_space<vmem>> -> memref<64x128xf32, #tpu.memory_space<vmem>>
      %dma_start3A_1122 = tpu.memref_slice %arg5[%mul3A_1116] : memref<25600xi32, #tpu.memory_space<vmem>> -> memref<64xi32, #tpu.memory_space<vmem>>
      %dma_start3A_1123 = arith.constant 0 : i32
      %dma_start3A_1124 = arith.constant 0 : i32
      %dma_start3A_1125 = tpu.memref_slice %arg3[%dma_start3A_1123, %dma_start3A_1124] : memref<100000x128xf32, #tpu.memory_space<hbm>> -> memref<100000x128xf32, #tpu.memory_space<hbm>>
      tpu.enqueue_indirect_dma source(%dma_start3A_1125 : memref<100000x128xf32, #tpu.memory_space<hbm>>) target(%dma_start3A_1121 : memref<64x128xf32, #tpu.memory_space<vmem>>) offsets(%dma_start3A_1122 : memref<64xi32, #tpu.memory_space<vmem>>) semaphore(%arg11 : memref<!tpu.dma_semaphore, #tpu.memory_space<semaphore_mem>>)
      %mul3A_1126 = arith.constant 12 : i32
      %mul3A_1127 = arith.muli %scan3A_806, %mul3A_1126 : i32
      %add3A_1128 = arith.constant 6 : i32
      %add3A_1129 = arith.addi %add3A_1128, %mul3A_1127 : i32
      %add3A_1130 = arith.constant 5 : i32
      %add3A_1131 = arith.addi %add3A_1129, %add3A_1130 : i32
      %mul3A_1132 = arith.constant 64 : i32
      %mul3A_1133 = arith.muli %add3A_1131, %mul3A_1132 : i32
      %dma_wait3A_1134 = arith.constant 11 : i32
      %dma_wait3A_1135 = arith.constant 0 : i32
      %dma_wait3A_1136 = arith.constant 0 : i32
      %dma_wait3A_1137 = tpu.memref_slice %arg6[%dma_wait3A_1134, %dma_wait3A_1135, %dma_wait3A_1136] : memref<12x64x128xf32, #tpu.memory_space<vmem>> -> memref<1x64x128xf32, #tpu.memory_space<vmem>>
      %dma_wait3A_1138 = tpu.memref_squeeze %dma_wait3A_1137 : memref<1x64x128xf32, #tpu.memory_space<vmem>> -> memref<64x128xf32, #tpu.memory_space<vmem>>
      %dma_wait3A_1139 = tpu.memref_slice %arg5[%mul3A_1133] : memref<25600xi32, #tpu.memory_space<vmem>> -> memref<64xi32, #tpu.memory_space<vmem>>
      %dma_wait3A_1140 = arith.constant 0 : i32
      %dma_wait3A_1141 = arith.constant 0 : i32
      %dma_wait3A_1142 = tpu.memref_slice %arg3[%dma_wait3A_1140, %dma_wait3A_1141] : memref<100000x128xf32, #tpu.memory_space<hbm>> -> memref<100000x128xf32, #tpu.memory_space<hbm>>
      tpu.wait_indirect_dma semaphore(%arg18 : memref<!tpu.dma_semaphore, #tpu.memory_space<semaphore_mem>>) src(%dma_wait3A_1142 : memref<100000x128xf32, #tpu.memory_space<hbm>>) dst(%dma_wait3A_1138 : memref<64x128xf32, #tpu.memory_space<vmem>>)
      %mul3A_1143 = arith.constant 64 : i32
      %mul3A_1144 = arith.muli %add3A_1131, %mul3A_1143 : i32
      %add3A_1145 = arith.addi %mul3A_2, %mul3A_1144 : i32
      %dma_start3A_1146 = arith.constant 11 : i32
      %dma_start3A_1147 = arith.constant 0 : i32
      %dma_start3A_1148 = arith.constant 0 : i32
      %dma_start3A_1149 = tpu.memref_slice %arg6[%dma_start3A_1146, %dma_start3A_1147, %dma_start3A_1148] : memref<12x64x128xf32, #tpu.memory_space<vmem>> -> memref<1x64x128xf32, #tpu.memory_space<vmem>>
      %dma_start3A_1150 = tpu.memref_squeeze %dma_start3A_1149 : memref<1x64x128xf32, #tpu.memory_space<vmem>> -> memref<64x128xf32, #tpu.memory_space<vmem>>
      %dma_start3A_1151 = arith.constant 0 : i32
      %dma_start3A_1152 = tpu.memref_slice %arg4[%add3A_1145, %dma_start3A_1151] : memref<819200x128xf32, #tpu.memory_space<hbm>> -> memref<64x128xf32, #tpu.memory_space<hbm>>
      %dma_start3A_1153 = arith.constant 0 : i32
      %dma_start3A_1154 = tpu.memref_slice %arg4[%add3A_1145, %dma_start3A_1153] : memref<819200x128xf32, #tpu.memory_space<hbm>> -> memref<64x128xf32, #tpu.memory_space<hbm>>
      %dma_start3A_1155 = arith.constant 0 : i32
      %dma_start3A_1156 = arith.constant 0 : i32
      %dma_start3A_1157 = tpu.memref_slice %arg6[%dma_start3A_1146, %dma_start3A_1155, %dma_start3A_1156] : memref<12x64x128xf32, #tpu.memory_space<vmem>> -> memref<1x64x128xf32, #tpu.memory_space<vmem>>
      %dma_start3A_1158 = tpu.memref_squeeze %dma_start3A_1157 : memref<1x64x128xf32, #tpu.memory_space<vmem>> -> memref<64x128xf32, #tpu.memory_space<vmem>>
      tpu.enqueue_dma source(%dma_start3A_1158 : memref<64x128xf32, #tpu.memory_space<vmem>>) target(%dma_start3A_1154 : memref<64x128xf32, #tpu.memory_space<hbm>>) target_semaphore(%arg30 : memref<!tpu.dma_semaphore, #tpu.memory_space<semaphore_mem>>)
      %sub3A_1159 = arith.constant 6 : i32
      %sub3A_1160 = arith.subi %add3A_1131, %sub3A_1159 : i32
      %mul3A_1161 = arith.constant 64 : i32
      %mul3A_1162 = arith.muli %sub3A_1160, %mul3A_1161 : i32
      %add3A_1163 = arith.addi %mul3A_2, %mul3A_1162 : i32
      %dma_wait3A_1164 = arith.constant 5 : i32
      %dma_wait3A_1165 = arith.constant 0 : i32
      %dma_wait3A_1166 = arith.constant 0 : i32
      %dma_wait3A_1167 = tpu.memref_slice %arg6[%dma_wait3A_1164, %dma_wait3A_1165, %dma_wait3A_1166] : memref<12x64x128xf32, #tpu.memory_space<vmem>> -> memref<1x64x128xf32, #tpu.memory_space<vmem>>
      %dma_wait3A_1168 = tpu.memref_squeeze %dma_wait3A_1167 : memref<1x64x128xf32, #tpu.memory_space<vmem>> -> memref<64x128xf32, #tpu.memory_space<vmem>>
      %dma_wait3A_1169 = arith.constant 0 : i32
      %dma_wait3A_1170 = tpu.memref_slice %arg4[%add3A_1163, %dma_wait3A_1169] : memref<819200x128xf32, #tpu.memory_space<hbm>> -> memref<64x128xf32, #tpu.memory_space<hbm>>
      %dma_wait3A_1171 = arith.constant 0 : i32
      %dma_wait3A_1172 = tpu.memref_slice %arg4[%add3A_1163, %dma_wait3A_1171] : memref<819200x128xf32, #tpu.memory_space<hbm>> -> memref<64x128xf32, #tpu.memory_space<hbm>>
      %dma_wait3A_1173 = arith.constant 0 : i32
      %dma_wait3A_1174 = arith.constant 0 : i32
      %dma_wait3A_1175 = tpu.memref_slice %arg6[%dma_wait3A_1164, %dma_wait3A_1173, %dma_wait3A_1174] : memref<12x64x128xf32, #tpu.memory_space<vmem>> -> memref<1x64x128xf32, #tpu.memory_space<vmem>>
      %dma_wait3A_1176 = tpu.memref_squeeze %dma_wait3A_1175 : memref<1x64x128xf32, #tpu.memory_space<vmem>> -> memref<64x128xf32, #tpu.memory_space<vmem>>
      tpu.wait_dma2 semaphore(%arg24 : memref<!tpu.dma_semaphore, #tpu.memory_space<semaphore_mem>>) src(%dma_wait3A_1176 : memref<64x128xf32, #tpu.memory_space<vmem>>) dst(%dma_wait3A_1172 : memref<64x128xf32, #tpu.memory_space<hbm>>)
      %add3A_1177 = arith.constant 6 : i32
      %add3A_1178 = arith.addi %add3A_1131, %add3A_1177 : i32
      %mul3A_1179 = arith.constant 64 : i32
      %mul3A_1180 = arith.muli %add3A_1178, %mul3A_1179 : i32
      %dma_start3A_1181 = arith.constant 5 : i32
      %dma_start3A_1182 = arith.constant 0 : i32
      %dma_start3A_1183 = arith.constant 0 : i32
      %dma_start3A_1184 = tpu.memref_slice %arg6[%dma_start3A_1181, %dma_start3A_1182, %dma_start3A_1183] : memref<12x64x128xf32, #tpu.memory_space<vmem>> -> memref<1x64x128xf32, #tpu.memory_space<vmem>>
      %dma_start3A_1185 = tpu.memref_squeeze %dma_start3A_1184 : memref<1x64x128xf32, #tpu.memory_space<vmem>> -> memref<64x128xf32, #tpu.memory_space<vmem>>
      %dma_start3A_1186 = tpu.memref_slice %arg5[%mul3A_1180] : memref<25600xi32, #tpu.memory_space<vmem>> -> memref<64xi32, #tpu.memory_space<vmem>>
      %dma_start3A_1187 = arith.constant 0 : i32
      %dma_start3A_1188 = arith.constant 0 : i32
      %dma_start3A_1189 = tpu.memref_slice %arg3[%dma_start3A_1187, %dma_start3A_1188] : memref<100000x128xf32, #tpu.memory_space<hbm>> -> memref<100000x128xf32, #tpu.memory_space<hbm>>
      tpu.enqueue_indirect_dma source(%dma_start3A_1189 : memref<100000x128xf32, #tpu.memory_space<hbm>>) target(%dma_start3A_1185 : memref<64x128xf32, #tpu.memory_space<vmem>>) offsets(%dma_start3A_1186 : memref<64xi32, #tpu.memory_space<vmem>>) semaphore(%arg12 : memref<!tpu.dma_semaphore, #tpu.memory_space<semaphore_mem>>)
      %mul3A_1190 = arith.constant 12 : i32
      %mul3A_1191 = arith.muli %scan3A_806, %mul3A_1190 : i32
      %add3A_1192 = arith.constant 6 : i32
      %add3A_1193 = arith.addi %add3A_1192, %mul3A_1191 : i32
      %add3A_1194 = arith.constant 6 : i32
      %add3A_1195 = arith.addi %add3A_1193, %add3A_1194 : i32
      %mul3A_1196 = arith.constant 64 : i32
      %mul3A_1197 = arith.muli %add3A_1195, %mul3A_1196 : i32
      %dma_wait3A_1198 = arith.constant 0 : i32
      %dma_wait3A_1199 = arith.constant 0 : i32
      %dma_wait3A_1200 = arith.constant 0 : i32
      %dma_wait3A_1201 = tpu.memref_slice %arg6[%dma_wait3A_1198, %dma_wait3A_1199, %dma_wait3A_1200] : memref<12x64x128xf32, #tpu.memory_space<vmem>> -> memref<1x64x128xf32, #tpu.memory_space<vmem>>
      %dma_wait3A_1202 = tpu.memref_squeeze %dma_wait3A_1201 : memref<1x64x128xf32, #tpu.memory_space<vmem>> -> memref<64x128xf32, #tpu.memory_space<vmem>>
      %dma_wait3A_1203 = tpu.memref_slice %arg5[%mul3A_1197] : memref<25600xi32, #tpu.memory_space<vmem>> -> memref<64xi32, #tpu.memory_space<vmem>>
      %dma_wait3A_1204 = arith.constant 0 : i32
      %dma_wait3A_1205 = arith.constant 0 : i32
      %dma_wait3A_1206 = tpu.memref_slice %arg3[%dma_wait3A_1204, %dma_wait3A_1205] : memref<100000x128xf32, #tpu.memory_space<hbm>> -> memref<100000x128xf32, #tpu.memory_space<hbm>>
      tpu.wait_indirect_dma semaphore(%arg7 : memref<!tpu.dma_semaphore, #tpu.memory_space<semaphore_mem>>) src(%dma_wait3A_1206 : memref<100000x128xf32, #tpu.memory_space<hbm>>) dst(%dma_wait3A_1202 : memref<64x128xf32, #tpu.memory_space<vmem>>)
      %mul3A_1207 = arith.constant 64 : i32
      %mul3A_1208 = arith.muli %add3A_1195, %mul3A_1207 : i32
      %add3A_1209 = arith.addi %mul3A_2, %mul3A_1208 : i32
      %dma_start3A_1210 = arith.constant 0 : i32
      %dma_start3A_1211 = arith.constant 0 : i32
      %dma_start3A_1212 = arith.constant 0 : i32
      %dma_start3A_1213 = tpu.memref_slice %arg6[%dma_start3A_1210, %dma_start3A_1211, %dma_start3A_1212] : memref<12x64x128xf32, #tpu.memory_space<vmem>> -> memref<1x64x128xf32, #tpu.memory_space<vmem>>
      %dma_start3A_1214 = tpu.memref_squeeze %dma_start3A_1213 : memref<1x64x128xf32, #tpu.memory_space<vmem>> -> memref<64x128xf32, #tpu.memory_space<vmem>>
      %dma_start3A_1215 = arith.constant 0 : i32
      %dma_start3A_1216 = tpu.memref_slice %arg4[%add3A_1209, %dma_start3A_1215] : memref<819200x128xf32, #tpu.memory_space<hbm>> -> memref<64x128xf32, #tpu.memory_space<hbm>>
      %dma_start3A_1217 = arith.constant 0 : i32
      %dma_start3A_1218 = tpu.memref_slice %arg4[%add3A_1209, %dma_start3A_1217] : memref<819200x128xf32, #tpu.memory_space<hbm>> -> memref<64x128xf32, #tpu.memory_space<hbm>>
      %dma_start3A_1219 = arith.constant 0 : i32
      %dma_start3A_1220 = arith.constant 0 : i32
      %dma_start3A_1221 = tpu.memref_slice %arg6[%dma_start3A_1210, %dma_start3A_1219, %dma_start3A_1220] : memref<12x64x128xf32, #tpu.memory_space<vmem>> -> memref<1x64x128xf32, #tpu.memory_space<vmem>>
      %dma_start3A_1222 = tpu.memref_squeeze %dma_start3A_1221 : memref<1x64x128xf32, #tpu.memory_space<vmem>> -> memref<64x128xf32, #tpu.memory_space<vmem>>
      tpu.enqueue_dma source(%dma_start3A_1222 : memref<64x128xf32, #tpu.memory_space<vmem>>) target(%dma_start3A_1218 : memref<64x128xf32, #tpu.memory_space<hbm>>) target_semaphore(%arg19 : memref<!tpu.dma_semaphore, #tpu.memory_space<semaphore_mem>>)
      %sub3A_1223 = arith.constant 6 : i32
      %sub3A_1224 = arith.subi %add3A_1195, %sub3A_1223 : i32
      %mul3A_1225 = arith.constant 64 : i32
      %mul3A_1226 = arith.muli %sub3A_1224, %mul3A_1225 : i32
      %add3A_1227 = arith.addi %mul3A_2, %mul3A_1226 : i32
      %dma_wait3A_1228 = arith.constant 6 : i32
      %dma_wait3A_1229 = arith.constant 0 : i32
      %dma_wait3A_1230 = arith.constant 0 : i32
      %dma_wait3A_1231 = tpu.memref_slice %arg6[%dma_wait3A_1228, %dma_wait3A_1229, %dma_wait3A_1230] : memref<12x64x128xf32, #tpu.memory_space<vmem>> -> memref<1x64x128xf32, #tpu.memory_space<vmem>>
      %dma_wait3A_1232 = tpu.memref_squeeze %dma_wait3A_1231 : memref<1x64x128xf32, #tpu.memory_space<vmem>> -> memref<64x128xf32, #tpu.memory_space<vmem>>
      %dma_wait3A_1233 = arith.constant 0 : i32
      %dma_wait3A_1234 = tpu.memref_slice %arg4[%add3A_1227, %dma_wait3A_1233] : memref<819200x128xf32, #tpu.memory_space<hbm>> -> memref<64x128xf32, #tpu.memory_space<hbm>>
      %dma_wait3A_1235 = arith.constant 0 : i32
      %dma_wait3A_1236 = tpu.memref_slice %arg4[%add3A_1227, %dma_wait3A_1235] : memref<819200x128xf32, #tpu.memory_space<hbm>> -> memref<64x128xf32, #tpu.memory_space<hbm>>
      %dma_wait3A_1237 = arith.constant 0 : i32
      %dma_wait3A_1238 = arith.constant 0 : i32
      %dma_wait3A_1239 = tpu.memref_slice %arg6[%dma_wait3A_1228, %dma_wait3A_1237, %dma_wait3A_1238] : memref<12x64x128xf32, #tpu.memory_space<vmem>> -> memref<1x64x128xf32, #tpu.memory_space<vmem>>
      %dma_wait3A_1240 = tpu.memref_squeeze %dma_wait3A_1239 : memref<1x64x128xf32, #tpu.memory_space<vmem>> -> memref<64x128xf32, #tpu.memory_space<vmem>>
      tpu.wait_dma2 semaphore(%arg25 : memref<!tpu.dma_semaphore, #tpu.memory_space<semaphore_mem>>) src(%dma_wait3A_1240 : memref<64x128xf32, #tpu.memory_space<vmem>>) dst(%dma_wait3A_1236 : memref<64x128xf32, #tpu.memory_space<hbm>>)
      %add3A_1241 = arith.constant 6 : i32
      %add3A_1242 = arith.addi %add3A_1195, %add3A_1241 : i32
      %mul3A_1243 = arith.constant 64 : i32
      %mul3A_1244 = arith.muli %add3A_1242, %mul3A_1243 : i32
      %dma_start3A_1245 = arith.constant 6 : i32
      %dma_start3A_1246 = arith.constant 0 : i32
      %dma_start3A_1247 = arith.constant 0 : i32
      %dma_start3A_1248 = tpu.memref_slice %arg6[%dma_start3A_1245, %dma_start3A_1246, %dma_start3A_1247] : memref<12x64x128xf32, #tpu.memory_space<vmem>> -> memref<1x64x128xf32, #tpu.memory_space<vmem>>
      %dma_start3A_1249 = tpu.memref_squeeze %dma_start3A_1248 : memref<1x64x128xf32, #tpu.memory_space<vmem>> -> memref<64x128xf32, #tpu.memory_space<vmem>>
      %dma_start3A_1250 = tpu.memref_slice %arg5[%mul3A_1244] : memref<25600xi32, #tpu.memory_space<vmem>> -> memref<64xi32, #tpu.memory_space<vmem>>
      %dma_start3A_1251 = arith.constant 0 : i32
      %dma_start3A_1252 = arith.constant 0 : i32
      %dma_start3A_1253 = tpu.memref_slice %arg3[%dma_start3A_1251, %dma_start3A_1252] : memref<100000x128xf32, #tpu.memory_space<hbm>> -> memref<100000x128xf32, #tpu.memory_space<hbm>>
      tpu.enqueue_indirect_dma source(%dma_start3A_1253 : memref<100000x128xf32, #tpu.memory_space<hbm>>) target(%dma_start3A_1249 : memref<64x128xf32, #tpu.memory_space<vmem>>) offsets(%dma_start3A_1250 : memref<64xi32, #tpu.memory_space<vmem>>) semaphore(%arg13 : memref<!tpu.dma_semaphore, #tpu.memory_space<semaphore_mem>>)
      %mul3A_1254 = arith.constant 12 : i32
      %mul3A_1255 = arith.muli %scan3A_806, %mul3A_1254 : i32
      %add3A_1256 = arith.constant 6 : i32
      %add3A_1257 = arith.addi %add3A_1256, %mul3A_1255 : i32
      %add3A_1258 = arith.constant 7 : i32
      %add3A_1259 = arith.addi %add3A_1257, %add3A_1258 : i32
      %mul3A_1260 = arith.constant 64 : i32
      %mul3A_1261 = arith.muli %add3A_1259, %mul3A_1260 : i32
      %dma_wait3A_1262 = arith.constant 1 : i32
      %dma_wait3A_1263 = arith.constant 0 : i32
      %dma_wait3A_1264 = arith.constant 0 : i32
      %dma_wait3A_1265 = tpu.memref_slice %arg6[%dma_wait3A_1262, %dma_wait3A_1263, %dma_wait3A_1264] : memref<12x64x128xf32, #tpu.memory_space<vmem>> -> memref<1x64x128xf32, #tpu.memory_space<vmem>>
      %dma_wait3A_1266 = tpu.memref_squeeze %dma_wait3A_1265 : memref<1x64x128xf32, #tpu.memory_space<vmem>> -> memref<64x128xf32, #tpu.memory_space<vmem>>
      %dma_wait3A_1267 = tpu.memref_slice %arg5[%mul3A_1261] : memref<25600xi32, #tpu.memory_space<vmem>> -> memref<64xi32, #tpu.memory_space<vmem>>
      %dma_wait3A_1268 = arith.constant 0 : i32
      %dma_wait3A_1269 = arith.constant 0 : i32
      %dma_wait3A_1270 = tpu.memref_slice %arg3[%dma_wait3A_1268, %dma_wait3A_1269] : memref<100000x128xf32, #tpu.memory_space<hbm>> -> memref<100000x128xf32, #tpu.memory_space<hbm>>
      tpu.wait_indirect_dma semaphore(%arg8 : memref<!tpu.dma_semaphore, #tpu.memory_space<semaphore_mem>>) src(%dma_wait3A_1270 : memref<100000x128xf32, #tpu.memory_space<hbm>>) dst(%dma_wait3A_1266 : memref<64x128xf32, #tpu.memory_space<vmem>>)
      %mul3A_1271 = arith.constant 64 : i32
      %mul3A_1272 = arith.muli %add3A_1259, %mul3A_1271 : i32
      %add3A_1273 = arith.addi %mul3A_2, %mul3A_1272 : i32
      %dma_start3A_1274 = arith.constant 1 : i32
      %dma_start3A_1275 = arith.constant 0 : i32
      %dma_start3A_1276 = arith.constant 0 : i32
      %dma_start3A_1277 = tpu.memref_slice %arg6[%dma_start3A_1274, %dma_start3A_1275, %dma_start3A_1276] : memref<12x64x128xf32, #tpu.memory_space<vmem>> -> memref<1x64x128xf32, #tpu.memory_space<vmem>>
      %dma_start3A_1278 = tpu.memref_squeeze %dma_start3A_1277 : memref<1x64x128xf32, #tpu.memory_space<vmem>> -> memref<64x128xf32, #tpu.memory_space<vmem>>
      %dma_start3A_1279 = arith.constant 0 : i32
      %dma_start3A_1280 = tpu.memref_slice %arg4[%add3A_1273, %dma_start3A_1279] : memref<819200x128xf32, #tpu.memory_space<hbm>> -> memref<64x128xf32, #tpu.memory_space<hbm>>
      %dma_start3A_1281 = arith.constant 0 : i32
      %dma_start3A_1282 = tpu.memref_slice %arg4[%add3A_1273, %dma_start3A_1281] : memref<819200x128xf32, #tpu.memory_space<hbm>> -> memref<64x128xf32, #tpu.memory_space<hbm>>
      %dma_start3A_1283 = arith.constant 0 : i32
      %dma_start3A_1284 = arith.constant 0 : i32
      %dma_start3A_1285 = tpu.memref_slice %arg6[%dma_start3A_1274, %dma_start3A_1283, %dma_start3A_1284] : memref<12x64x128xf32, #tpu.memory_space<vmem>> -> memref<1x64x128xf32, #tpu.memory_space<vmem>>
      %dma_start3A_1286 = tpu.memref_squeeze %dma_start3A_1285 : memref<1x64x128xf32, #tpu.memory_space<vmem>> -> memref<64x128xf32, #tpu.memory_space<vmem>>
      tpu.enqueue_dma source(%dma_start3A_1286 : memref<64x128xf32, #tpu.memory_space<vmem>>) target(%dma_start3A_1282 : memref<64x128xf32, #tpu.memory_space<hbm>>) target_semaphore(%arg20 : memref<!tpu.dma_semaphore, #tpu.memory_space<semaphore_mem>>)
      %sub3A_1287 = arith.constant 6 : i32
      %sub3A_1288 = arith.subi %add3A_1259, %sub3A_1287 : i32
      %mul3A_1289 = arith.constant 64 : i32
      %mul3A_1290 = arith.muli %sub3A_1288, %mul3A_1289 : i32
      %add3A_1291 = arith.addi %mul3A_2, %mul3A_1290 : i32
      %dma_wait3A_1292 = arith.constant 7 : i32
      %dma_wait3A_1293 = arith.constant 0 : i32
      %dma_wait3A_1294 = arith.constant 0 : i32
      %dma_wait3A_1295 = tpu.memref_slice %arg6[%dma_wait3A_1292, %dma_wait3A_1293, %dma_wait3A_1294] : memref<12x64x128xf32, #tpu.memory_space<vmem>> -> memref<1x64x128xf32, #tpu.memory_space<vmem>>
      %dma_wait3A_1296 = tpu.memref_squeeze %dma_wait3A_1295 : memref<1x64x128xf32, #tpu.memory_space<vmem>> -> memref<64x128xf32, #tpu.memory_space<vmem>>
      %dma_wait3A_1297 = arith.constant 0 : i32
      %dma_wait3A_1298 = tpu.memref_slice %arg4[%add3A_1291, %dma_wait3A_1297] : memref<819200x128xf32, #tpu.memory_space<hbm>> -> memref<64x128xf32, #tpu.memory_space<hbm>>
      %dma_wait3A_1299 = arith.constant 0 : i32
      %dma_wait3A_1300 = tpu.memref_slice %arg4[%add3A_1291, %dma_wait3A_1299] : memref<819200x128xf32, #tpu.memory_space<hbm>> -> memref<64x128xf32, #tpu.memory_space<hbm>>
      %dma_wait3A_1301 = arith.constant 0 : i32
      %dma_wait3A_1302 = arith.constant 0 : i32
      %dma_wait3A_1303 = tpu.memref_slice %arg6[%dma_wait3A_1292, %dma_wait3A_1301, %dma_wait3A_1302] : memref<12x64x128xf32, #tpu.memory_space<vmem>> -> memref<1x64x128xf32, #tpu.memory_space<vmem>>
      %dma_wait3A_1304 = tpu.memref_squeeze %dma_wait3A_1303 : memref<1x64x128xf32, #tpu.memory_space<vmem>> -> memref<64x128xf32, #tpu.memory_space<vmem>>
      tpu.wait_dma2 semaphore(%arg26 : memref<!tpu.dma_semaphore, #tpu.memory_space<semaphore_mem>>) src(%dma_wait3A_1304 : memref<64x128xf32, #tpu.memory_space<vmem>>) dst(%dma_wait3A_1300 : memref<64x128xf32, #tpu.memory_space<hbm>>)
      %add3A_1305 = arith.constant 6 : i32
      %add3A_1306 = arith.addi %add3A_1259, %add3A_1305 : i32
      %mul3A_1307 = arith.constant 64 : i32
      %mul3A_1308 = arith.muli %add3A_1306, %mul3A_1307 : i32
      %dma_start3A_1309 = arith.constant 7 : i32
      %dma_start3A_1310 = arith.constant 0 : i32
      %dma_start3A_1311 = arith.constant 0 : i32
      %dma_start3A_1312 = tpu.memref_slice %arg6[%dma_start3A_1309, %dma_start3A_1310, %dma_start3A_1311] : memref<12x64x128xf32, #tpu.memory_space<vmem>> -> memref<1x64x128xf32, #tpu.memory_space<vmem>>
      %dma_start3A_1313 = tpu.memref_squeeze %dma_start3A_1312 : memref<1x64x128xf32, #tpu.memory_space<vmem>> -> memref<64x128xf32, #tpu.memory_space<vmem>>
      %dma_start3A_1314 = tpu.memref_slice %arg5[%mul3A_1308] : memref<25600xi32, #tpu.memory_space<vmem>> -> memref<64xi32, #tpu.memory_space<vmem>>
      %dma_start3A_1315 = arith.constant 0 : i32
      %dma_start3A_1316 = arith.constant 0 : i32
      %dma_start3A_1317 = tpu.memref_slice %arg3[%dma_start3A_1315, %dma_start3A_1316] : memref<100000x128xf32, #tpu.memory_space<hbm>> -> memref<100000x128xf32, #tpu.memory_space<hbm>>
      tpu.enqueue_indirect_dma source(%dma_start3A_1317 : memref<100000x128xf32, #tpu.memory_space<hbm>>) target(%dma_start3A_1313 : memref<64x128xf32, #tpu.memory_space<vmem>>) offsets(%dma_start3A_1314 : memref<64xi32, #tpu.memory_space<vmem>>) semaphore(%arg14 : memref<!tpu.dma_semaphore, #tpu.memory_space<semaphore_mem>>)
      %mul3A_1318 = arith.constant 12 : i32
      %mul3A_1319 = arith.muli %scan3A_806, %mul3A_1318 : i32
      %add3A_1320 = arith.constant 6 : i32
      %add3A_1321 = arith.addi %add3A_1320, %mul3A_1319 : i32
      %add3A_1322 = arith.constant 8 : i32
      %add3A_1323 = arith.addi %add3A_1321, %add3A_1322 : i32
      %mul3A_1324 = arith.constant 64 : i32
      %mul3A_1325 = arith.muli %add3A_1323, %mul3A_1324 : i32
      %dma_wait3A_1326 = arith.constant 2 : i32
      %dma_wait3A_1327 = arith.constant 0 : i32
      %dma_wait3A_1328 = arith.constant 0 : i32
      %dma_wait3A_1329 = tpu.memref_slice %arg6[%dma_wait3A_1326, %dma_wait3A_1327, %dma_wait3A_1328] : memref<12x64x128xf32, #tpu.memory_space<vmem>> -> memref<1x64x128xf32, #tpu.memory_space<vmem>>
      %dma_wait3A_1330 = tpu.memref_squeeze %dma_wait3A_1329 : memref<1x64x128xf32, #tpu.memory_space<vmem>> -> memref<64x128xf32, #tpu.memory_space<vmem>>
      %dma_wait3A_1331 = tpu.memref_slice %arg5[%mul3A_1325] : memref<25600xi32, #tpu.memory_space<vmem>> -> memref<64xi32, #tpu.memory_space<vmem>>
      %dma_wait3A_1332 = arith.constant 0 : i32
      %dma_wait3A_1333 = arith.constant 0 : i32
      %dma_wait3A_1334 = tpu.memref_slice %arg3[%dma_wait3A_1332, %dma_wait3A_1333] : memref<100000x128xf32, #tpu.memory_space<hbm>> -> memref<100000x128xf32, #tpu.memory_space<hbm>>
      tpu.wait_indirect_dma semaphore(%arg9 : memref<!tpu.dma_semaphore, #tpu.memory_space<semaphore_mem>>) src(%dma_wait3A_1334 : memref<100000x128xf32, #tpu.memory_space<hbm>>) dst(%dma_wait3A_1330 : memref<64x128xf32, #tpu.memory_space<vmem>>)
      %mul3A_1335 = arith.constant 64 : i32
      %mul3A_1336 = arith.muli %add3A_1323, %mul3A_1335 : i32
      %add3A_1337 = arith.addi %mul3A_2, %mul3A_1336 : i32
      %dma_start3A_1338 = arith.constant 2 : i32
      %dma_start3A_1339 = arith.constant 0 : i32
      %dma_start3A_1340 = arith.constant 0 : i32
      %dma_start3A_1341 = tpu.memref_slice %arg6[%dma_start3A_1338, %dma_start3A_1339, %dma_start3A_1340] : memref<12x64x128xf32, #tpu.memory_space<vmem>> -> memref<1x64x128xf32, #tpu.memory_space<vmem>>
      %dma_start3A_1342 = tpu.memref_squeeze %dma_start3A_1341 : memref<1x64x128xf32, #tpu.memory_space<vmem>> -> memref<64x128xf32, #tpu.memory_space<vmem>>
      %dma_start3A_1343 = arith.constant 0 : i32
      %dma_start3A_1344 = tpu.memref_slice %arg4[%add3A_1337, %dma_start3A_1343] : memref<819200x128xf32, #tpu.memory_space<hbm>> -> memref<64x128xf32, #tpu.memory_space<hbm>>
      %dma_start3A_1345 = arith.constant 0 : i32
      %dma_start3A_1346 = tpu.memref_slice %arg4[%add3A_1337, %dma_start3A_1345] : memref<819200x128xf32, #tpu.memory_space<hbm>> -> memref<64x128xf32, #tpu.memory_space<hbm>>
      %dma_start3A_1347 = arith.constant 0 : i32
      %dma_start3A_1348 = arith.constant 0 : i32
      %dma_start3A_1349 = tpu.memref_slice %arg6[%dma_start3A_1338, %dma_start3A_1347, %dma_start3A_1348] : memref<12x64x128xf32, #tpu.memory_space<vmem>> -> memref<1x64x128xf32, #tpu.memory_space<vmem>>
      %dma_start3A_1350 = tpu.memref_squeeze %dma_start3A_1349 : memref<1x64x128xf32, #tpu.memory_space<vmem>> -> memref<64x128xf32, #tpu.memory_space<vmem>>
      tpu.enqueue_dma source(%dma_start3A_1350 : memref<64x128xf32, #tpu.memory_space<vmem>>) target(%dma_start3A_1346 : memref<64x128xf32, #tpu.memory_space<hbm>>) target_semaphore(%arg21 : memref<!tpu.dma_semaphore, #tpu.memory_space<semaphore_mem>>)
      %sub3A_1351 = arith.constant 6 : i32
      %sub3A_1352 = arith.subi %add3A_1323, %sub3A_1351 : i32
      %mul3A_1353 = arith.constant 64 : i32
      %mul3A_1354 = arith.muli %sub3A_1352, %mul3A_1353 : i32
      %add3A_1355 = arith.addi %mul3A_2, %mul3A_1354 : i32
      %dma_wait3A_1356 = arith.constant 8 : i32
      %dma_wait3A_1357 = arith.constant 0 : i32
      %dma_wait3A_1358 = arith.constant 0 : i32
      %dma_wait3A_1359 = tpu.memref_slice %arg6[%dma_wait3A_1356, %dma_wait3A_1357, %dma_wait3A_1358] : memref<12x64x128xf32, #tpu.memory_space<vmem>> -> memref<1x64x128xf32, #tpu.memory_space<vmem>>
      %dma_wait3A_1360 = tpu.memref_squeeze %dma_wait3A_1359 : memref<1x64x128xf32, #tpu.memory_space<vmem>> -> memref<64x128xf32, #tpu.memory_space<vmem>>
      %dma_wait3A_1361 = arith.constant 0 : i32
      %dma_wait3A_1362 = tpu.memref_slice %arg4[%add3A_1355, %dma_wait3A_1361] : memref<819200x128xf32, #tpu.memory_space<hbm>> -> memref<64x128xf32, #tpu.memory_space<hbm>>
      %dma_wait3A_1363 = arith.constant 0 : i32
      %dma_wait3A_1364 = tpu.memref_slice %arg4[%add3A_1355, %dma_wait3A_1363] : memref<819200x128xf32, #tpu.memory_space<hbm>> -> memref<64x128xf32, #tpu.memory_space<hbm>>
      %dma_wait3A_1365 = arith.constant 0 : i32
      %dma_wait3A_1366 = arith.constant 0 : i32
      %dma_wait3A_1367 = tpu.memref_slice %arg6[%dma_wait3A_1356, %dma_wait3A_1365, %dma_wait3A_1366] : memref<12x64x128xf32, #tpu.memory_space<vmem>> -> memref<1x64x128xf32, #tpu.memory_space<vmem>>
      %dma_wait3A_1368 = tpu.memref_squeeze %dma_wait3A_1367 : memref<1x64x128xf32, #tpu.memory_space<vmem>> -> memref<64x128xf32, #tpu.memory_space<vmem>>
      tpu.wait_dma2 semaphore(%arg27 : memref<!tpu.dma_semaphore, #tpu.memory_space<semaphore_mem>>) src(%dma_wait3A_1368 : memref<64x128xf32, #tpu.memory_space<vmem>>) dst(%dma_wait3A_1364 : memref<64x128xf32, #tpu.memory_space<hbm>>)
      %add3A_1369 = arith.constant 6 : i32
      %add3A_1370 = arith.addi %add3A_1323, %add3A_1369 : i32
      %mul3A_1371 = arith.constant 64 : i32
      %mul3A_1372 = arith.muli %add3A_1370, %mul3A_1371 : i32
      %dma_start3A_1373 = arith.constant 8 : i32
      %dma_start3A_1374 = arith.constant 0 : i32
      %dma_start3A_1375 = arith.constant 0 : i32
      %dma_start3A_1376 = tpu.memref_slice %arg6[%dma_start3A_1373, %dma_start3A_1374, %dma_start3A_1375] : memref<12x64x128xf32, #tpu.memory_space<vmem>> -> memref<1x64x128xf32, #tpu.memory_space<vmem>>
      %dma_start3A_1377 = tpu.memref_squeeze %dma_start3A_1376 : memref<1x64x128xf32, #tpu.memory_space<vmem>> -> memref<64x128xf32, #tpu.memory_space<vmem>>
      %dma_start3A_1378 = tpu.memref_slice %arg5[%mul3A_1372] : memref<25600xi32, #tpu.memory_space<vmem>> -> memref<64xi32, #tpu.memory_space<vmem>>
      %dma_start3A_1379 = arith.constant 0 : i32
      %dma_start3A_1380 = arith.constant 0 : i32
      %dma_start3A_1381 = tpu.memref_slice %arg3[%dma_start3A_1379, %dma_start3A_1380] : memref<100000x128xf32, #tpu.memory_space<hbm>> -> memref<100000x128xf32, #tpu.memory_space<hbm>>
      tpu.enqueue_indirect_dma source(%dma_start3A_1381 : memref<100000x128xf32, #tpu.memory_space<hbm>>) target(%dma_start3A_1377 : memref<64x128xf32, #tpu.memory_space<vmem>>) offsets(%dma_start3A_1378 : memref<64xi32, #tpu.memory_space<vmem>>) semaphore(%arg15 : memref<!tpu.dma_semaphore, #tpu.memory_space<semaphore_mem>>)
      %mul3A_1382 = arith.constant 12 : i32
      %mul3A_1383 = arith.muli %scan3A_806, %mul3A_1382 : i32
      %add3A_1384 = arith.constant 6 : i32
      %add3A_1385 = arith.addi %add3A_1384, %mul3A_1383 : i32
      %add3A_1386 = arith.constant 9 : i32
      %add3A_1387 = arith.addi %add3A_1385, %add3A_1386 : i32
      %mul3A_1388 = arith.constant 64 : i32
      %mul3A_1389 = arith.muli %add3A_1387, %mul3A_1388 : i32
      %dma_wait3A_1390 = arith.constant 3 : i32
      %dma_wait3A_1391 = arith.constant 0 : i32
      %dma_wait3A_1392 = arith.constant 0 : i32
      %dma_wait3A_1393 = tpu.memref_slice %arg6[%dma_wait3A_1390, %dma_wait3A_1391, %dma_wait3A_1392] : memref<12x64x128xf32, #tpu.memory_space<vmem>> -> memref<1x64x128xf32, #tpu.memory_space<vmem>>
      %dma_wait3A_1394 = tpu.memref_squeeze %dma_wait3A_1393 : memref<1x64x128xf32, #tpu.memory_space<vmem>> -> memref<64x128xf32, #tpu.memory_space<vmem>>
      %dma_wait3A_1395 = tpu.memref_slice %arg5[%mul3A_1389] : memref<25600xi32, #tpu.memory_space<vmem>> -> memref<64xi32, #tpu.memory_space<vmem>>
      %dma_wait3A_1396 = arith.constant 0 : i32
      %dma_wait3A_1397 = arith.constant 0 : i32
      %dma_wait3A_1398 = tpu.memref_slice %arg3[%dma_wait3A_1396, %dma_wait3A_1397] : memref<100000x128xf32, #tpu.memory_space<hbm>> -> memref<100000x128xf32, #tpu.memory_space<hbm>>
      tpu.wait_indirect_dma semaphore(%arg10 : memref<!tpu.dma_semaphore, #tpu.memory_space<semaphore_mem>>) src(%dma_wait3A_1398 : memref<100000x128xf32, #tpu.memory_space<hbm>>) dst(%dma_wait3A_1394 : memref<64x128xf32, #tpu.memory_space<vmem>>)
      %mul3A_1399 = arith.constant 64 : i32
      %mul3A_1400 = arith.muli %add3A_1387, %mul3A_1399 : i32
      %add3A_1401 = arith.addi %mul3A_2, %mul3A_1400 : i32
      %dma_start3A_1402 = arith.constant 3 : i32
      %dma_start3A_1403 = arith.constant 0 : i32
      %dma_start3A_1404 = arith.constant 0 : i32
      %dma_start3A_1405 = tpu.memref_slice %arg6[%dma_start3A_1402, %dma_start3A_1403, %dma_start3A_1404] : memref<12x64x128xf32, #tpu.memory_space<vmem>> -> memref<1x64x128xf32, #tpu.memory_space<vmem>>
      %dma_start3A_1406 = tpu.memref_squeeze %dma_start3A_1405 : memref<1x64x128xf32, #tpu.memory_space<vmem>> -> memref<64x128xf32, #tpu.memory_space<vmem>>
      %dma_start3A_1407 = arith.constant 0 : i32
      %dma_start3A_1408 = tpu.memref_slice %arg4[%add3A_1401, %dma_start3A_1407] : memref<819200x128xf32, #tpu.memory_space<hbm>> -> memref<64x128xf32, #tpu.memory_space<hbm>>
      %dma_start3A_1409 = arith.constant 0 : i32
      %dma_start3A_1410 = tpu.memref_slice %arg4[%add3A_1401, %dma_start3A_1409] : memref<819200x128xf32, #tpu.memory_space<hbm>> -> memref<64x128xf32, #tpu.memory_space<hbm>>
      %dma_start3A_1411 = arith.constant 0 : i32
      %dma_start3A_1412 = arith.constant 0 : i32
      %dma_start3A_1413 = tpu.memref_slice %arg6[%dma_start3A_1402, %dma_start3A_1411, %dma_start3A_1412] : memref<12x64x128xf32, #tpu.memory_space<vmem>> -> memref<1x64x128xf32, #tpu.memory_space<vmem>>
      %dma_start3A_1414 = tpu.memref_squeeze %dma_start3A_1413 : memref<1x64x128xf32, #tpu.memory_space<vmem>> -> memref<64x128xf32, #tpu.memory_space<vmem>>
      tpu.enqueue_dma source(%dma_start3A_1414 : memref<64x128xf32, #tpu.memory_space<vmem>>) target(%dma_start3A_1410 : memref<64x128xf32, #tpu.memory_space<hbm>>) target_semaphore(%arg22 : memref<!tpu.dma_semaphore, #tpu.memory_space<semaphore_mem>>)
      %sub3A_1415 = arith.constant 6 : i32
      %sub3A_1416 = arith.subi %add3A_1387, %sub3A_1415 : i32
      %mul3A_1417 = arith.constant 64 : i32
      %mul3A_1418 = arith.muli %sub3A_1416, %mul3A_1417 : i32
      %add3A_1419 = arith.addi %mul3A_2, %mul3A_1418 : i32
      %dma_wait3A_1420 = arith.constant 9 : i32
      %dma_wait3A_1421 = arith.constant 0 : i32
      %dma_wait3A_1422 = arith.constant 0 : i32
      %dma_wait3A_1423 = tpu.memref_slice %arg6[%dma_wait3A_1420, %dma_wait3A_1421, %dma_wait3A_1422] : memref<12x64x128xf32, #tpu.memory_space<vmem>> -> memref<1x64x128xf32, #tpu.memory_space<vmem>>
      %dma_wait3A_1424 = tpu.memref_squeeze %dma_wait3A_1423 : memref<1x64x128xf32, #tpu.memory_space<vmem>> -> memref<64x128xf32, #tpu.memory_space<vmem>>
      %dma_wait3A_1425 = arith.constant 0 : i32
      %dma_wait3A_1426 = tpu.memref_slice %arg4[%add3A_1419, %dma_wait3A_1425] : memref<819200x128xf32, #tpu.memory_space<hbm>> -> memref<64x128xf32, #tpu.memory_space<hbm>>
      %dma_wait3A_1427 = arith.constant 0 : i32
      %dma_wait3A_1428 = tpu.memref_slice %arg4[%add3A_1419, %dma_wait3A_1427] : memref<819200x128xf32, #tpu.memory_space<hbm>> -> memref<64x128xf32, #tpu.memory_space<hbm>>
      %dma_wait3A_1429 = arith.constant 0 : i32
      %dma_wait3A_1430 = arith.constant 0 : i32
      %dma_wait3A_1431 = tpu.memref_slice %arg6[%dma_wait3A_1420, %dma_wait3A_1429, %dma_wait3A_1430] : memref<12x64x128xf32, #tpu.memory_space<vmem>> -> memref<1x64x128xf32, #tpu.memory_space<vmem>>
      %dma_wait3A_1432 = tpu.memref_squeeze %dma_wait3A_1431 : memref<1x64x128xf32, #tpu.memory_space<vmem>> -> memref<64x128xf32, #tpu.memory_space<vmem>>
      tpu.wait_dma2 semaphore(%arg28 : memref<!tpu.dma_semaphore, #tpu.memory_space<semaphore_mem>>) src(%dma_wait3A_1432 : memref<64x128xf32, #tpu.memory_space<vmem>>) dst(%dma_wait3A_1428 : memref<64x128xf32, #tpu.memory_space<hbm>>)
      %add3A_1433 = arith.constant 6 : i32
      %add3A_1434 = arith.addi %add3A_1387, %add3A_1433 : i32
      %mul3A_1435 = arith.constant 64 : i32
      %mul3A_1436 = arith.muli %add3A_1434, %mul3A_1435 : i32
      %dma_start3A_1437 = arith.constant 9 : i32
      %dma_start3A_1438 = arith.constant 0 : i32
      %dma_start3A_1439 = arith.constant 0 : i32
      %dma_start3A_1440 = tpu.memref_slice %arg6[%dma_start3A_1437, %dma_start3A_1438, %dma_start3A_1439] : memref<12x64x128xf32, #tpu.memory_space<vmem>> -> memref<1x64x128xf32, #tpu.memory_space<vmem>>
      %dma_start3A_1441 = tpu.memref_squeeze %dma_start3A_1440 : memref<1x64x128xf32, #tpu.memory_space<vmem>> -> memref<64x128xf32, #tpu.memory_space<vmem>>
      %dma_start3A_1442 = tpu.memref_slice %arg5[%mul3A_1436] : memref<25600xi32, #tpu.memory_space<vmem>> -> memref<64xi32, #tpu.memory_space<vmem>>
      %dma_start3A_1443 = arith.constant 0 : i32
      %dma_start3A_1444 = arith.constant 0 : i32
      %dma_start3A_1445 = tpu.memref_slice %arg3[%dma_start3A_1443, %dma_start3A_1444] : memref<100000x128xf32, #tpu.memory_space<hbm>> -> memref<100000x128xf32, #tpu.memory_space<hbm>>
      tpu.enqueue_indirect_dma source(%dma_start3A_1445 : memref<100000x128xf32, #tpu.memory_space<hbm>>) target(%dma_start3A_1441 : memref<64x128xf32, #tpu.memory_space<vmem>>) offsets(%dma_start3A_1442 : memref<64xi32, #tpu.memory_space<vmem>>) semaphore(%arg16 : memref<!tpu.dma_semaphore, #tpu.memory_space<semaphore_mem>>)
      %mul3A_1446 = arith.constant 12 : i32
      %mul3A_1447 = arith.muli %scan3A_806, %mul3A_1446 : i32
      %add3A_1448 = arith.constant 6 : i32
      %add3A_1449 = arith.addi %add3A_1448, %mul3A_1447 : i32
      %add3A_1450 = arith.constant 10 : i32
      %add3A_1451 = arith.addi %add3A_1449, %add3A_1450 : i32
      %mul3A_1452 = arith.constant 64 : i32
      %mul3A_1453 = arith.muli %add3A_1451, %mul3A_1452 : i32
      %dma_wait3A_1454 = arith.constant 4 : i32
      %dma_wait3A_1455 = arith.constant 0 : i32
      %dma_wait3A_1456 = arith.constant 0 : i32
      %dma_wait3A_1457 = tpu.memref_slice %arg6[%dma_wait3A_1454, %dma_wait3A_1455, %dma_wait3A_1456] : memref<12x64x128xf32, #tpu.memory_space<vmem>> -> memref<1x64x128xf32, #tpu.memory_space<vmem>>
      %dma_wait3A_1458 = tpu.memref_squeeze %dma_wait3A_1457 : memref<1x64x128xf32, #tpu.memory_space<vmem>> -> memref<64x128xf32, #tpu.memory_space<vmem>>
      %dma_wait3A_1459 = tpu.memref_slice %arg5[%mul3A_1453] : memref<25600xi32, #tpu.memory_space<vmem>> -> memref<64xi32, #tpu.memory_space<vmem>>
      %dma_wait3A_1460 = arith.constant 0 : i32
      %dma_wait3A_1461 = arith.constant 0 : i32
      %dma_wait3A_1462 = tpu.memref_slice %arg3[%dma_wait3A_1460, %dma_wait3A_1461] : memref<100000x128xf32, #tpu.memory_space<hbm>> -> memref<100000x128xf32, #tpu.memory_space<hbm>>
      tpu.wait_indirect_dma semaphore(%arg11 : memref<!tpu.dma_semaphore, #tpu.memory_space<semaphore_mem>>) src(%dma_wait3A_1462 : memref<100000x128xf32, #tpu.memory_space<hbm>>) dst(%dma_wait3A_1458 : memref<64x128xf32, #tpu.memory_space<vmem>>)
      %mul3A_1463 = arith.constant 64 : i32
      %mul3A_1464 = arith.muli %add3A_1451, %mul3A_1463 : i32
      %add3A_1465 = arith.addi %mul3A_2, %mul3A_1464 : i32
      %dma_start3A_1466 = arith.constant 4 : i32
      %dma_start3A_1467 = arith.constant 0 : i32
      %dma_start3A_1468 = arith.constant 0 : i32
      %dma_start3A_1469 = tpu.memref_slice %arg6[%dma_start3A_1466, %dma_start3A_1467, %dma_start3A_1468] : memref<12x64x128xf32, #tpu.memory_space<vmem>> -> memref<1x64x128xf32, #tpu.memory_space<vmem>>
      %dma_start3A_1470 = tpu.memref_squeeze %dma_start3A_1469 : memref<1x64x128xf32, #tpu.memory_space<vmem>> -> memref<64x128xf32, #tpu.memory_space<vmem>>
      %dma_start3A_1471 = arith.constant 0 : i32
      %dma_start3A_1472 = tpu.memref_slice %arg4[%add3A_1465, %dma_start3A_1471] : memref<819200x128xf32, #tpu.memory_space<hbm>> -> memref<64x128xf32, #tpu.memory_space<hbm>>
      %dma_start3A_1473 = arith.constant 0 : i32
      %dma_start3A_1474 = tpu.memref_slice %arg4[%add3A_1465, %dma_start3A_1473] : memref<819200x128xf32, #tpu.memory_space<hbm>> -> memref<64x128xf32, #tpu.memory_space<hbm>>
      %dma_start3A_1475 = arith.constant 0 : i32
      %dma_start3A_1476 = arith.constant 0 : i32
      %dma_start3A_1477 = tpu.memref_slice %arg6[%dma_start3A_1466, %dma_start3A_1475, %dma_start3A_1476] : memref<12x64x128xf32, #tpu.memory_space<vmem>> -> memref<1x64x128xf32, #tpu.memory_space<vmem>>
      %dma_start3A_1478 = tpu.memref_squeeze %dma_start3A_1477 : memref<1x64x128xf32, #tpu.memory_space<vmem>> -> memref<64x128xf32, #tpu.memory_space<vmem>>
      tpu.enqueue_dma source(%dma_start3A_1478 : memref<64x128xf32, #tpu.memory_space<vmem>>) target(%dma_start3A_1474 : memref<64x128xf32, #tpu.memory_space<hbm>>) target_semaphore(%arg23 : memref<!tpu.dma_semaphore, #tpu.memory_space<semaphore_mem>>)
      %sub3A_1479 = arith.constant 6 : i32
      %sub3A_1480 = arith.subi %add3A_1451, %sub3A_1479 : i32
      %mul3A_1481 = arith.constant 64 : i32
      %mul3A_1482 = arith.muli %sub3A_1480, %mul3A_1481 : i32
      %add3A_1483 = arith.addi %mul3A_2, %mul3A_1482 : i32
      %dma_wait3A_1484 = arith.constant 10 : i32
      %dma_wait3A_1485 = arith.constant 0 : i32
      %dma_wait3A_1486 = arith.constant 0 : i32
      %dma_wait3A_1487 = tpu.memref_slice %arg6[%dma_wait3A_1484, %dma_wait3A_1485, %dma_wait3A_1486] : memref<12x64x128xf32, #tpu.memory_space<vmem>> -> memref<1x64x128xf32, #tpu.memory_space<vmem>>
      %dma_wait3A_1488 = tpu.memref_squeeze %dma_wait3A_1487 : memref<1x64x128xf32, #tpu.memory_space<vmem>> -> memref<64x128xf32, #tpu.memory_space<vmem>>
      %dma_wait3A_1489 = arith.constant 0 : i32
      %dma_wait3A_1490 = tpu.memref_slice %arg4[%add3A_1483, %dma_wait3A_1489] : memref<819200x128xf32, #tpu.memory_space<hbm>> -> memref<64x128xf32, #tpu.memory_space<hbm>>
      %dma_wait3A_1491 = arith.constant 0 : i32
      %dma_wait3A_1492 = tpu.memref_slice %arg4[%add3A_1483, %dma_wait3A_1491] : memref<819200x128xf32, #tpu.memory_space<hbm>> -> memref<64x128xf32, #tpu.memory_space<hbm>>
      %dma_wait3A_1493 = arith.constant 0 : i32
      %dma_wait3A_1494 = arith.constant 0 : i32
      %dma_wait3A_1495 = tpu.memref_slice %arg6[%dma_wait3A_1484, %dma_wait3A_1493, %dma_wait3A_1494] : memref<12x64x128xf32, #tpu.memory_space<vmem>> -> memref<1x64x128xf32, #tpu.memory_space<vmem>>
      %dma_wait3A_1496 = tpu.memref_squeeze %dma_wait3A_1495 : memref<1x64x128xf32, #tpu.memory_space<vmem>> -> memref<64x128xf32, #tpu.memory_space<vmem>>
      tpu.wait_dma2 semaphore(%arg29 : memref<!tpu.dma_semaphore, #tpu.memory_space<semaphore_mem>>) src(%dma_wait3A_1496 : memref<64x128xf32, #tpu.memory_space<vmem>>) dst(%dma_wait3A_1492 : memref<64x128xf32, #tpu.memory_space<hbm>>)
      %add3A_1497 = arith.constant 6 : i32
      %add3A_1498 = arith.addi %add3A_1451, %add3A_1497 : i32
      %mul3A_1499 = arith.constant 64 : i32
      %mul3A_1500 = arith.muli %add3A_1498, %mul3A_1499 : i32
      %dma_start3A_1501 = arith.constant 10 : i32
      %dma_start3A_1502 = arith.constant 0 : i32
      %dma_start3A_1503 = arith.constant 0 : i32
      %dma_start3A_1504 = tpu.memref_slice %arg6[%dma_start3A_1501, %dma_start3A_1502, %dma_start3A_1503] : memref<12x64x128xf32, #tpu.memory_space<vmem>> -> memref<1x64x128xf32, #tpu.memory_space<vmem>>
      %dma_start3A_1505 = tpu.memref_squeeze %dma_start3A_1504 : memref<1x64x128xf32, #tpu.memory_space<vmem>> -> memref<64x128xf32, #tpu.memory_space<vmem>>
      %dma_start3A_1506 = tpu.memref_slice %arg5[%mul3A_1500] : memref<25600xi32, #tpu.memory_space<vmem>> -> memref<64xi32, #tpu.memory_space<vmem>>
      %dma_start3A_1507 = arith.constant 0 : i32
      %dma_start3A_1508 = arith.constant 0 : i32
      %dma_start3A_1509 = tpu.memref_slice %arg3[%dma_start3A_1507, %dma_start3A_1508] : memref<100000x128xf32, #tpu.memory_space<hbm>> -> memref<100000x128xf32, #tpu.memory_space<hbm>>
      tpu.enqueue_indirect_dma source(%dma_start3A_1509 : memref<100000x128xf32, #tpu.memory_space<hbm>>) target(%dma_start3A_1505 : memref<64x128xf32, #tpu.memory_space<vmem>>) offsets(%dma_start3A_1506 : memref<64xi32, #tpu.memory_space<vmem>>) semaphore(%arg17 : memref<!tpu.dma_semaphore, #tpu.memory_space<semaphore_mem>>)
      %mul3A_1510 = arith.constant 12 : i32
      %mul3A_1511 = arith.muli %scan3A_806, %mul3A_1510 : i32
      %add3A_1512 = arith.constant 6 : i32
      %add3A_1513 = arith.addi %add3A_1512, %mul3A_1511 : i32
      %add3A_1514 = arith.constant 11 : i32
      %add3A_1515 = arith.addi %add3A_1513, %add3A_1514 : i32
      %mul3A_1516 = arith.constant 64 : i32
      %mul3A_1517 = arith.muli %add3A_1515, %mul3A_1516 : i32
      %dma_wait3A_1518 = arith.constant 5 : i32
      %dma_wait3A_1519 = arith.constant 0 : i32
      %dma_wait3A_1520 = arith.constant 0 : i32
      %dma_wait3A_1521 = tpu.memref_slice %arg6[%dma_wait3A_1518, %dma_wait3A_1519, %dma_wait3A_1520] : memref<12x64x128xf32, #tpu.memory_space<vmem>> -> memref<1x64x128xf32, #tpu.memory_space<vmem>>
      %dma_wait3A_1522 = tpu.memref_squeeze %dma_wait3A_1521 : memref<1x64x128xf32, #tpu.memory_space<vmem>> -> memref<64x128xf32, #tpu.memory_space<vmem>>
      %dma_wait3A_1523 = tpu.memref_slice %arg5[%mul3A_1517] : memref<25600xi32, #tpu.memory_space<vmem>> -> memref<64xi32, #tpu.memory_space<vmem>>
      %dma_wait3A_1524 = arith.constant 0 : i32
      %dma_wait3A_1525 = arith.constant 0 : i32
      %dma_wait3A_1526 = tpu.memref_slice %arg3[%dma_wait3A_1524, %dma_wait3A_1525] : memref<100000x128xf32, #tpu.memory_space<hbm>> -> memref<100000x128xf32, #tpu.memory_space<hbm>>
      tpu.wait_indirect_dma semaphore(%arg12 : memref<!tpu.dma_semaphore, #tpu.memory_space<semaphore_mem>>) src(%dma_wait3A_1526 : memref<100000x128xf32, #tpu.memory_space<hbm>>) dst(%dma_wait3A_1522 : memref<64x128xf32, #tpu.memory_space<vmem>>)
      %mul3A_1527 = arith.constant 64 : i32
      %mul3A_1528 = arith.muli %add3A_1515, %mul3A_1527 : i32
      %add3A_1529 = arith.addi %mul3A_2, %mul3A_1528 : i32
      %dma_start3A_1530 = arith.constant 5 : i32
      %dma_start3A_1531 = arith.constant 0 : i32
      %dma_start3A_1532 = arith.constant 0 : i32
      %dma_start3A_1533 = tpu.memref_slice %arg6[%dma_start3A_1530, %dma_start3A_1531, %dma_start3A_1532] : memref<12x64x128xf32, #tpu.memory_space<vmem>> -> memref<1x64x128xf32, #tpu.memory_space<vmem>>
      %dma_start3A_1534 = tpu.memref_squeeze %dma_start3A_1533 : memref<1x64x128xf32, #tpu.memory_space<vmem>> -> memref<64x128xf32, #tpu.memory_space<vmem>>
      %dma_start3A_1535 = arith.constant 0 : i32
      %dma_start3A_1536 = tpu.memref_slice %arg4[%add3A_1529, %dma_start3A_1535] : memref<819200x128xf32, #tpu.memory_space<hbm>> -> memref<64x128xf32, #tpu.memory_space<hbm>>
      %dma_start3A_1537 = arith.constant 0 : i32
      %dma_start3A_1538 = tpu.memref_slice %arg4[%add3A_1529, %dma_start3A_1537] : memref<819200x128xf32, #tpu.memory_space<hbm>> -> memref<64x128xf32, #tpu.memory_space<hbm>>
      %dma_start3A_1539 = arith.constant 0 : i32
      %dma_start3A_1540 = arith.constant 0 : i32
      %dma_start3A_1541 = tpu.memref_slice %arg6[%dma_start3A_1530, %dma_start3A_1539, %dma_start3A_1540] : memref<12x64x128xf32, #tpu.memory_space<vmem>> -> memref<1x64x128xf32, #tpu.memory_space<vmem>>
      %dma_start3A_1542 = tpu.memref_squeeze %dma_start3A_1541 : memref<1x64x128xf32, #tpu.memory_space<vmem>> -> memref<64x128xf32, #tpu.memory_space<vmem>>
      tpu.enqueue_dma source(%dma_start3A_1542 : memref<64x128xf32, #tpu.memory_space<vmem>>) target(%dma_start3A_1538 : memref<64x128xf32, #tpu.memory_space<hbm>>) target_semaphore(%arg24 : memref<!tpu.dma_semaphore, #tpu.memory_space<semaphore_mem>>)
      %sub3A_1543 = arith.constant 6 : i32
      %sub3A_1544 = arith.subi %add3A_1515, %sub3A_1543 : i32
      %mul3A_1545 = arith.constant 64 : i32
      %mul3A_1546 = arith.muli %sub3A_1544, %mul3A_1545 : i32
      %add3A_1547 = arith.addi %mul3A_2, %mul3A_1546 : i32
      %dma_wait3A_1548 = arith.constant 11 : i32
      %dma_wait3A_1549 = arith.constant 0 : i32
      %dma_wait3A_1550 = arith.constant 0 : i32
      %dma_wait3A_1551 = tpu.memref_slice %arg6[%dma_wait3A_1548, %dma_wait3A_1549, %dma_wait3A_1550] : memref<12x64x128xf32, #tpu.memory_space<vmem>> -> memref<1x64x128xf32, #tpu.memory_space<vmem>>
      %dma_wait3A_1552 = tpu.memref_squeeze %dma_wait3A_1551 : memref<1x64x128xf32, #tpu.memory_space<vmem>> -> memref<64x128xf32, #tpu.memory_space<vmem>>
      %dma_wait3A_1553 = arith.constant 0 : i32
      %dma_wait3A_1554 = tpu.memref_slice %arg4[%add3A_1547, %dma_wait3A_1553] : memref<819200x128xf32, #tpu.memory_space<hbm>> -> memref<64x128xf32, #tpu.memory_space<hbm>>
      %dma_wait3A_1555 = arith.constant 0 : i32
      %dma_wait3A_1556 = tpu.memref_slice %arg4[%add3A_1547, %dma_wait3A_1555] : memref<819200x128xf32, #tpu.memory_space<hbm>> -> memref<64x128xf32, #tpu.memory_space<hbm>>
      %dma_wait3A_1557 = arith.constant 0 : i32
      %dma_wait3A_1558 = arith.constant 0 : i32
      %dma_wait3A_1559 = tpu.memref_slice %arg6[%dma_wait3A_1548, %dma_wait3A_1557, %dma_wait3A_1558] : memref<12x64x128xf32, #tpu.memory_space<vmem>> -> memref<1x64x128xf32, #tpu.memory_space<vmem>>
      %dma_wait3A_1560 = tpu.memref_squeeze %dma_wait3A_1559 : memref<1x64x128xf32, #tpu.memory_space<vmem>> -> memref<64x128xf32, #tpu.memory_space<vmem>>
      tpu.wait_dma2 semaphore(%arg30 : memref<!tpu.dma_semaphore, #tpu.memory_space<semaphore_mem>>) src(%dma_wait3A_1560 : memref<64x128xf32, #tpu.memory_space<vmem>>) dst(%dma_wait3A_1556 : memref<64x128xf32, #tpu.memory_space<hbm>>)
      %add3A_1561 = arith.constant 6 : i32
      %add3A_1562 = arith.addi %add3A_1515, %add3A_1561 : i32
      %mul3A_1563 = arith.constant 64 : i32
      %mul3A_1564 = arith.muli %add3A_1562, %mul3A_1563 : i32
      %dma_start3A_1565 = arith.constant 11 : i32
      %dma_start3A_1566 = arith.constant 0 : i32
      %dma_start3A_1567 = arith.constant 0 : i32
      %dma_start3A_1568 = tpu.memref_slice %arg6[%dma_start3A_1565, %dma_start3A_1566, %dma_start3A_1567] : memref<12x64x128xf32, #tpu.memory_space<vmem>> -> memref<1x64x128xf32, #tpu.memory_space<vmem>>
      %dma_start3A_1569 = tpu.memref_squeeze %dma_start3A_1568 : memref<1x64x128xf32, #tpu.memory_space<vmem>> -> memref<64x128xf32, #tpu.memory_space<vmem>>
      %dma_start3A_1570 = tpu.memref_slice %arg5[%mul3A_1564] : memref<25600xi32, #tpu.memory_space<vmem>> -> memref<64xi32, #tpu.memory_space<vmem>>
      %dma_start3A_1571 = arith.constant 0 : i32
      %dma_start3A_1572 = arith.constant 0 : i32
      %dma_start3A_1573 = tpu.memref_slice %arg3[%dma_start3A_1571, %dma_start3A_1572] : memref<100000x128xf32, #tpu.memory_space<hbm>> -> memref<100000x128xf32, #tpu.memory_space<hbm>>
      tpu.enqueue_indirect_dma source(%dma_start3A_1573 : memref<100000x128xf32, #tpu.memory_space<hbm>>) target(%dma_start3A_1569 : memref<64x128xf32, #tpu.memory_space<vmem>>) offsets(%dma_start3A_1570 : memref<64xi32, #tpu.memory_space<vmem>>) semaphore(%arg18 : memref<!tpu.dma_semaphore, #tpu.memory_space<semaphore_mem>>)
    }
    %scan3A_275 = arith.constant 32 : i32
    %dma_wait3A_276 = arith.constant 6 : i32
    %dma_wait3A_277 = arith.constant 0 : i32
    %dma_wait3A_278 = arith.constant 0 : i32
    %dma_wait3A_279 = tpu.memref_slice %arg6[%dma_wait3A_276, %dma_wait3A_277, %dma_wait3A_278] : memref<12x64x128xf32, #tpu.memory_space<vmem>> -> memref<1x64x128xf32, #tpu.memory_space<vmem>>
    %dma_wait3A_280 = tpu.memref_squeeze %dma_wait3A_279 : memref<1x64x128xf32, #tpu.memory_space<vmem>> -> memref<64x128xf32, #tpu.memory_space<vmem>>
    %dma_wait3A_281 = arith.constant 24960 : i32
    %dma_wait3A_282 = tpu.memref_slice %arg5[%dma_wait3A_281] : memref<25600xi32, #tpu.memory_space<vmem>> -> memref<64xi32, #tpu.memory_space<vmem>>
    %dma_wait3A_283 = arith.constant 0 : i32
    %dma_wait3A_284 = arith.constant 0 : i32
    %dma_wait3A_285 = tpu.memref_slice %arg3[%dma_wait3A_283, %dma_wait3A_284] : memref<100000x128xf32, #tpu.memory_space<hbm>> -> memref<100000x128xf32, #tpu.memory_space<hbm>>
    tpu.wait_indirect_dma semaphore(%arg13 : memref<!tpu.dma_semaphore, #tpu.memory_space<semaphore_mem>>) src(%dma_wait3A_285 : memref<100000x128xf32, #tpu.memory_space<hbm>>) dst(%dma_wait3A_280 : memref<64x128xf32, #tpu.memory_space<vmem>>)
    %add3A_286 = arith.constant 24960 : i32
    %add3A_287 = arith.addi %mul3A_2, %add3A_286 : i32
    %dma_start3A_288 = arith.constant 6 : i32
    %dma_start3A_289 = arith.constant 0 : i32
    %dma_start3A_290 = arith.constant 0 : i32
    %dma_start3A_291 = tpu.memref_slice %arg6[%dma_start3A_288, %dma_start3A_289, %dma_start3A_290] : memref<12x64x128xf32, #tpu.memory_space<vmem>> -> memref<1x64x128xf32, #tpu.memory_space<vmem>>
    %dma_start3A_292 = tpu.memref_squeeze %dma_start3A_291 : memref<1x64x128xf32, #tpu.memory_space<vmem>> -> memref<64x128xf32, #tpu.memory_space<vmem>>
    %dma_start3A_293 = arith.constant 0 : i32
    %dma_start3A_294 = tpu.memref_slice %arg4[%add3A_287, %dma_start3A_293] : memref<819200x128xf32, #tpu.memory_space<hbm>> -> memref<64x128xf32, #tpu.memory_space<hbm>>
    %dma_start3A_295 = arith.constant 0 : i32
    %dma_start3A_296 = tpu.memref_slice %arg4[%add3A_287, %dma_start3A_295] : memref<819200x128xf32, #tpu.memory_space<hbm>> -> memref<64x128xf32, #tpu.memory_space<hbm>>
    %dma_start3A_297 = arith.constant 0 : i32
    %dma_start3A_298 = arith.constant 0 : i32
    %dma_start3A_299 = tpu.memref_slice %arg6[%dma_start3A_288, %dma_start3A_297, %dma_start3A_298] : memref<12x64x128xf32, #tpu.memory_space<vmem>> -> memref<1x64x128xf32, #tpu.memory_space<vmem>>
    %dma_start3A_300 = tpu.memref_squeeze %dma_start3A_299 : memref<1x64x128xf32, #tpu.memory_space<vmem>> -> memref<64x128xf32, #tpu.memory_space<vmem>>
    tpu.enqueue_dma source(%dma_start3A_300 : memref<64x128xf32, #tpu.memory_space<vmem>>) target(%dma_start3A_296 : memref<64x128xf32, #tpu.memory_space<hbm>>) target_semaphore(%arg25 : memref<!tpu.dma_semaphore, #tpu.memory_space<semaphore_mem>>)
    %add3A_301 = arith.constant 24576 : i32
    %add3A_302 = arith.addi %mul3A_2, %add3A_301 : i32
    %dma_wait3A_303 = arith.constant 0 : i32
    %dma_wait3A_304 = arith.constant 0 : i32
    %dma_wait3A_305 = arith.constant 0 : i32
    %dma_wait3A_306 = tpu.memref_slice %arg6[%dma_wait3A_303, %dma_wait3A_304, %dma_wait3A_305] : memref<12x64x128xf32, #tpu.memory_space<vmem>> -> memref<1x64x128xf32, #tpu.memory_space<vmem>>
    %dma_wait3A_307 = tpu.memref_squeeze %dma_wait3A_306 : memref<1x64x128xf32, #tpu.memory_space<vmem>> -> memref<64x128xf32, #tpu.memory_space<vmem>>
    %dma_wait3A_308 = arith.constant 0 : i32
    %dma_wait3A_309 = tpu.memref_slice %arg4[%add3A_302, %dma_wait3A_308] : memref<819200x128xf32, #tpu.memory_space<hbm>> -> memref<64x128xf32, #tpu.memory_space<hbm>>
    %dma_wait3A_310 = arith.constant 0 : i32
    %dma_wait3A_311 = tpu.memref_slice %arg4[%add3A_302, %dma_wait3A_310] : memref<819200x128xf32, #tpu.memory_space<hbm>> -> memref<64x128xf32, #tpu.memory_space<hbm>>
    %dma_wait3A_312 = arith.constant 0 : i32
    %dma_wait3A_313 = arith.constant 0 : i32
    %dma_wait3A_314 = tpu.memref_slice %arg6[%dma_wait3A_303, %dma_wait3A_312, %dma_wait3A_313] : memref<12x64x128xf32, #tpu.memory_space<vmem>> -> memref<1x64x128xf32, #tpu.memory_space<vmem>>
    %dma_wait3A_315 = tpu.memref_squeeze %dma_wait3A_314 : memref<1x64x128xf32, #tpu.memory_space<vmem>> -> memref<64x128xf32, #tpu.memory_space<vmem>>
    tpu.wait_dma2 semaphore(%arg19 : memref<!tpu.dma_semaphore, #tpu.memory_space<semaphore_mem>>) src(%dma_wait3A_315 : memref<64x128xf32, #tpu.memory_space<vmem>>) dst(%dma_wait3A_311 : memref<64x128xf32, #tpu.memory_space<hbm>>)
    %dma_start3A_316 = arith.constant 0 : i32
    %dma_start3A_317 = arith.constant 0 : i32
    %dma_start3A_318 = arith.constant 0 : i32
    %dma_start3A_319 = tpu.memref_slice %arg6[%dma_start3A_316, %dma_start3A_317, %dma_start3A_318] : memref<12x64x128xf32, #tpu.memory_space<vmem>> -> memref<1x64x128xf32, #tpu.memory_space<vmem>>
    %dma_start3A_320 = tpu.memref_squeeze %dma_start3A_319 : memref<1x64x128xf32, #tpu.memory_space<vmem>> -> memref<64x128xf32, #tpu.memory_space<vmem>>
    %dma_start3A_321 = arith.constant 25344 : i32
    %dma_start3A_322 = tpu.memref_slice %arg5[%dma_start3A_321] : memref<25600xi32, #tpu.memory_space<vmem>> -> memref<64xi32, #tpu.memory_space<vmem>>
    %dma_start3A_323 = arith.constant 0 : i32
    %dma_start3A_324 = arith.constant 0 : i32
    %dma_start3A_325 = tpu.memref_slice %arg3[%dma_start3A_323, %dma_start3A_324] : memref<100000x128xf32, #tpu.memory_space<hbm>> -> memref<100000x128xf32, #tpu.memory_space<hbm>>
    tpu.enqueue_indirect_dma source(%dma_start3A_325 : memref<100000x128xf32, #tpu.memory_space<hbm>>) target(%dma_start3A_320 : memref<64x128xf32, #tpu.memory_space<vmem>>) offsets(%dma_start3A_322 : memref<64xi32, #tpu.memory_space<vmem>>) semaphore(%arg7 : memref<!tpu.dma_semaphore, #tpu.memory_space<semaphore_mem>>)
    %dma_wait3A_326 = arith.constant 7 : i32
    %dma_wait3A_327 = arith.constant 0 : i32
    %dma_wait3A_328 = arith.constant 0 : i32
    %dma_wait3A_329 = tpu.memref_slice %arg6[%dma_wait3A_326, %dma_wait3A_327, %dma_wait3A_328] : memref<12x64x128xf32, #tpu.memory_space<vmem>> -> memref<1x64x128xf32, #tpu.memory_space<vmem>>
    %dma_wait3A_330 = tpu.memref_squeeze %dma_wait3A_329 : memref<1x64x128xf32, #tpu.memory_space<vmem>> -> memref<64x128xf32, #tpu.memory_space<vmem>>
    %dma_wait3A_331 = arith.constant 25024 : i32
    %dma_wait3A_332 = tpu.memref_slice %arg5[%dma_wait3A_331] : memref<25600xi32, #tpu.memory_space<vmem>> -> memref<64xi32, #tpu.memory_space<vmem>>
    %dma_wait3A_333 = arith.constant 0 : i32
    %dma_wait3A_334 = arith.constant 0 : i32
    %dma_wait3A_335 = tpu.memref_slice %arg3[%dma_wait3A_333, %dma_wait3A_334] : memref<100000x128xf32, #tpu.memory_space<hbm>> -> memref<100000x128xf32, #tpu.memory_space<hbm>>
    tpu.wait_indirect_dma semaphore(%arg14 : memref<!tpu.dma_semaphore, #tpu.memory_space<semaphore_mem>>) src(%dma_wait3A_335 : memref<100000x128xf32, #tpu.memory_space<hbm>>) dst(%dma_wait3A_330 : memref<64x128xf32, #tpu.memory_space<vmem>>)
    %add3A_336 = arith.constant 25024 : i32
    %add3A_337 = arith.addi %mul3A_2, %add3A_336 : i32
    %dma_start3A_338 = arith.constant 7 : i32
    %dma_start3A_339 = arith.constant 0 : i32
    %dma_start3A_340 = arith.constant 0 : i32
    %dma_start3A_341 = tpu.memref_slice %arg6[%dma_start3A_338, %dma_start3A_339, %dma_start3A_340] : memref<12x64x128xf32, #tpu.memory_space<vmem>> -> memref<1x64x128xf32, #tpu.memory_space<vmem>>
    %dma_start3A_342 = tpu.memref_squeeze %dma_start3A_341 : memref<1x64x128xf32, #tpu.memory_space<vmem>> -> memref<64x128xf32, #tpu.memory_space<vmem>>
    %dma_start3A_343 = arith.constant 0 : i32
    %dma_start3A_344 = tpu.memref_slice %arg4[%add3A_337, %dma_start3A_343] : memref<819200x128xf32, #tpu.memory_space<hbm>> -> memref<64x128xf32, #tpu.memory_space<hbm>>
    %dma_start3A_345 = arith.constant 0 : i32
    %dma_start3A_346 = tpu.memref_slice %arg4[%add3A_337, %dma_start3A_345] : memref<819200x128xf32, #tpu.memory_space<hbm>> -> memref<64x128xf32, #tpu.memory_space<hbm>>
    %dma_start3A_347 = arith.constant 0 : i32
    %dma_start3A_348 = arith.constant 0 : i32
    %dma_start3A_349 = tpu.memref_slice %arg6[%dma_start3A_338, %dma_start3A_347, %dma_start3A_348] : memref<12x64x128xf32, #tpu.memory_space<vmem>> -> memref<1x64x128xf32, #tpu.memory_space<vmem>>
    %dma_start3A_350 = tpu.memref_squeeze %dma_start3A_349 : memref<1x64x128xf32, #tpu.memory_space<vmem>> -> memref<64x128xf32, #tpu.memory_space<vmem>>
    tpu.enqueue_dma source(%dma_start3A_350 : memref<64x128xf32, #tpu.memory_space<vmem>>) target(%dma_start3A_346 : memref<64x128xf32, #tpu.memory_space<hbm>>) target_semaphore(%arg26 : memref<!tpu.dma_semaphore, #tpu.memory_space<semaphore_mem>>)
    %add3A_351 = arith.constant 24640 : i32
    %add3A_352 = arith.addi %mul3A_2, %add3A_351 : i32
    %dma_wait3A_353 = arith.constant 1 : i32
    %dma_wait3A_354 = arith.constant 0 : i32
    %dma_wait3A_355 = arith.constant 0 : i32
    %dma_wait3A_356 = tpu.memref_slice %arg6[%dma_wait3A_353, %dma_wait3A_354, %dma_wait3A_355] : memref<12x64x128xf32, #tpu.memory_space<vmem>> -> memref<1x64x128xf32, #tpu.memory_space<vmem>>
    %dma_wait3A_357 = tpu.memref_squeeze %dma_wait3A_356 : memref<1x64x128xf32, #tpu.memory_space<vmem>> -> memref<64x128xf32, #tpu.memory_space<vmem>>
    %dma_wait3A_358 = arith.constant 0 : i32
    %dma_wait3A_359 = tpu.memref_slice %arg4[%add3A_352, %dma_wait3A_358] : memref<819200x128xf32, #tpu.memory_space<hbm>> -> memref<64x128xf32, #tpu.memory_space<hbm>>
    %dma_wait3A_360 = arith.constant 0 : i32
    %dma_wait3A_361 = tpu.memref_slice %arg4[%add3A_352, %dma_wait3A_360] : memref<819200x128xf32, #tpu.memory_space<hbm>> -> memref<64x128xf32, #tpu.memory_space<hbm>>
    %dma_wait3A_362 = arith.constant 0 : i32
    %dma_wait3A_363 = arith.constant 0 : i32
    %dma_wait3A_364 = tpu.memref_slice %arg6[%dma_wait3A_353, %dma_wait3A_362, %dma_wait3A_363] : memref<12x64x128xf32, #tpu.memory_space<vmem>> -> memref<1x64x128xf32, #tpu.memory_space<vmem>>
    %dma_wait3A_365 = tpu.memref_squeeze %dma_wait3A_364 : memref<1x64x128xf32, #tpu.memory_space<vmem>> -> memref<64x128xf32, #tpu.memory_space<vmem>>
    tpu.wait_dma2 semaphore(%arg20 : memref<!tpu.dma_semaphore, #tpu.memory_space<semaphore_mem>>) src(%dma_wait3A_365 : memref<64x128xf32, #tpu.memory_space<vmem>>) dst(%dma_wait3A_361 : memref<64x128xf32, #tpu.memory_space<hbm>>)
    %dma_start3A_366 = arith.constant 1 : i32
    %dma_start3A_367 = arith.constant 0 : i32
    %dma_start3A_368 = arith.constant 0 : i32
    %dma_start3A_369 = tpu.memref_slice %arg6[%dma_start3A_366, %dma_start3A_367, %dma_start3A_368] : memref<12x64x128xf32, #tpu.memory_space<vmem>> -> memref<1x64x128xf32, #tpu.memory_space<vmem>>
    %dma_start3A_370 = tpu.memref_squeeze %dma_start3A_369 : memref<1x64x128xf32, #tpu.memory_space<vmem>> -> memref<64x128xf32, #tpu.memory_space<vmem>>
    %dma_start3A_371 = arith.constant 25408 : i32
    %dma_start3A_372 = tpu.memref_slice %arg5[%dma_start3A_371] : memref<25600xi32, #tpu.memory_space<vmem>> -> memref<64xi32, #tpu.memory_space<vmem>>
    %dma_start3A_373 = arith.constant 0 : i32
    %dma_start3A_374 = arith.constant 0 : i32
    %dma_start3A_375 = tpu.memref_slice %arg3[%dma_start3A_373, %dma_start3A_374] : memref<100000x128xf32, #tpu.memory_space<hbm>> -> memref<100000x128xf32, #tpu.memory_space<hbm>>
    tpu.enqueue_indirect_dma source(%dma_start3A_375 : memref<100000x128xf32, #tpu.memory_space<hbm>>) target(%dma_start3A_370 : memref<64x128xf32, #tpu.memory_space<vmem>>) offsets(%dma_start3A_372 : memref<64xi32, #tpu.memory_space<vmem>>) semaphore(%arg8 : memref<!tpu.dma_semaphore, #tpu.memory_space<semaphore_mem>>)
    %dma_wait3A_376 = arith.constant 8 : i32
    %dma_wait3A_377 = arith.constant 0 : i32
    %dma_wait3A_378 = arith.constant 0 : i32
    %dma_wait3A_379 = tpu.memref_slice %arg6[%dma_wait3A_376, %dma_wait3A_377, %dma_wait3A_378] : memref<12x64x128xf32, #tpu.memory_space<vmem>> -> memref<1x64x128xf32, #tpu.memory_space<vmem>>
    %dma_wait3A_380 = tpu.memref_squeeze %dma_wait3A_379 : memref<1x64x128xf32, #tpu.memory_space<vmem>> -> memref<64x128xf32, #tpu.memory_space<vmem>>
    %dma_wait3A_381 = arith.constant 25088 : i32
    %dma_wait3A_382 = tpu.memref_slice %arg5[%dma_wait3A_381] : memref<25600xi32, #tpu.memory_space<vmem>> -> memref<64xi32, #tpu.memory_space<vmem>>
    %dma_wait3A_383 = arith.constant 0 : i32
    %dma_wait3A_384 = arith.constant 0 : i32
    %dma_wait3A_385 = tpu.memref_slice %arg3[%dma_wait3A_383, %dma_wait3A_384] : memref<100000x128xf32, #tpu.memory_space<hbm>> -> memref<100000x128xf32, #tpu.memory_space<hbm>>
    tpu.wait_indirect_dma semaphore(%arg15 : memref<!tpu.dma_semaphore, #tpu.memory_space<semaphore_mem>>) src(%dma_wait3A_385 : memref<100000x128xf32, #tpu.memory_space<hbm>>) dst(%dma_wait3A_380 : memref<64x128xf32, #tpu.memory_space<vmem>>)
    %add3A_386 = arith.constant 25088 : i32
    %add3A_387 = arith.addi %mul3A_2, %add3A_386 : i32
    %dma_start3A_388 = arith.constant 8 : i32
    %dma_start3A_389 = arith.constant 0 : i32
    %dma_start3A_390 = arith.constant 0 : i32
    %dma_start3A_391 = tpu.memref_slice %arg6[%dma_start3A_388, %dma_start3A_389, %dma_start3A_390] : memref<12x64x128xf32, #tpu.memory_space<vmem>> -> memref<1x64x128xf32, #tpu.memory_space<vmem>>
    %dma_start3A_392 = tpu.memref_squeeze %dma_start3A_391 : memref<1x64x128xf32, #tpu.memory_space<vmem>> -> memref<64x128xf32, #tpu.memory_space<vmem>>
    %dma_start3A_393 = arith.constant 0 : i32
    %dma_start3A_394 = tpu.memref_slice %arg4[%add3A_387, %dma_start3A_393] : memref<819200x128xf32, #tpu.memory_space<hbm>> -> memref<64x128xf32, #tpu.memory_space<hbm>>
    %dma_start3A_395 = arith.constant 0 : i32
    %dma_start3A_396 = tpu.memref_slice %arg4[%add3A_387, %dma_start3A_395] : memref<819200x128xf32, #tpu.memory_space<hbm>> -> memref<64x128xf32, #tpu.memory_space<hbm>>
    %dma_start3A_397 = arith.constant 0 : i32
    %dma_start3A_398 = arith.constant 0 : i32
    %dma_start3A_399 = tpu.memref_slice %arg6[%dma_start3A_388, %dma_start3A_397, %dma_start3A_398] : memref<12x64x128xf32, #tpu.memory_space<vmem>> -> memref<1x64x128xf32, #tpu.memory_space<vmem>>
    %dma_start3A_400 = tpu.memref_squeeze %dma_start3A_399 : memref<1x64x128xf32, #tpu.memory_space<vmem>> -> memref<64x128xf32, #tpu.memory_space<vmem>>
    tpu.enqueue_dma source(%dma_start3A_400 : memref<64x128xf32, #tpu.memory_space<vmem>>) target(%dma_start3A_396 : memref<64x128xf32, #tpu.memory_space<hbm>>) target_semaphore(%arg27 : memref<!tpu.dma_semaphore, #tpu.memory_space<semaphore_mem>>)
    %add3A_401 = arith.constant 24704 : i32
    %add3A_402 = arith.addi %mul3A_2, %add3A_401 : i32
    %dma_wait3A_403 = arith.constant 2 : i32
    %dma_wait3A_404 = arith.constant 0 : i32
    %dma_wait3A_405 = arith.constant 0 : i32
    %dma_wait3A_406 = tpu.memref_slice %arg6[%dma_wait3A_403, %dma_wait3A_404, %dma_wait3A_405] : memref<12x64x128xf32, #tpu.memory_space<vmem>> -> memref<1x64x128xf32, #tpu.memory_space<vmem>>
    %dma_wait3A_407 = tpu.memref_squeeze %dma_wait3A_406 : memref<1x64x128xf32, #tpu.memory_space<vmem>> -> memref<64x128xf32, #tpu.memory_space<vmem>>
    %dma_wait3A_408 = arith.constant 0 : i32
    %dma_wait3A_409 = tpu.memref_slice %arg4[%add3A_402, %dma_wait3A_408] : memref<819200x128xf32, #tpu.memory_space<hbm>> -> memref<64x128xf32, #tpu.memory_space<hbm>>
    %dma_wait3A_410 = arith.constant 0 : i32
    %dma_wait3A_411 = tpu.memref_slice %arg4[%add3A_402, %dma_wait3A_410] : memref<819200x128xf32, #tpu.memory_space<hbm>> -> memref<64x128xf32, #tpu.memory_space<hbm>>
    %dma_wait3A_412 = arith.constant 0 : i32
    %dma_wait3A_413 = arith.constant 0 : i32
    %dma_wait3A_414 = tpu.memref_slice %arg6[%dma_wait3A_403, %dma_wait3A_412, %dma_wait3A_413] : memref<12x64x128xf32, #tpu.memory_space<vmem>> -> memref<1x64x128xf32, #tpu.memory_space<vmem>>
    %dma_wait3A_415 = tpu.memref_squeeze %dma_wait3A_414 : memref<1x64x128xf32, #tpu.memory_space<vmem>> -> memref<64x128xf32, #tpu.memory_space<vmem>>
    tpu.wait_dma2 semaphore(%arg21 : memref<!tpu.dma_semaphore, #tpu.memory_space<semaphore_mem>>) src(%dma_wait3A_415 : memref<64x128xf32, #tpu.memory_space<vmem>>) dst(%dma_wait3A_411 : memref<64x128xf32, #tpu.memory_space<hbm>>)
    %dma_start3A_416 = arith.constant 2 : i32
    %dma_start3A_417 = arith.constant 0 : i32
    %dma_start3A_418 = arith.constant 0 : i32
    %dma_start3A_419 = tpu.memref_slice %arg6[%dma_start3A_416, %dma_start3A_417, %dma_start3A_418] : memref<12x64x128xf32, #tpu.memory_space<vmem>> -> memref<1x64x128xf32, #tpu.memory_space<vmem>>
    %dma_start3A_420 = tpu.memref_squeeze %dma_start3A_419 : memref<1x64x128xf32, #tpu.memory_space<vmem>> -> memref<64x128xf32, #tpu.memory_space<vmem>>
    %dma_start3A_421 = arith.constant 25472 : i32
    %dma_start3A_422 = tpu.memref_slice %arg5[%dma_start3A_421] : memref<25600xi32, #tpu.memory_space<vmem>> -> memref<64xi32, #tpu.memory_space<vmem>>
    %dma_start3A_423 = arith.constant 0 : i32
    %dma_start3A_424 = arith.constant 0 : i32
    %dma_start3A_425 = tpu.memref_slice %arg3[%dma_start3A_423, %dma_start3A_424] : memref<100000x128xf32, #tpu.memory_space<hbm>> -> memref<100000x128xf32, #tpu.memory_space<hbm>>
    tpu.enqueue_indirect_dma source(%dma_start3A_425 : memref<100000x128xf32, #tpu.memory_space<hbm>>) target(%dma_start3A_420 : memref<64x128xf32, #tpu.memory_space<vmem>>) offsets(%dma_start3A_422 : memref<64xi32, #tpu.memory_space<vmem>>) semaphore(%arg9 : memref<!tpu.dma_semaphore, #tpu.memory_space<semaphore_mem>>)
    %dma_wait3A_426 = arith.constant 9 : i32
    %dma_wait3A_427 = arith.constant 0 : i32
    %dma_wait3A_428 = arith.constant 0 : i32
    %dma_wait3A_429 = tpu.memref_slice %arg6[%dma_wait3A_426, %dma_wait3A_427, %dma_wait3A_428] : memref<12x64x128xf32, #tpu.memory_space<vmem>> -> memref<1x64x128xf32, #tpu.memory_space<vmem>>
    %dma_wait3A_430 = tpu.memref_squeeze %dma_wait3A_429 : memref<1x64x128xf32, #tpu.memory_space<vmem>> -> memref<64x128xf32, #tpu.memory_space<vmem>>
    %dma_wait3A_431 = arith.constant 25152 : i32
    %dma_wait3A_432 = tpu.memref_slice %arg5[%dma_wait3A_431] : memref<25600xi32, #tpu.memory_space<vmem>> -> memref<64xi32, #tpu.memory_space<vmem>>
    %dma_wait3A_433 = arith.constant 0 : i32
    %dma_wait3A_434 = arith.constant 0 : i32
    %dma_wait3A_435 = tpu.memref_slice %arg3[%dma_wait3A_433, %dma_wait3A_434] : memref<100000x128xf32, #tpu.memory_space<hbm>> -> memref<100000x128xf32, #tpu.memory_space<hbm>>
    tpu.wait_indirect_dma semaphore(%arg16 : memref<!tpu.dma_semaphore, #tpu.memory_space<semaphore_mem>>) src(%dma_wait3A_435 : memref<100000x128xf32, #tpu.memory_space<hbm>>) dst(%dma_wait3A_430 : memref<64x128xf32, #tpu.memory_space<vmem>>)
    %add3A_436 = arith.constant 25152 : i32
    %add3A_437 = arith.addi %mul3A_2, %add3A_436 : i32
    %dma_start3A_438 = arith.constant 9 : i32
    %dma_start3A_439 = arith.constant 0 : i32
    %dma_start3A_440 = arith.constant 0 : i32
    %dma_start3A_441 = tpu.memref_slice %arg6[%dma_start3A_438, %dma_start3A_439, %dma_start3A_440] : memref<12x64x128xf32, #tpu.memory_space<vmem>> -> memref<1x64x128xf32, #tpu.memory_space<vmem>>
    %dma_start3A_442 = tpu.memref_squeeze %dma_start3A_441 : memref<1x64x128xf32, #tpu.memory_space<vmem>> -> memref<64x128xf32, #tpu.memory_space<vmem>>
    %dma_start3A_443 = arith.constant 0 : i32
    %dma_start3A_444 = tpu.memref_slice %arg4[%add3A_437, %dma_start3A_443] : memref<819200x128xf32, #tpu.memory_space<hbm>> -> memref<64x128xf32, #tpu.memory_space<hbm>>
    %dma_start3A_445 = arith.constant 0 : i32
    %dma_start3A_446 = tpu.memref_slice %arg4[%add3A_437, %dma_start3A_445] : memref<819200x128xf32, #tpu.memory_space<hbm>> -> memref<64x128xf32, #tpu.memory_space<hbm>>
    %dma_start3A_447 = arith.constant 0 : i32
    %dma_start3A_448 = arith.constant 0 : i32
    %dma_start3A_449 = tpu.memref_slice %arg6[%dma_start3A_438, %dma_start3A_447, %dma_start3A_448] : memref<12x64x128xf32, #tpu.memory_space<vmem>> -> memref<1x64x128xf32, #tpu.memory_space<vmem>>
    %dma_start3A_450 = tpu.memref_squeeze %dma_start3A_449 : memref<1x64x128xf32, #tpu.memory_space<vmem>> -> memref<64x128xf32, #tpu.memory_space<vmem>>
    tpu.enqueue_dma source(%dma_start3A_450 : memref<64x128xf32, #tpu.memory_space<vmem>>) target(%dma_start3A_446 : memref<64x128xf32, #tpu.memory_space<hbm>>) target_semaphore(%arg28 : memref<!tpu.dma_semaphore, #tpu.memory_space<semaphore_mem>>)
    %add3A_451 = arith.constant 24768 : i32
    %add3A_452 = arith.addi %mul3A_2, %add3A_451 : i32
    %dma_wait3A_453 = arith.constant 3 : i32
    %dma_wait3A_454 = arith.constant 0 : i32
    %dma_wait3A_455 = arith.constant 0 : i32
    %dma_wait3A_456 = tpu.memref_slice %arg6[%dma_wait3A_453, %dma_wait3A_454, %dma_wait3A_455] : memref<12x64x128xf32, #tpu.memory_space<vmem>> -> memref<1x64x128xf32, #tpu.memory_space<vmem>>
    %dma_wait3A_457 = tpu.memref_squeeze %dma_wait3A_456 : memref<1x64x128xf32, #tpu.memory_space<vmem>> -> memref<64x128xf32, #tpu.memory_space<vmem>>
    %dma_wait3A_458 = arith.constant 0 : i32
    %dma_wait3A_459 = tpu.memref_slice %arg4[%add3A_452, %dma_wait3A_458] : memref<819200x128xf32, #tpu.memory_space<hbm>> -> memref<64x128xf32, #tpu.memory_space<hbm>>
    %dma_wait3A_460 = arith.constant 0 : i32
    %dma_wait3A_461 = tpu.memref_slice %arg4[%add3A_452, %dma_wait3A_460] : memref<819200x128xf32, #tpu.memory_space<hbm>> -> memref<64x128xf32, #tpu.memory_space<hbm>>
    %dma_wait3A_462 = arith.constant 0 : i32
    %dma_wait3A_463 = arith.constant 0 : i32
    %dma_wait3A_464 = tpu.memref_slice %arg6[%dma_wait3A_453, %dma_wait3A_462, %dma_wait3A_463] : memref<12x64x128xf32, #tpu.memory_space<vmem>> -> memref<1x64x128xf32, #tpu.memory_space<vmem>>
    %dma_wait3A_465 = tpu.memref_squeeze %dma_wait3A_464 : memref<1x64x128xf32, #tpu.memory_space<vmem>> -> memref<64x128xf32, #tpu.memory_space<vmem>>
    tpu.wait_dma2 semaphore(%arg22 : memref<!tpu.dma_semaphore, #tpu.memory_space<semaphore_mem>>) src(%dma_wait3A_465 : memref<64x128xf32, #tpu.memory_space<vmem>>) dst(%dma_wait3A_461 : memref<64x128xf32, #tpu.memory_space<hbm>>)
    %dma_start3A_466 = arith.constant 3 : i32
    %dma_start3A_467 = arith.constant 0 : i32
    %dma_start3A_468 = arith.constant 0 : i32
    %dma_start3A_469 = tpu.memref_slice %arg6[%dma_start3A_466, %dma_start3A_467, %dma_start3A_468] : memref<12x64x128xf32, #tpu.memory_space<vmem>> -> memref<1x64x128xf32, #tpu.memory_space<vmem>>
    %dma_start3A_470 = tpu.memref_squeeze %dma_start3A_469 : memref<1x64x128xf32, #tpu.memory_space<vmem>> -> memref<64x128xf32, #tpu.memory_space<vmem>>
    %dma_start3A_471 = arith.constant 25536 : i32
    %dma_start3A_472 = tpu.memref_slice %arg5[%dma_start3A_471] : memref<25600xi32, #tpu.memory_space<vmem>> -> memref<64xi32, #tpu.memory_space<vmem>>
    %dma_start3A_473 = arith.constant 0 : i32
    %dma_start3A_474 = arith.constant 0 : i32
    %dma_start3A_475 = tpu.memref_slice %arg3[%dma_start3A_473, %dma_start3A_474] : memref<100000x128xf32, #tpu.memory_space<hbm>> -> memref<100000x128xf32, #tpu.memory_space<hbm>>
    tpu.enqueue_indirect_dma source(%dma_start3A_475 : memref<100000x128xf32, #tpu.memory_space<hbm>>) target(%dma_start3A_470 : memref<64x128xf32, #tpu.memory_space<vmem>>) offsets(%dma_start3A_472 : memref<64xi32, #tpu.memory_space<vmem>>) semaphore(%arg10 : memref<!tpu.dma_semaphore, #tpu.memory_space<semaphore_mem>>)
    %dma_wait3A_476 = arith.constant 10 : i32
    %dma_wait3A_477 = arith.constant 0 : i32
    %dma_wait3A_478 = arith.constant 0 : i32
    %dma_wait3A_479 = tpu.memref_slice %arg6[%dma_wait3A_476, %dma_wait3A_477, %dma_wait3A_478] : memref<12x64x128xf32, #tpu.memory_space<vmem>> -> memref<1x64x128xf32, #tpu.memory_space<vmem>>
    %dma_wait3A_480 = tpu.memref_squeeze %dma_wait3A_479 : memref<1x64x128xf32, #tpu.memory_space<vmem>> -> memref<64x128xf32, #tpu.memory_space<vmem>>
    %dma_wait3A_481 = arith.constant 25216 : i32
    %dma_wait3A_482 = tpu.memref_slice %arg5[%dma_wait3A_481] : memref<25600xi32, #tpu.memory_space<vmem>> -> memref<64xi32, #tpu.memory_space<vmem>>
    %dma_wait3A_483 = arith.constant 0 : i32
    %dma_wait3A_484 = arith.constant 0 : i32
    %dma_wait3A_485 = tpu.memref_slice %arg3[%dma_wait3A_483, %dma_wait3A_484] : memref<100000x128xf32, #tpu.memory_space<hbm>> -> memref<100000x128xf32, #tpu.memory_space<hbm>>
    tpu.wait_indirect_dma semaphore(%arg17 : memref<!tpu.dma_semaphore, #tpu.memory_space<semaphore_mem>>) src(%dma_wait3A_485 : memref<100000x128xf32, #tpu.memory_space<hbm>>) dst(%dma_wait3A_480 : memref<64x128xf32, #tpu.memory_space<vmem>>)
    %add3A_486 = arith.constant 25216 : i32
    %add3A_487 = arith.addi %mul3A_2, %add3A_486 : i32
    %dma_start3A_488 = arith.constant 10 : i32
    %dma_start3A_489 = arith.constant 0 : i32
    %dma_start3A_490 = arith.constant 0 : i32
    %dma_start3A_491 = tpu.memref_slice %arg6[%dma_start3A_488, %dma_start3A_489, %dma_start3A_490] : memref<12x64x128xf32, #tpu.memory_space<vmem>> -> memref<1x64x128xf32, #tpu.memory_space<vmem>>
    %dma_start3A_492 = tpu.memref_squeeze %dma_start3A_491 : memref<1x64x128xf32, #tpu.memory_space<vmem>> -> memref<64x128xf32, #tpu.memory_space<vmem>>
    %dma_start3A_493 = arith.constant 0 : i32
    %dma_start3A_494 = tpu.memref_slice %arg4[%add3A_487, %dma_start3A_493] : memref<819200x128xf32, #tpu.memory_space<hbm>> -> memref<64x128xf32, #tpu.memory_space<hbm>>
    %dma_start3A_495 = arith.constant 0 : i32
    %dma_start3A_496 = tpu.memref_slice %arg4[%add3A_487, %dma_start3A_495] : memref<819200x128xf32, #tpu.memory_space<hbm>> -> memref<64x128xf32, #tpu.memory_space<hbm>>
    %dma_start3A_497 = arith.constant 0 : i32
    %dma_start3A_498 = arith.constant 0 : i32
    %dma_start3A_499 = tpu.memref_slice %arg6[%dma_start3A_488, %dma_start3A_497, %dma_start3A_498] : memref<12x64x128xf32, #tpu.memory_space<vmem>> -> memref<1x64x128xf32, #tpu.memory_space<vmem>>
    %dma_start3A_500 = tpu.memref_squeeze %dma_start3A_499 : memref<1x64x128xf32, #tpu.memory_space<vmem>> -> memref<64x128xf32, #tpu.memory_space<vmem>>
    tpu.enqueue_dma source(%dma_start3A_500 : memref<64x128xf32, #tpu.memory_space<vmem>>) target(%dma_start3A_496 : memref<64x128xf32, #tpu.memory_space<hbm>>) target_semaphore(%arg29 : memref<!tpu.dma_semaphore, #tpu.memory_space<semaphore_mem>>)
    %add3A_501 = arith.constant 24832 : i32
    %add3A_502 = arith.addi %mul3A_2, %add3A_501 : i32
    %dma_wait3A_503 = arith.constant 4 : i32
    %dma_wait3A_504 = arith.constant 0 : i32
    %dma_wait3A_505 = arith.constant 0 : i32
    %dma_wait3A_506 = tpu.memref_slice %arg6[%dma_wait3A_503, %dma_wait3A_504, %dma_wait3A_505] : memref<12x64x128xf32, #tpu.memory_space<vmem>> -> memref<1x64x128xf32, #tpu.memory_space<vmem>>
    %dma_wait3A_507 = tpu.memref_squeeze %dma_wait3A_506 : memref<1x64x128xf32, #tpu.memory_space<vmem>> -> memref<64x128xf32, #tpu.memory_space<vmem>>
    %dma_wait3A_508 = arith.constant 0 : i32
    %dma_wait3A_509 = tpu.memref_slice %arg4[%add3A_502, %dma_wait3A_508] : memref<819200x128xf32, #tpu.memory_space<hbm>> -> memref<64x128xf32, #tpu.memory_space<hbm>>
    %dma_wait3A_510 = arith.constant 0 : i32
    %dma_wait3A_511 = tpu.memref_slice %arg4[%add3A_502, %dma_wait3A_510] : memref<819200x128xf32, #tpu.memory_space<hbm>> -> memref<64x128xf32, #tpu.memory_space<hbm>>
    %dma_wait3A_512 = arith.constant 0 : i32
    %dma_wait3A_513 = arith.constant 0 : i32
    %dma_wait3A_514 = tpu.memref_slice %arg6[%dma_wait3A_503, %dma_wait3A_512, %dma_wait3A_513] : memref<12x64x128xf32, #tpu.memory_space<vmem>> -> memref<1x64x128xf32, #tpu.memory_space<vmem>>
    %dma_wait3A_515 = tpu.memref_squeeze %dma_wait3A_514 : memref<1x64x128xf32, #tpu.memory_space<vmem>> -> memref<64x128xf32, #tpu.memory_space<vmem>>
    tpu.wait_dma2 semaphore(%arg23 : memref<!tpu.dma_semaphore, #tpu.memory_space<semaphore_mem>>) src(%dma_wait3A_515 : memref<64x128xf32, #tpu.memory_space<vmem>>) dst(%dma_wait3A_511 : memref<64x128xf32, #tpu.memory_space<hbm>>)
    %dma_wait3A_516 = arith.constant 11 : i32
    %dma_wait3A_517 = arith.constant 0 : i32
    %dma_wait3A_518 = arith.constant 0 : i32
    %dma_wait3A_519 = tpu.memref_slice %arg6[%dma_wait3A_516, %dma_wait3A_517, %dma_wait3A_518] : memref<12x64x128xf32, #tpu.memory_space<vmem>> -> memref<1x64x128xf32, #tpu.memory_space<vmem>>
    %dma_wait3A_520 = tpu.memref_squeeze %dma_wait3A_519 : memref<1x64x128xf32, #tpu.memory_space<vmem>> -> memref<64x128xf32, #tpu.memory_space<vmem>>
    %dma_wait3A_521 = arith.constant 25280 : i32
    %dma_wait3A_522 = tpu.memref_slice %arg5[%dma_wait3A_521] : memref<25600xi32, #tpu.memory_space<vmem>> -> memref<64xi32, #tpu.memory_space<vmem>>
    %dma_wait3A_523 = arith.constant 0 : i32
    %dma_wait3A_524 = arith.constant 0 : i32
    %dma_wait3A_525 = tpu.memref_slice %arg3[%dma_wait3A_523, %dma_wait3A_524] : memref<100000x128xf32, #tpu.memory_space<hbm>> -> memref<100000x128xf32, #tpu.memory_space<hbm>>
    tpu.wait_indirect_dma semaphore(%arg18 : memref<!tpu.dma_semaphore, #tpu.memory_space<semaphore_mem>>) src(%dma_wait3A_525 : memref<100000x128xf32, #tpu.memory_space<hbm>>) dst(%dma_wait3A_520 : memref<64x128xf32, #tpu.memory_space<vmem>>)
    %add3A_526 = arith.constant 25280 : i32
    %add3A_527 = arith.addi %mul3A_2, %add3A_526 : i32
    %dma_start3A_528 = arith.constant 11 : i32
    %dma_start3A_529 = arith.constant 0 : i32
    %dma_start3A_530 = arith.constant 0 : i32
    %dma_start3A_531 = tpu.memref_slice %arg6[%dma_start3A_528, %dma_start3A_529, %dma_start3A_530] : memref<12x64x128xf32, #tpu.memory_space<vmem>> -> memref<1x64x128xf32, #tpu.memory_space<vmem>>
    %dma_start3A_532 = tpu.memref_squeeze %dma_start3A_531 : memref<1x64x128xf32, #tpu.memory_space<vmem>> -> memref<64x128xf32, #tpu.memory_space<vmem>>
    %dma_start3A_533 = arith.constant 0 : i32
    %dma_start3A_534 = tpu.memref_slice %arg4[%add3A_527, %dma_start3A_533] : memref<819200x128xf32, #tpu.memory_space<hbm>> -> memref<64x128xf32, #tpu.memory_space<hbm>>
    %dma_start3A_535 = arith.constant 0 : i32
    %dma_start3A_536 = tpu.memref_slice %arg4[%add3A_527, %dma_start3A_535] : memref<819200x128xf32, #tpu.memory_space<hbm>> -> memref<64x128xf32, #tpu.memory_space<hbm>>
    %dma_start3A_537 = arith.constant 0 : i32
    %dma_start3A_538 = arith.constant 0 : i32
    %dma_start3A_539 = tpu.memref_slice %arg6[%dma_start3A_528, %dma_start3A_537, %dma_start3A_538] : memref<12x64x128xf32, #tpu.memory_space<vmem>> -> memref<1x64x128xf32, #tpu.memory_space<vmem>>
    %dma_start3A_540 = tpu.memref_squeeze %dma_start3A_539 : memref<1x64x128xf32, #tpu.memory_space<vmem>> -> memref<64x128xf32, #tpu.memory_space<vmem>>
    tpu.enqueue_dma source(%dma_start3A_540 : memref<64x128xf32, #tpu.memory_space<vmem>>) target(%dma_start3A_536 : memref<64x128xf32, #tpu.memory_space<hbm>>) target_semaphore(%arg30 : memref<!tpu.dma_semaphore, #tpu.memory_space<semaphore_mem>>)
    %add3A_541 = arith.constant 24896 : i32
    %add3A_542 = arith.addi %mul3A_2, %add3A_541 : i32
    %dma_wait3A_543 = arith.constant 5 : i32
    %dma_wait3A_544 = arith.constant 0 : i32
    %dma_wait3A_545 = arith.constant 0 : i32
    %dma_wait3A_546 = tpu.memref_slice %arg6[%dma_wait3A_543, %dma_wait3A_544, %dma_wait3A_545] : memref<12x64x128xf32, #tpu.memory_space<vmem>> -> memref<1x64x128xf32, #tpu.memory_space<vmem>>
    %dma_wait3A_547 = tpu.memref_squeeze %dma_wait3A_546 : memref<1x64x128xf32, #tpu.memory_space<vmem>> -> memref<64x128xf32, #tpu.memory_space<vmem>>
    %dma_wait3A_548 = arith.constant 0 : i32
    %dma_wait3A_549 = tpu.memref_slice %arg4[%add3A_542, %dma_wait3A_548] : memref<819200x128xf32, #tpu.memory_space<hbm>> -> memref<64x128xf32, #tpu.memory_space<hbm>>
    %dma_wait3A_550 = arith.constant 0 : i32
    %dma_wait3A_551 = tpu.memref_slice %arg4[%add3A_542, %dma_wait3A_550] : memref<819200x128xf32, #tpu.memory_space<hbm>> -> memref<64x128xf32, #tpu.memory_space<hbm>>
    %dma_wait3A_552 = arith.constant 0 : i32
    %dma_wait3A_553 = arith.constant 0 : i32
    %dma_wait3A_554 = tpu.memref_slice %arg6[%dma_wait3A_543, %dma_wait3A_552, %dma_wait3A_553] : memref<12x64x128xf32, #tpu.memory_space<vmem>> -> memref<1x64x128xf32, #tpu.memory_space<vmem>>
    %dma_wait3A_555 = tpu.memref_squeeze %dma_wait3A_554 : memref<1x64x128xf32, #tpu.memory_space<vmem>> -> memref<64x128xf32, #tpu.memory_space<vmem>>
    tpu.wait_dma2 semaphore(%arg24 : memref<!tpu.dma_semaphore, #tpu.memory_space<semaphore_mem>>) src(%dma_wait3A_555 : memref<64x128xf32, #tpu.memory_space<vmem>>) dst(%dma_wait3A_551 : memref<64x128xf32, #tpu.memory_space<hbm>>)
    %dma_wait3A_556 = arith.constant 0 : i32
    %dma_wait3A_557 = arith.constant 0 : i32
    %dma_wait3A_558 = arith.constant 0 : i32
    %dma_wait3A_559 = tpu.memref_slice %arg6[%dma_wait3A_556, %dma_wait3A_557, %dma_wait3A_558] : memref<12x64x128xf32, #tpu.memory_space<vmem>> -> memref<1x64x128xf32, #tpu.memory_space<vmem>>
    %dma_wait3A_560 = tpu.memref_squeeze %dma_wait3A_559 : memref<1x64x128xf32, #tpu.memory_space<vmem>> -> memref<64x128xf32, #tpu.memory_space<vmem>>
    %dma_wait3A_561 = arith.constant 25344 : i32
    %dma_wait3A_562 = tpu.memref_slice %arg5[%dma_wait3A_561] : memref<25600xi32, #tpu.memory_space<vmem>> -> memref<64xi32, #tpu.memory_space<vmem>>
    %dma_wait3A_563 = arith.constant 0 : i32
    %dma_wait3A_564 = arith.constant 0 : i32
    %dma_wait3A_565 = tpu.memref_slice %arg3[%dma_wait3A_563, %dma_wait3A_564] : memref<100000x128xf32, #tpu.memory_space<hbm>> -> memref<100000x128xf32, #tpu.memory_space<hbm>>
    tpu.wait_indirect_dma semaphore(%arg7 : memref<!tpu.dma_semaphore, #tpu.memory_space<semaphore_mem>>) src(%dma_wait3A_565 : memref<100000x128xf32, #tpu.memory_space<hbm>>) dst(%dma_wait3A_560 : memref<64x128xf32, #tpu.memory_space<vmem>>)
    %add3A_566 = arith.constant 25344 : i32
    %add3A_567 = arith.addi %mul3A_2, %add3A_566 : i32
    %dma_start3A_568 = arith.constant 0 : i32
    %dma_start3A_569 = arith.constant 0 : i32
    %dma_start3A_570 = arith.constant 0 : i32
    %dma_start3A_571 = tpu.memref_slice %arg6[%dma_start3A_568, %dma_start3A_569, %dma_start3A_570] : memref<12x64x128xf32, #tpu.memory_space<vmem>> -> memref<1x64x128xf32, #tpu.memory_space<vmem>>
    %dma_start3A_572 = tpu.memref_squeeze %dma_start3A_571 : memref<1x64x128xf32, #tpu.memory_space<vmem>> -> memref<64x128xf32, #tpu.memory_space<vmem>>
    %dma_start3A_573 = arith.constant 0 : i32
    %dma_start3A_574 = tpu.memref_slice %arg4[%add3A_567, %dma_start3A_573] : memref<819200x128xf32, #tpu.memory_space<hbm>> -> memref<64x128xf32, #tpu.memory_space<hbm>>
    %dma_start3A_575 = arith.constant 0 : i32
    %dma_start3A_576 = tpu.memref_slice %arg4[%add3A_567, %dma_start3A_575] : memref<819200x128xf32, #tpu.memory_space<hbm>> -> memref<64x128xf32, #tpu.memory_space<hbm>>
    %dma_start3A_577 = arith.constant 0 : i32
    %dma_start3A_578 = arith.constant 0 : i32
    %dma_start3A_579 = tpu.memref_slice %arg6[%dma_start3A_568, %dma_start3A_577, %dma_start3A_578] : memref<12x64x128xf32, #tpu.memory_space<vmem>> -> memref<1x64x128xf32, #tpu.memory_space<vmem>>
    %dma_start3A_580 = tpu.memref_squeeze %dma_start3A_579 : memref<1x64x128xf32, #tpu.memory_space<vmem>> -> memref<64x128xf32, #tpu.memory_space<vmem>>
    tpu.enqueue_dma source(%dma_start3A_580 : memref<64x128xf32, #tpu.memory_space<vmem>>) target(%dma_start3A_576 : memref<64x128xf32, #tpu.memory_space<hbm>>) target_semaphore(%arg19 : memref<!tpu.dma_semaphore, #tpu.memory_space<semaphore_mem>>)
    %add3A_581 = arith.constant 24960 : i32
    %add3A_582 = arith.addi %mul3A_2, %add3A_581 : i32
    %dma_wait3A_583 = arith.constant 6 : i32
    %dma_wait3A_584 = arith.constant 0 : i32
    %dma_wait3A_585 = arith.constant 0 : i32
    %dma_wait3A_586 = tpu.memref_slice %arg6[%dma_wait3A_583, %dma_wait3A_584, %dma_wait3A_585] : memref<12x64x128xf32, #tpu.memory_space<vmem>> -> memref<1x64x128xf32, #tpu.memory_space<vmem>>
    %dma_wait3A_587 = tpu.memref_squeeze %dma_wait3A_586 : memref<1x64x128xf32, #tpu.memory_space<vmem>> -> memref<64x128xf32, #tpu.memory_space<vmem>>
    %dma_wait3A_588 = arith.constant 0 : i32
    %dma_wait3A_589 = tpu.memref_slice %arg4[%add3A_582, %dma_wait3A_588] : memref<819200x128xf32, #tpu.memory_space<hbm>> -> memref<64x128xf32, #tpu.memory_space<hbm>>
    %dma_wait3A_590 = arith.constant 0 : i32
    %dma_wait3A_591 = tpu.memref_slice %arg4[%add3A_582, %dma_wait3A_590] : memref<819200x128xf32, #tpu.memory_space<hbm>> -> memref<64x128xf32, #tpu.memory_space<hbm>>
    %dma_wait3A_592 = arith.constant 0 : i32
    %dma_wait3A_593 = arith.constant 0 : i32
    %dma_wait3A_594 = tpu.memref_slice %arg6[%dma_wait3A_583, %dma_wait3A_592, %dma_wait3A_593] : memref<12x64x128xf32, #tpu.memory_space<vmem>> -> memref<1x64x128xf32, #tpu.memory_space<vmem>>
    %dma_wait3A_595 = tpu.memref_squeeze %dma_wait3A_594 : memref<1x64x128xf32, #tpu.memory_space<vmem>> -> memref<64x128xf32, #tpu.memory_space<vmem>>
    tpu.wait_dma2 semaphore(%arg25 : memref<!tpu.dma_semaphore, #tpu.memory_space<semaphore_mem>>) src(%dma_wait3A_595 : memref<64x128xf32, #tpu.memory_space<vmem>>) dst(%dma_wait3A_591 : memref<64x128xf32, #tpu.memory_space<hbm>>)
    %dma_wait3A_596 = arith.constant 1 : i32
    %dma_wait3A_597 = arith.constant 0 : i32
    %dma_wait3A_598 = arith.constant 0 : i32
    %dma_wait3A_599 = tpu.memref_slice %arg6[%dma_wait3A_596, %dma_wait3A_597, %dma_wait3A_598] : memref<12x64x128xf32, #tpu.memory_space<vmem>> -> memref<1x64x128xf32, #tpu.memory_space<vmem>>
    %dma_wait3A_600 = tpu.memref_squeeze %dma_wait3A_599 : memref<1x64x128xf32, #tpu.memory_space<vmem>> -> memref<64x128xf32, #tpu.memory_space<vmem>>
    %dma_wait3A_601 = arith.constant 25408 : i32
    %dma_wait3A_602 = tpu.memref_slice %arg5[%dma_wait3A_601] : memref<25600xi32, #tpu.memory_space<vmem>> -> memref<64xi32, #tpu.memory_space<vmem>>
    %dma_wait3A_603 = arith.constant 0 : i32
    %dma_wait3A_604 = arith.constant 0 : i32
    %dma_wait3A_605 = tpu.memref_slice %arg3[%dma_wait3A_603, %dma_wait3A_604] : memref<100000x128xf32, #tpu.memory_space<hbm>> -> memref<100000x128xf32, #tpu.memory_space<hbm>>
    tpu.wait_indirect_dma semaphore(%arg8 : memref<!tpu.dma_semaphore, #tpu.memory_space<semaphore_mem>>) src(%dma_wait3A_605 : memref<100000x128xf32, #tpu.memory_space<hbm>>) dst(%dma_wait3A_600 : memref<64x128xf32, #tpu.memory_space<vmem>>)
    %add3A_606 = arith.constant 25408 : i32
    %add3A_607 = arith.addi %mul3A_2, %add3A_606 : i32
    %dma_start3A_608 = arith.constant 1 : i32
    %dma_start3A_609 = arith.constant 0 : i32
    %dma_start3A_610 = arith.constant 0 : i32
    %dma_start3A_611 = tpu.memref_slice %arg6[%dma_start3A_608, %dma_start3A_609, %dma_start3A_610] : memref<12x64x128xf32, #tpu.memory_space<vmem>> -> memref<1x64x128xf32, #tpu.memory_space<vmem>>
    %dma_start3A_612 = tpu.memref_squeeze %dma_start3A_611 : memref<1x64x128xf32, #tpu.memory_space<vmem>> -> memref<64x128xf32, #tpu.memory_space<vmem>>
    %dma_start3A_613 = arith.constant 0 : i32
    %dma_start3A_614 = tpu.memref_slice %arg4[%add3A_607, %dma_start3A_613] : memref<819200x128xf32, #tpu.memory_space<hbm>> -> memref<64x128xf32, #tpu.memory_space<hbm>>
    %dma_start3A_615 = arith.constant 0 : i32
    %dma_start3A_616 = tpu.memref_slice %arg4[%add3A_607, %dma_start3A_615] : memref<819200x128xf32, #tpu.memory_space<hbm>> -> memref<64x128xf32, #tpu.memory_space<hbm>>
    %dma_start3A_617 = arith.constant 0 : i32
    %dma_start3A_618 = arith.constant 0 : i32
    %dma_start3A_619 = tpu.memref_slice %arg6[%dma_start3A_608, %dma_start3A_617, %dma_start3A_618] : memref<12x64x128xf32, #tpu.memory_space<vmem>> -> memref<1x64x128xf32, #tpu.memory_space<vmem>>
    %dma_start3A_620 = tpu.memref_squeeze %dma_start3A_619 : memref<1x64x128xf32, #tpu.memory_space<vmem>> -> memref<64x128xf32, #tpu.memory_space<vmem>>
    tpu.enqueue_dma source(%dma_start3A_620 : memref<64x128xf32, #tpu.memory_space<vmem>>) target(%dma_start3A_616 : memref<64x128xf32, #tpu.memory_space<hbm>>) target_semaphore(%arg20 : memref<!tpu.dma_semaphore, #tpu.memory_space<semaphore_mem>>)
    %add3A_621 = arith.constant 25024 : i32
    %add3A_622 = arith.addi %mul3A_2, %add3A_621 : i32
    %dma_wait3A_623 = arith.constant 7 : i32
    %dma_wait3A_624 = arith.constant 0 : i32
    %dma_wait3A_625 = arith.constant 0 : i32
    %dma_wait3A_626 = tpu.memref_slice %arg6[%dma_wait3A_623, %dma_wait3A_624, %dma_wait3A_625] : memref<12x64x128xf32, #tpu.memory_space<vmem>> -> memref<1x64x128xf32, #tpu.memory_space<vmem>>
    %dma_wait3A_627 = tpu.memref_squeeze %dma_wait3A_626 : memref<1x64x128xf32, #tpu.memory_space<vmem>> -> memref<64x128xf32, #tpu.memory_space<vmem>>
    %dma_wait3A_628 = arith.constant 0 : i32
    %dma_wait3A_629 = tpu.memref_slice %arg4[%add3A_622, %dma_wait3A_628] : memref<819200x128xf32, #tpu.memory_space<hbm>> -> memref<64x128xf32, #tpu.memory_space<hbm>>
    %dma_wait3A_630 = arith.constant 0 : i32
    %dma_wait3A_631 = tpu.memref_slice %arg4[%add3A_622, %dma_wait3A_630] : memref<819200x128xf32, #tpu.memory_space<hbm>> -> memref<64x128xf32, #tpu.memory_space<hbm>>
    %dma_wait3A_632 = arith.constant 0 : i32
    %dma_wait3A_633 = arith.constant 0 : i32
    %dma_wait3A_634 = tpu.memref_slice %arg6[%dma_wait3A_623, %dma_wait3A_632, %dma_wait3A_633] : memref<12x64x128xf32, #tpu.memory_space<vmem>> -> memref<1x64x128xf32, #tpu.memory_space<vmem>>
    %dma_wait3A_635 = tpu.memref_squeeze %dma_wait3A_634 : memref<1x64x128xf32, #tpu.memory_space<vmem>> -> memref<64x128xf32, #tpu.memory_space<vmem>>
    tpu.wait_dma2 semaphore(%arg26 : memref<!tpu.dma_semaphore, #tpu.memory_space<semaphore_mem>>) src(%dma_wait3A_635 : memref<64x128xf32, #tpu.memory_space<vmem>>) dst(%dma_wait3A_631 : memref<64x128xf32, #tpu.memory_space<hbm>>)
    %dma_wait3A_636 = arith.constant 2 : i32
    %dma_wait3A_637 = arith.constant 0 : i32
    %dma_wait3A_638 = arith.constant 0 : i32
    %dma_wait3A_639 = tpu.memref_slice %arg6[%dma_wait3A_636, %dma_wait3A_637, %dma_wait3A_638] : memref<12x64x128xf32, #tpu.memory_space<vmem>> -> memref<1x64x128xf32, #tpu.memory_space<vmem>>
    %dma_wait3A_640 = tpu.memref_squeeze %dma_wait3A_639 : memref<1x64x128xf32, #tpu.memory_space<vmem>> -> memref<64x128xf32, #tpu.memory_space<vmem>>
    %dma_wait3A_641 = arith.constant 25472 : i32
    %dma_wait3A_642 = tpu.memref_slice %arg5[%dma_wait3A_641] : memref<25600xi32, #tpu.memory_space<vmem>> -> memref<64xi32, #tpu.memory_space<vmem>>
    %dma_wait3A_643 = arith.constant 0 : i32
    %dma_wait3A_644 = arith.constant 0 : i32
    %dma_wait3A_645 = tpu.memref_slice %arg3[%dma_wait3A_643, %dma_wait3A_644] : memref<100000x128xf32, #tpu.memory_space<hbm>> -> memref<100000x128xf32, #tpu.memory_space<hbm>>
    tpu.wait_indirect_dma semaphore(%arg9 : memref<!tpu.dma_semaphore, #tpu.memory_space<semaphore_mem>>) src(%dma_wait3A_645 : memref<100000x128xf32, #tpu.memory_space<hbm>>) dst(%dma_wait3A_640 : memref<64x128xf32, #tpu.memory_space<vmem>>)
    %add3A_646 = arith.constant 25472 : i32
    %add3A_647 = arith.addi %mul3A_2, %add3A_646 : i32
    %dma_start3A_648 = arith.constant 2 : i32
    %dma_start3A_649 = arith.constant 0 : i32
    %dma_start3A_650 = arith.constant 0 : i32
    %dma_start3A_651 = tpu.memref_slice %arg6[%dma_start3A_648, %dma_start3A_649, %dma_start3A_650] : memref<12x64x128xf32, #tpu.memory_space<vmem>> -> memref<1x64x128xf32, #tpu.memory_space<vmem>>
    %dma_start3A_652 = tpu.memref_squeeze %dma_start3A_651 : memref<1x64x128xf32, #tpu.memory_space<vmem>> -> memref<64x128xf32, #tpu.memory_space<vmem>>
    %dma_start3A_653 = arith.constant 0 : i32
    %dma_start3A_654 = tpu.memref_slice %arg4[%add3A_647, %dma_start3A_653] : memref<819200x128xf32, #tpu.memory_space<hbm>> -> memref<64x128xf32, #tpu.memory_space<hbm>>
    %dma_start3A_655 = arith.constant 0 : i32
    %dma_start3A_656 = tpu.memref_slice %arg4[%add3A_647, %dma_start3A_655] : memref<819200x128xf32, #tpu.memory_space<hbm>> -> memref<64x128xf32, #tpu.memory_space<hbm>>
    %dma_start3A_657 = arith.constant 0 : i32
    %dma_start3A_658 = arith.constant 0 : i32
    %dma_start3A_659 = tpu.memref_slice %arg6[%dma_start3A_648, %dma_start3A_657, %dma_start3A_658] : memref<12x64x128xf32, #tpu.memory_space<vmem>> -> memref<1x64x128xf32, #tpu.memory_space<vmem>>
    %dma_start3A_660 = tpu.memref_squeeze %dma_start3A_659 : memref<1x64x128xf32, #tpu.memory_space<vmem>> -> memref<64x128xf32, #tpu.memory_space<vmem>>
    tpu.enqueue_dma source(%dma_start3A_660 : memref<64x128xf32, #tpu.memory_space<vmem>>) target(%dma_start3A_656 : memref<64x128xf32, #tpu.memory_space<hbm>>) target_semaphore(%arg21 : memref<!tpu.dma_semaphore, #tpu.memory_space<semaphore_mem>>)
    %add3A_661 = arith.constant 25088 : i32
    %add3A_662 = arith.addi %mul3A_2, %add3A_661 : i32
    %dma_wait3A_663 = arith.constant 8 : i32
    %dma_wait3A_664 = arith.constant 0 : i32
    %dma_wait3A_665 = arith.constant 0 : i32
    %dma_wait3A_666 = tpu.memref_slice %arg6[%dma_wait3A_663, %dma_wait3A_664, %dma_wait3A_665] : memref<12x64x128xf32, #tpu.memory_space<vmem>> -> memref<1x64x128xf32, #tpu.memory_space<vmem>>
    %dma_wait3A_667 = tpu.memref_squeeze %dma_wait3A_666 : memref<1x64x128xf32, #tpu.memory_space<vmem>> -> memref<64x128xf32, #tpu.memory_space<vmem>>
    %dma_wait3A_668 = arith.constant 0 : i32
    %dma_wait3A_669 = tpu.memref_slice %arg4[%add3A_662, %dma_wait3A_668] : memref<819200x128xf32, #tpu.memory_space<hbm>> -> memref<64x128xf32, #tpu.memory_space<hbm>>
    %dma_wait3A_670 = arith.constant 0 : i32
    %dma_wait3A_671 = tpu.memref_slice %arg4[%add3A_662, %dma_wait3A_670] : memref<819200x128xf32, #tpu.memory_space<hbm>> -> memref<64x128xf32, #tpu.memory_space<hbm>>
    %dma_wait3A_672 = arith.constant 0 : i32
    %dma_wait3A_673 = arith.constant 0 : i32
    %dma_wait3A_674 = tpu.memref_slice %arg6[%dma_wait3A_663, %dma_wait3A_672, %dma_wait3A_673] : memref<12x64x128xf32, #tpu.memory_space<vmem>> -> memref<1x64x128xf32, #tpu.memory_space<vmem>>
    %dma_wait3A_675 = tpu.memref_squeeze %dma_wait3A_674 : memref<1x64x128xf32, #tpu.memory_space<vmem>> -> memref<64x128xf32, #tpu.memory_space<vmem>>
    tpu.wait_dma2 semaphore(%arg27 : memref<!tpu.dma_semaphore, #tpu.memory_space<semaphore_mem>>) src(%dma_wait3A_675 : memref<64x128xf32, #tpu.memory_space<vmem>>) dst(%dma_wait3A_671 : memref<64x128xf32, #tpu.memory_space<hbm>>)
    %dma_wait3A_676 = arith.constant 3 : i32
    %dma_wait3A_677 = arith.constant 0 : i32
    %dma_wait3A_678 = arith.constant 0 : i32
    %dma_wait3A_679 = tpu.memref_slice %arg6[%dma_wait3A_676, %dma_wait3A_677, %dma_wait3A_678] : memref<12x64x128xf32, #tpu.memory_space<vmem>> -> memref<1x64x128xf32, #tpu.memory_space<vmem>>
    %dma_wait3A_680 = tpu.memref_squeeze %dma_wait3A_679 : memref<1x64x128xf32, #tpu.memory_space<vmem>> -> memref<64x128xf32, #tpu.memory_space<vmem>>
    %dma_wait3A_681 = arith.constant 25536 : i32
    %dma_wait3A_682 = tpu.memref_slice %arg5[%dma_wait3A_681] : memref<25600xi32, #tpu.memory_space<vmem>> -> memref<64xi32, #tpu.memory_space<vmem>>
    %dma_wait3A_683 = arith.constant 0 : i32
    %dma_wait3A_684 = arith.constant 0 : i32
    %dma_wait3A_685 = tpu.memref_slice %arg3[%dma_wait3A_683, %dma_wait3A_684] : memref<100000x128xf32, #tpu.memory_space<hbm>> -> memref<100000x128xf32, #tpu.memory_space<hbm>>
    tpu.wait_indirect_dma semaphore(%arg10 : memref<!tpu.dma_semaphore, #tpu.memory_space<semaphore_mem>>) src(%dma_wait3A_685 : memref<100000x128xf32, #tpu.memory_space<hbm>>) dst(%dma_wait3A_680 : memref<64x128xf32, #tpu.memory_space<vmem>>)
    %add3A_686 = arith.constant 25536 : i32
    %add3A_687 = arith.addi %mul3A_2, %add3A_686 : i32
    %dma_start3A_688 = arith.constant 3 : i32
    %dma_start3A_689 = arith.constant 0 : i32
    %dma_start3A_690 = arith.constant 0 : i32
    %dma_start3A_691 = tpu.memref_slice %arg6[%dma_start3A_688, %dma_start3A_689, %dma_start3A_690] : memref<12x64x128xf32, #tpu.memory_space<vmem>> -> memref<1x64x128xf32, #tpu.memory_space<vmem>>
    %dma_start3A_692 = tpu.memref_squeeze %dma_start3A_691 : memref<1x64x128xf32, #tpu.memory_space<vmem>> -> memref<64x128xf32, #tpu.memory_space<vmem>>
    %dma_start3A_693 = arith.constant 0 : i32
    %dma_start3A_694 = tpu.memref_slice %arg4[%add3A_687, %dma_start3A_693] : memref<819200x128xf32, #tpu.memory_space<hbm>> -> memref<64x128xf32, #tpu.memory_space<hbm>>
    %dma_start3A_695 = arith.constant 0 : i32
    %dma_start3A_696 = tpu.memref_slice %arg4[%add3A_687, %dma_start3A_695] : memref<819200x128xf32, #tpu.memory_space<hbm>> -> memref<64x128xf32, #tpu.memory_space<hbm>>
    %dma_start3A_697 = arith.constant 0 : i32
    %dma_start3A_698 = arith.constant 0 : i32
    %dma_start3A_699 = tpu.memref_slice %arg6[%dma_start3A_688, %dma_start3A_697, %dma_start3A_698] : memref<12x64x128xf32, #tpu.memory_space<vmem>> -> memref<1x64x128xf32, #tpu.memory_space<vmem>>
    %dma_start3A_700 = tpu.memref_squeeze %dma_start3A_699 : memref<1x64x128xf32, #tpu.memory_space<vmem>> -> memref<64x128xf32, #tpu.memory_space<vmem>>
    tpu.enqueue_dma source(%dma_start3A_700 : memref<64x128xf32, #tpu.memory_space<vmem>>) target(%dma_start3A_696 : memref<64x128xf32, #tpu.memory_space<hbm>>) target_semaphore(%arg22 : memref<!tpu.dma_semaphore, #tpu.memory_space<semaphore_mem>>)
    %add3A_701 = arith.constant 25152 : i32
    %add3A_702 = arith.addi %mul3A_2, %add3A_701 : i32
    %dma_wait3A_703 = arith.constant 9 : i32
    %dma_wait3A_704 = arith.constant 0 : i32
    %dma_wait3A_705 = arith.constant 0 : i32
    %dma_wait3A_706 = tpu.memref_slice %arg6[%dma_wait3A_703, %dma_wait3A_704, %dma_wait3A_705] : memref<12x64x128xf32, #tpu.memory_space<vmem>> -> memref<1x64x128xf32, #tpu.memory_space<vmem>>
    %dma_wait3A_707 = tpu.memref_squeeze %dma_wait3A_706 : memref<1x64x128xf32, #tpu.memory_space<vmem>> -> memref<64x128xf32, #tpu.memory_space<vmem>>
    %dma_wait3A_708 = arith.constant 0 : i32
    %dma_wait3A_709 = tpu.memref_slice %arg4[%add3A_702, %dma_wait3A_708] : memref<819200x128xf32, #tpu.memory_space<hbm>> -> memref<64x128xf32, #tpu.memory_space<hbm>>
    %dma_wait3A_710 = arith.constant 0 : i32
    %dma_wait3A_711 = tpu.memref_slice %arg4[%add3A_702, %dma_wait3A_710] : memref<819200x128xf32, #tpu.memory_space<hbm>> -> memref<64x128xf32, #tpu.memory_space<hbm>>
    %dma_wait3A_712 = arith.constant 0 : i32
    %dma_wait3A_713 = arith.constant 0 : i32
    %dma_wait3A_714 = tpu.memref_slice %arg6[%dma_wait3A_703, %dma_wait3A_712, %dma_wait3A_713] : memref<12x64x128xf32, #tpu.memory_space<vmem>> -> memref<1x64x128xf32, #tpu.memory_space<vmem>>
    %dma_wait3A_715 = tpu.memref_squeeze %dma_wait3A_714 : memref<1x64x128xf32, #tpu.memory_space<vmem>> -> memref<64x128xf32, #tpu.memory_space<vmem>>
    tpu.wait_dma2 semaphore(%arg28 : memref<!tpu.dma_semaphore, #tpu.memory_space<semaphore_mem>>) src(%dma_wait3A_715 : memref<64x128xf32, #tpu.memory_space<vmem>>) dst(%dma_wait3A_711 : memref<64x128xf32, #tpu.memory_space<hbm>>)
    %add3A_716 = arith.constant 25216 : i32
    %add3A_717 = arith.addi %mul3A_2, %add3A_716 : i32
    %dma_wait3A_718 = arith.constant 10 : i32
    %dma_wait3A_719 = arith.constant 0 : i32
    %dma_wait3A_720 = arith.constant 0 : i32
    %dma_wait3A_721 = tpu.memref_slice %arg6[%dma_wait3A_718, %dma_wait3A_719, %dma_wait3A_720] : memref<12x64x128xf32, #tpu.memory_space<vmem>> -> memref<1x64x128xf32, #tpu.memory_space<vmem>>
    %dma_wait3A_722 = tpu.memref_squeeze %dma_wait3A_721 : memref<1x64x128xf32, #tpu.memory_space<vmem>> -> memref<64x128xf32, #tpu.memory_space<vmem>>
    %dma_wait3A_723 = arith.constant 0 : i32
    %dma_wait3A_724 = tpu.memref_slice %arg4[%add3A_717, %dma_wait3A_723] : memref<819200x128xf32, #tpu.memory_space<hbm>> -> memref<64x128xf32, #tpu.memory_space<hbm>>
    %dma_wait3A_725 = arith.constant 0 : i32
    %dma_wait3A_726 = tpu.memref_slice %arg4[%add3A_717, %dma_wait3A_725] : memref<819200x128xf32, #tpu.memory_space<hbm>> -> memref<64x128xf32, #tpu.memory_space<hbm>>
    %dma_wait3A_727 = arith.constant 0 : i32
    %dma_wait3A_728 = arith.constant 0 : i32
    %dma_wait3A_729 = tpu.memref_slice %arg6[%dma_wait3A_718, %dma_wait3A_727, %dma_wait3A_728] : memref<12x64x128xf32, #tpu.memory_space<vmem>> -> memref<1x64x128xf32, #tpu.memory_space<vmem>>
    %dma_wait3A_730 = tpu.memref_squeeze %dma_wait3A_729 : memref<1x64x128xf32, #tpu.memory_space<vmem>> -> memref<64x128xf32, #tpu.memory_space<vmem>>
    tpu.wait_dma2 semaphore(%arg29 : memref<!tpu.dma_semaphore, #tpu.memory_space<semaphore_mem>>) src(%dma_wait3A_730 : memref<64x128xf32, #tpu.memory_space<vmem>>) dst(%dma_wait3A_726 : memref<64x128xf32, #tpu.memory_space<hbm>>)
    %add3A_731 = arith.constant 25280 : i32
    %add3A_732 = arith.addi %mul3A_2, %add3A_731 : i32
    %dma_wait3A_733 = arith.constant 11 : i32
    %dma_wait3A_734 = arith.constant 0 : i32
    %dma_wait3A_735 = arith.constant 0 : i32
    %dma_wait3A_736 = tpu.memref_slice %arg6[%dma_wait3A_733, %dma_wait3A_734, %dma_wait3A_735] : memref<12x64x128xf32, #tpu.memory_space<vmem>> -> memref<1x64x128xf32, #tpu.memory_space<vmem>>
    %dma_wait3A_737 = tpu.memref_squeeze %dma_wait3A_736 : memref<1x64x128xf32, #tpu.memory_space<vmem>> -> memref<64x128xf32, #tpu.memory_space<vmem>>
    %dma_wait3A_738 = arith.constant 0 : i32
    %dma_wait3A_739 = tpu.memref_slice %arg4[%add3A_732, %dma_wait3A_738] : memref<819200x128xf32, #tpu.memory_space<hbm>> -> memref<64x128xf32, #tpu.memory_space<hbm>>
    %dma_wait3A_740 = arith.constant 0 : i32
    %dma_wait3A_741 = tpu.memref_slice %arg4[%add3A_732, %dma_wait3A_740] : memref<819200x128xf32, #tpu.memory_space<hbm>> -> memref<64x128xf32, #tpu.memory_space<hbm>>
    %dma_wait3A_742 = arith.constant 0 : i32
    %dma_wait3A_743 = arith.constant 0 : i32
    %dma_wait3A_744 = tpu.memref_slice %arg6[%dma_wait3A_733, %dma_wait3A_742, %dma_wait3A_743] : memref<12x64x128xf32, #tpu.memory_space<vmem>> -> memref<1x64x128xf32, #tpu.memory_space<vmem>>
    %dma_wait3A_745 = tpu.memref_squeeze %dma_wait3A_744 : memref<1x64x128xf32, #tpu.memory_space<vmem>> -> memref<64x128xf32, #tpu.memory_space<vmem>>
    tpu.wait_dma2 semaphore(%arg30 : memref<!tpu.dma_semaphore, #tpu.memory_space<semaphore_mem>>) src(%dma_wait3A_745 : memref<64x128xf32, #tpu.memory_space<vmem>>) dst(%dma_wait3A_741 : memref<64x128xf32, #tpu.memory_space<hbm>>)
    %add3A_746 = arith.constant 25344 : i32
    %add3A_747 = arith.addi %mul3A_2, %add3A_746 : i32
    %dma_wait3A_748 = arith.constant 0 : i32
    %dma_wait3A_749 = arith.constant 0 : i32
    %dma_wait3A_750 = arith.constant 0 : i32
    %dma_wait3A_751 = tpu.memref_slice %arg6[%dma_wait3A_748, %dma_wait3A_749, %dma_wait3A_750] : memref<12x64x128xf32, #tpu.memory_space<vmem>> -> memref<1x64x128xf32, #tpu.memory_space<vmem>>
    %dma_wait3A_752 = tpu.memref_squeeze %dma_wait3A_751 : memref<1x64x128xf32, #tpu.memory_space<vmem>> -> memref<64x128xf32, #tpu.memory_space<vmem>>
    %dma_wait3A_753 = arith.constant 0 : i32
    %dma_wait3A_754 = tpu.memref_slice %arg4[%add3A_747, %dma_wait3A_753] : memref<819200x128xf32, #tpu.memory_space<hbm>> -> memref<64x128xf32, #tpu.memory_space<hbm>>
    %dma_wait3A_755 = arith.constant 0 : i32
    %dma_wait3A_756 = tpu.memref_slice %arg4[%add3A_747, %dma_wait3A_755] : memref<819200x128xf32, #tpu.memory_space<hbm>> -> memref<64x128xf32, #tpu.memory_space<hbm>>
    %dma_wait3A_757 = arith.constant 0 : i32
    %dma_wait3A_758 = arith.constant 0 : i32
    %dma_wait3A_759 = tpu.memref_slice %arg6[%dma_wait3A_748, %dma_wait3A_757, %dma_wait3A_758] : memref<12x64x128xf32, #tpu.memory_space<vmem>> -> memref<1x64x128xf32, #tpu.memory_space<vmem>>
    %dma_wait3A_760 = tpu.memref_squeeze %dma_wait3A_759 : memref<1x64x128xf32, #tpu.memory_space<vmem>> -> memref<64x128xf32, #tpu.memory_space<vmem>>
    tpu.wait_dma2 semaphore(%arg19 : memref<!tpu.dma_semaphore, #tpu.memory_space<semaphore_mem>>) src(%dma_wait3A_760 : memref<64x128xf32, #tpu.memory_space<vmem>>) dst(%dma_wait3A_756 : memref<64x128xf32, #tpu.memory_space<hbm>>)
    %add3A_761 = arith.constant 25408 : i32
    %add3A_762 = arith.addi %mul3A_2, %add3A_761 : i32
    %dma_wait3A_763 = arith.constant 1 : i32
    %dma_wait3A_764 = arith.constant 0 : i32
    %dma_wait3A_765 = arith.constant 0 : i32
    %dma_wait3A_766 = tpu.memref_slice %arg6[%dma_wait3A_763, %dma_wait3A_764, %dma_wait3A_765] : memref<12x64x128xf32, #tpu.memory_space<vmem>> -> memref<1x64x128xf32, #tpu.memory_space<vmem>>
    %dma_wait3A_767 = tpu.memref_squeeze %dma_wait3A_766 : memref<1x64x128xf32, #tpu.memory_space<vmem>> -> memref<64x128xf32, #tpu.memory_space<vmem>>
    %dma_wait3A_768 = arith.constant 0 : i32
    %dma_wait3A_769 = tpu.memref_slice %arg4[%add3A_762, %dma_wait3A_768] : memref<819200x128xf32, #tpu.memory_space<hbm>> -> memref<64x128xf32, #tpu.memory_space<hbm>>
    %dma_wait3A_770 = arith.constant 0 : i32
    %dma_wait3A_771 = tpu.memref_slice %arg4[%add3A_762, %dma_wait3A_770] : memref<819200x128xf32, #tpu.memory_space<hbm>> -> memref<64x128xf32, #tpu.memory_space<hbm>>
    %dma_wait3A_772 = arith.constant 0 : i32
    %dma_wait3A_773 = arith.constant 0 : i32
    %dma_wait3A_774 = tpu.memref_slice %arg6[%dma_wait3A_763, %dma_wait3A_772, %dma_wait3A_773] : memref<12x64x128xf32, #tpu.memory_space<vmem>> -> memref<1x64x128xf32, #tpu.memory_space<vmem>>
    %dma_wait3A_775 = tpu.memref_squeeze %dma_wait3A_774 : memref<1x64x128xf32, #tpu.memory_space<vmem>> -> memref<64x128xf32, #tpu.memory_space<vmem>>
    tpu.wait_dma2 semaphore(%arg20 : memref<!tpu.dma_semaphore, #tpu.memory_space<semaphore_mem>>) src(%dma_wait3A_775 : memref<64x128xf32, #tpu.memory_space<vmem>>) dst(%dma_wait3A_771 : memref<64x128xf32, #tpu.memory_space<hbm>>)
    %add3A_776 = arith.constant 25472 : i32
    %add3A_777 = arith.addi %mul3A_2, %add3A_776 : i32
    %dma_wait3A_778 = arith.constant 2 : i32
    %dma_wait3A_779 = arith.constant 0 : i32
    %dma_wait3A_780 = arith.constant 0 : i32
    %dma_wait3A_781 = tpu.memref_slice %arg6[%dma_wait3A_778, %dma_wait3A_779, %dma_wait3A_780] : memref<12x64x128xf32, #tpu.memory_space<vmem>> -> memref<1x64x128xf32, #tpu.memory_space<vmem>>
    %dma_wait3A_782 = tpu.memref_squeeze %dma_wait3A_781 : memref<1x64x128xf32, #tpu.memory_space<vmem>> -> memref<64x128xf32, #tpu.memory_space<vmem>>
    %dma_wait3A_783 = arith.constant 0 : i32
    %dma_wait3A_784 = tpu.memref_slice %arg4[%add3A_777, %dma_wait3A_783] : memref<819200x128xf32, #tpu.memory_space<hbm>> -> memref<64x128xf32, #tpu.memory_space<hbm>>
    %dma_wait3A_785 = arith.constant 0 : i32
    %dma_wait3A_786 = tpu.memref_slice %arg4[%add3A_777, %dma_wait3A_785] : memref<819200x128xf32, #tpu.memory_space<hbm>> -> memref<64x128xf32, #tpu.memory_space<hbm>>
    %dma_wait3A_787 = arith.constant 0 : i32
    %dma_wait3A_788 = arith.constant 0 : i32
    %dma_wait3A_789 = tpu.memref_slice %arg6[%dma_wait3A_778, %dma_wait3A_787, %dma_wait3A_788] : memref<12x64x128xf32, #tpu.memory_space<vmem>> -> memref<1x64x128xf32, #tpu.memory_space<vmem>>
    %dma_wait3A_790 = tpu.memref_squeeze %dma_wait3A_789 : memref<1x64x128xf32, #tpu.memory_space<vmem>> -> memref<64x128xf32, #tpu.memory_space<vmem>>
    tpu.wait_dma2 semaphore(%arg21 : memref<!tpu.dma_semaphore, #tpu.memory_space<semaphore_mem>>) src(%dma_wait3A_790 : memref<64x128xf32, #tpu.memory_space<vmem>>) dst(%dma_wait3A_786 : memref<64x128xf32, #tpu.memory_space<hbm>>)
    %add3A_791 = arith.constant 25536 : i32
    %add3A_792 = arith.addi %mul3A_2, %add3A_791 : i32
    %dma_wait3A_793 = arith.constant 3 : i32
    %dma_wait3A_794 = arith.constant 0 : i32
    %dma_wait3A_795 = arith.constant 0 : i32
    %dma_wait3A_796 = tpu.memref_slice %arg6[%dma_wait3A_793, %dma_wait3A_794, %dma_wait3A_795] : memref<12x64x128xf32, #tpu.memory_space<vmem>> -> memref<1x64x128xf32, #tpu.memory_space<vmem>>
    %dma_wait3A_797 = tpu.memref_squeeze %dma_wait3A_796 : memref<1x64x128xf32, #tpu.memory_space<vmem>> -> memref<64x128xf32, #tpu.memory_space<vmem>>
    %dma_wait3A_798 = arith.constant 0 : i32
    %dma_wait3A_799 = tpu.memref_slice %arg4[%add3A_792, %dma_wait3A_798] : memref<819200x128xf32, #tpu.memory_space<hbm>> -> memref<64x128xf32, #tpu.memory_space<hbm>>
    %dma_wait3A_800 = arith.constant 0 : i32
    %dma_wait3A_801 = tpu.memref_slice %arg4[%add3A_792, %dma_wait3A_800] : memref<819200x128xf32, #tpu.memory_space<hbm>> -> memref<64x128xf32, #tpu.memory_space<hbm>>
    %dma_wait3A_802 = arith.constant 0 : i32
    %dma_wait3A_803 = arith.constant 0 : i32
    %dma_wait3A_804 = tpu.memref_slice %arg6[%dma_wait3A_793, %dma_wait3A_802, %dma_wait3A_803] : memref<12x64x128xf32, #tpu.memory_space<vmem>> -> memref<1x64x128xf32, #tpu.memory_space<vmem>>
    %dma_wait3A_805 = tpu.memref_squeeze %dma_wait3A_804 : memref<1x64x128xf32, #tpu.memory_space<vmem>> -> memref<64x128xf32, #tpu.memory_space<vmem>>
    tpu.wait_dma2 semaphore(%arg22 : memref<!tpu.dma_semaphore, #tpu.memory_space<semaphore_mem>>) src(%dma_wait3A_805 : memref<64x128xf32, #tpu.memory_space<vmem>>) dst(%dma_wait3A_801 : memref<64x128xf32, #tpu.memory_space<hbm>>)
    return
  }
}

</mosaic_0001>

<sc_bundles>
// kernel: kernel.3.cloned.1.call-start
scs
__scs_entry_jumppad:
0x0: {  	(pc) =	sbr.rel $0x88, $3  }
0x1: {  	(tag) =	ssettag $0x0;
	lr =	simm.s32 $0x1  }
0x2: {  	[smem:$0x3F9F] =	sst lr;
	_ =	strace $0xD0000000  }
0x3: {  	_ = 	snop  }
0x4: {  	_ = 	snop  }
0x5: {  	_ = 	snop  }
0x6: {  	_ = 	snop  }
0x7: {  	_ = 	snop  }
__scs_overlays_trampoline_lowered:
0x8: {  	[smem:$0x3FAE] =	sst s0  }
0x9: {  	[smem:$0x3FAF] =	sst s1  }
0xa: {  	[smem:$0x3FB0] =	sst s2  }
0xb: {  	[smem:$0x3FB1] =	sst s3  }
0xc: {  	[smem:$0x3FB2] =	sst s4  }
0xd: {  	[smem:$0x3FB3] =	sst s5  }
0xe: {  	[smem:$0x3FB4] =	sst s6  }
0xf: {  	[smem:$0x3FB5] =	sst s7  }
0x10: {  	[smem:$0x3FB6] =	sst s8  }
0x11: {  	[smem:$0x3FB7] =	sst s9;
	s0 =	simm.s32 @!p0 $0x0  }
0x12: {  	s1 =	sld [smem:$0x3F9D];
	s0 =	simm.s32 @p0 $0x1  }
0x13: {  	[smem:$0x3FB8] =	sst s0;
	s0 =	simm.s32 @!p1 $0x0  }
0x14: {  	s2 =	sld [smem:$0x3F9C];
	s0 =	simm.s32 @p1 $0x1  }
0x15: {  	[smem:$0x3FB9] =	sst s0;
	s0 =	simm.s32 @!p2 $0x0  }
0x16: {  	s3 =	sld [smem:$0x3FDB];
	s0 =	simm.s32 @p2 $0x1  }
0x17: {  	s4 =	simm.s32 $0x1BF5;
	[smem:$0x3FBB] =	sst s0  }
0x18: {  	s0 =	sld [smem:$0x3F9E];
	_ =	swait.ge [sflag:s4], $0x0  }
0x19: {  	s7 =	sld [smem:$0x3F9F]  }
0x1a: {  	s8 =	sadd.s32 $0xFFFFE003, lr  }
0x1b: {  	s9 =	sadd.s32 $0xFFFFFEF7, lr;
	s5 =	simm.s32 $0xFFFFFFFF;
	p2 =	slt.u32 s8, $0xFFFFF086  }
0x1c: {  	p1 =	slt.u32 s9, $0xF7A;
	s5 =	simm.s32 @!p2 $0x0  }
0x1d: {  	s5 =	simm.s32 @p1 $0x1;
	p0 =	seq.s32 s7, s2  }
0x1e: {  	s7 =	smul.u32 @!p0 $0xF7A, s2;
	p2 =	seq.s32 @!p0 s5, $0x0  }
0x1f: {  	s9 =	smul.u32 $0xF7A, s1;
	s8 =	simm.s32 @!p0 $0x1BF5;
	p2 =	por !p2, p0  }
0x20: {  	[sflag:s8] =	ssyncset.s32 @!p0 $0xFFFFF086;
	s6 =	sadd.s32 @!p0 s3, s7;
	s7 =	simm.s32 @!p0 $0x108  }
0x21: {  	s3 =	sadd.s32 s3, s9;
	s6 =	sadd.s32 @!p0 $0x88, s6;
	s7 =	simm.s32 @p2 $0x1082  }
0x22: {  	[simem:s7], [sflag:s8] =	dma.local @!p0 [hbm:s6], $0xF7A  }
0x23: {  	s9 =	sor.u32 $0xD0000000, s2;
	s6 =	simm.s32 $0x108;
	_ =	swait.ge @!p0 [sflag:s8], $0x0  }
0x24: {  	s3 =	sadd.s32 $0x88, s3;
	s6 =	simm.s32 @!p1 $0x1082;
	[sflag:s4] =	ssyncset.s32 $0xFFFFF086  }
0x25: {  	[simem:s6], [sflag:s4] =	dma.local [hbm:s3], $0xF7A  }
0x26: {  	[smem:$0x3F9F] =	sst s1;
	(tag) =	ssettag s2;
	_ =	strace s9  }
0x27: {  	s1 =	sld [smem:$0x3FAF]  }
0x28: {  	s2 =	sld [smem:$0x3FB0]  }
0x29: {  	s4 =	sld [smem:$0x3FB2]  }
0x2a: {  	p0 =	seq.s32 s5, $0x0;
	s5 =	sld [smem:$0x3FB3]  }
0x2b: {  	s6 =	sld [smem:$0x3FB4]  }
0x2c: {  	s7 =	sld [smem:$0x3FB5]  }
0x2d: {  	s3 =	simm.s32 $0x108;
	s8 =	sld [smem:$0x3FB6]  }
0x2e: {  	s3 =	simm.s32 @!p0 $0x1082;
	s9 =	sld [smem:$0x3FB7]  }
0x2f: {  	lr =	sadd.s32 s0, s3;
	s0 =	sld [smem:$0x3FAE]  }
0x30: {  	s3 =	sld [smem:$0x3FB1]  }
0x31: {  	[smem:$0x3FBA] =	sst s10  }
0x32: {  	s10 =	sld [smem:$0x3FB8];
	_ =	sdelay $0x3  }
0x33: {  	p0 =	seq.s32 s10, $0x1;
	s10 =	sld [smem:$0x3FBA];
	_ =	sdelay $0x3  }
0x34: {  	[smem:$0x3FBA] =	sst s10  }
0x35: {  	s10 =	sld [smem:$0x3FB9];
	_ =	sdelay $0x3  }
0x36: {  	p1 =	seq.s32 s10, $0x1;
	s10 =	sld [smem:$0x3FBA];
	_ =	sdelay $0x3  }
0x37: {  	[smem:$0x3FBA] =	sst s10  }
0x38: {  	s10 =	sld [smem:$0x3FBB]  }
0x39: {  	_ = 	snop;
	(pc) =	sbr.ind lr, $3  }
0x3a: {  	_ = 	snop  }
0x3b: {  	_ = 	snop  }
0x3c: {  	p2 =	seq.s32 s10, $0x1;
	s10 =	sld [smem:$0x3FBA]  }
0x3d: {  	_ =	shalt  }
0x3e: {  	_ =	shalt  }
0x3f: {  	_ =	shalt  }
0x40: {  	_ =	shalt  }
0x41: {  	_ =	shalt  }
0x42: {  	_ =	shalt  }
0x43: {  	_ =	shalt  }
0x44: {  	_ =	shalt  }
0x45: {  	_ =	shalt  }
0x46: {  	_ =	shalt  }
0x47: {  	_ =	shalt  }
0x48: {  	_ =	shalt  }
0x49: {  	_ =	shalt  }
0x4a: {  	_ =	shalt  }
0x4b: {  	_ =	shalt  }
0x4c: {  	_ =	shalt  }
0x4d: {  	_ =	shalt  }
0x4e: {  	_ =	shalt  }
0x4f: {  	_ =	shalt  }
0x50: {  	_ =	shalt  }
0x51: {  	_ =	shalt  }
0x52: {  	_ =	shalt  }
0x53: {  	_ =	shalt  }
0x54: {  	_ =	shalt  }
0x55: {  	_ =	shalt  }
0x56: {  	_ =	shalt  }
0x57: {  	_ =	shalt  }
0x58: {  	_ =	shalt  }
0x59: {  	_ =	shalt  }
0x5a: {  	_ =	shalt  }
0x5b: {  	_ =	shalt  }
0x5c: {  	_ =	shalt  }
0x5d: {  	_ =	shalt  }
0x5e: {  	_ =	shalt  }
0x5f: {  	_ =	shalt  }
0x60: {  	_ =	shalt  }
0x61: {  	_ =	shalt  }
0x62: {  	_ =	shalt  }
0x63: {  	_ =	shalt  }
0x64: {  	_ =	shalt  }
0x65: {  	_ =	shalt  }
0x66: {  	_ =	shalt  }
0x67: {  	_ =	shalt  }
0x68: {  	_ =	shalt  }
0x69: {  	_ =	shalt  }
0x6a: {  	_ =	shalt  }
0x6b: {  	_ =	shalt  }
0x6c: {  	_ =	shalt  }
0x6d: {  	_ =	shalt  }
0x6e: {  	_ =	shalt  }
0x6f: {  	_ =	shalt  }
0x70: {  	_ =	shalt  }
0x71: {  	_ =	shalt  }
0x72: {  	_ =	shalt  }
0x73: {  	_ =	shalt  }
0x74: {  	_ =	shalt  }
0x75: {  	_ =	shalt  }
0x76: {  	_ =	shalt  }
0x77: {  	_ =	shalt  }
0x78: {  	_ =	shalt  }
0x79: {  	_ =	shalt  }
0x7a: {  	_ =	shalt  }
0x7b: {  	_ =	shalt  }
0x7c: {  	_ =	shalt  }
0x7d: {  	_ =	shalt  }
0x7e: {  	_ =	shalt  }
0x7f: {  	_ =	shalt  }
0x80: {  	_ =	shalt  }
0x81: {  	_ =	shalt  }
0x82: {  	_ =	shalt  }
0x83: {  	_ =	shalt  }
0x84: {  	_ =	shalt  }
0x85: {  	_ =	shalt  }
0x86: {  	_ =	shalt  }
0x87: {  	_ =	shalt  }
.Lfunc_end0:
.L_simem_size_0:
called_computation_lowered:
.L_overlay_start_0:
0x88: {  	s2 =	sld [smem:$0x3FD9]  }
0x89: {  	s3 =	sld [smem:$0x3FFE];
	_ =	sdelay $0x1  }
0x8a: {  	s1 =	srdreg.scid  }
0x8b: {  	s0 =	sand.u32 $0x1, s1  }
0x8c: {  	s17 =	sshll.u32 s0, $0xA;
	s2 =	sadd.s32 s3, s2  }
0x8d: {  	s2 =	sadd.s32 s2, s17  }
0x8e: {  	[smem:$0x3FC6] =	sst s2  }
0x8f: {  	_ = 	snop  }
0x90: {  	s2 =	sld [smem:$0x3FC8]  }
0x91: {  	s18 =	sld [smem:$0x3FD0];
	(tm) =	ssettm $0x1  }
0x92: {  	s4 =	sld [smem:$0x3FFB];
	_ =	sdelay $0x3  }
0x93: {  	_ =	strace s4  }
0x94: {  	s4 =	sld [smem:$0x3FFC];
	_ =	sdelay $0x3  }
0x95: {  	_ =	strace s4  }
0x96: {  	s4 =	sld [smem:$0x3FFD];
	_ =	sdelay $0x3  }
0x97: {  	_ =	strace s4  }
0x98: {  	_ =	strace $0x8FFFFFFF  }
0x99: {  	s19 =	sld [smem:$0x3FDB];
	_ =	sdelay $0x1  }
0x9a: {  	s5 =	simm.s32 $_scs_section_size  }
0x9b: {  	s6 =	simm.s32 $_size__tile_overlayer_lowered;
	s7 =	simm.s32 $_tile_overlayer_lowered  }
0x9c: {  	s22 =	simm.s32 $0x1BFF;
	s21 =	sshll.u32 s7, $0x1;
	s4 =	sadd.s32 s5, s19  }
0x9d: {  	s8 =	simm.s32 $0x0;
	s20 =	sshll.u32 s6, $0x1;
	s6 =	sadd.s32 s21, s4  }
0x9e: {  	[timem:s8], [sflag:s22] =	dma.local [hbm:s6], s20  }
0x9f: {  	_ =	swait.ge [sflag:s22], s20  }
0xa0: {  	s5 =	ssub.s32 $0x0, s20;
	[sflag:s22] =	ssyncset.done $0x0  }
0xa1: {  	[sflag:s22] =	ssyncadd.s32 s5;
	_ =	sdelay $0x1  }
0xa2: {  	s23 =	simm.s32 $0x1B8B  }
0xa3: {  	_ =	swait.ge [sflag:s23], $0x1  }
0xa4: {  	[sflag:s23] =	ssyncset.done $0x0  }
0xa5: {  	s25 =	simm.s32 $0x1B8E;
	s24 =	sld [smem:$0x3FFE];
	[sflag:s23] =	ssyncadd.s32 $0xFFFFFFFF  }
0xa6: {  	s26 =	simm.s32 $execute0_lowered;
	[smem:$0x3FD2] =	sst s25  }
0xa7: {  	s6 =	sshll.u32 s26, $0x1;
	_ =	strace $0x80000046;
	[dreg:$0x1] =	wrdreg $0xFFFFFFFF  }
0xa8: {  	s28 =	simm.s32 $_size_execute0_lowered;
	s4 =	sadd.s32 s4, s6;
	[dreg:$0x0] =	wrdreg $0x0  }
0xa9: {  	s6 =	sshll.u32 s28, $0x1;
	[dreg:$0x2] =	wrdreg s4  }
0xaa: {  	[dreg:$0x3] =	wrdreg s6  }
0xab: {  	[dreg:$0x4] =	wrdreg $0xC0  }
0xac: {  	_ =	task [dreg:s8], $0x5FFFF  }
0xad: {  	[dreg:$0x1] =	wrdreg $0xFFFFFFFF  }
0xae: {  	[dreg:$0x0] =	wrdreg $0x60  }
0xaf: {  	[dreg:$0x2] =	wrdreg s24  }
0xb0: {  	[dreg:$0x3] =	wrdreg s2  }
0xb1: {  	[dreg:$0x4] =	wrdreg s18  }
0xb2: {  	[dreg:$0x5] =	wrdreg $0x9  }
0xb3: {  	_ =	task.clear_ibuf [dreg:s8], $0x6FFFF;
	_ =	strace $0x90000046  }
0xb4: {  	s29 =	simm.s32 $0x9;
	_ =	strace $0x80000048  }
0xb5: {  	_ =	swait.ge [sflag:s29], $0x1  }
0xb6: {  	[sflag:s29] =	ssyncadd.s32 $0xFFFFFFFF  }
0xb7: {  	_ =	strace $0x90000048  }
0xb8: {  	_ =	sfence  }
0xb9: {  	s30 =	sld [smem:$0x0];
	_ =	sdelay $0x2  }
0xba: {  	s31 =	sshll.u32 s1, $0xD;
	s1 =	sshrl.u32 s1, $0x2  }
0xbb: {  	s3 =	sand.u32 $0x4000, s31;
	s1 =	sadd.s32 s1, s30  }
0xbc: {  	s0 =	sor.u32 s3, s0;
	s1 =	sshll.u32 s1, $0x11  }
0xbd: {  	s0 =	sor.u32 s1, s0  }
0xbe: {  	s0 =	sadd.s32 $0x8F2B, s0  }
0xbf: {  	[sflag:s0] =	ssyncadd.remote.s32 $0x1  }
0xc0: {  	_ =	sfence.sel $0xFFFF  }
0xc1: {  	[dreg:$0x0] =	wrdreg $0xFFFFFFFF;
	(pc) =	sbr.abs _section_cstart, $3  }
0xc2: {  	[dreg:$0x1] =	wrdreg $0xFFFFFFFF  }
0xc3: {  	_ =	task.clear_ibuf [dreg:s8], $0x2FFFF;
	_ =	strace $0x9FFFFFFF  }
0xc4: {  	(tm) =	ssettm $0x7FFFFFFF  }
0xc5: {  	_ =	shalt  }
tec
execute0_lowered:
.L_overlay_start_1:
0x0: {  	(tag) =	ssettag $0x1  }
0x1: {  	s0 =	rddreg [dreg:$0x0]  }
0x2: {  	s2 =	rddreg [dreg:$0x1]  }
0x3: {  	s1 =	rddreg [dreg:$0x2]  }
0x4: {  	s3 =	srdreg.scid;
	s10 =	stileid.u32  }
0x5: {  	s28 =	simm.s32 $0xC;
	s29 =	simm.s32 $0x12;
	s30 =	simm.s32 $0x13  }
0x6: {  	s4 =	sand.u32 $0x1, s3;
	s5 =	sshll.u32 s10, $0x1;
	s3 =	simm.s32 $0x0  }
0x7: {  	s6 =	sshrl.u32 s10, $0x2;
	s19 =	smul.u32 $0xC8000, s10;
	s5 =	sor.u32 s4, s5  }
0x8: {  	[smem:$0x7FF] =	sst s3;
	s26 =	ssub.s32 $0x2, s4;
	s8 =	smul.u32 $0x64000, s5  }
0x9: {  	s6 =	smul.u32 $0x32000, s6;
	s7 =	sshll.u32 s5, $0x7;
	s9 =	sshrl.u32 s26, $0x1  }
0xa: {  	_ =	strace $0x80000047;
	s31 =	ssub.s32 s26, s9;
	s8 =	sadd.s32 s1, s8  }
0xb: {  	s5 =	smul.u32 $0x320000, s5;
	s26 =	smax.u32 s31, $0x1;
	[dreg:$0x4] =	wrdreg s8  }
0xc: {  	s7 =	sand.u32 $0x380, s7;
	s9 =	sadd.s32 $0x400, s8;
	[dreg:$0x15] =	wrdreg s26  }
0xd: {  	s6 =	sor.u32 s6, s7;
	s12 =	sadd.s32 $0x800, s8;
	[dreg:$0x6] =	wrdreg s9  }
0xe: {  	s6 =	sshrl.u32 s6, $0x3;
	s13 =	sadd.s32 $0xC00, s8;
	[dreg:$0x7] =	wrdreg s12  }
0xf: {  	s14 =	sadd.s32 $0x1000, s8;
	s0 =	sadd.s32 s6, s0;
	[dreg:$0x8] =	wrdreg s13  }
0x10: {  	s11 =	sshrl.u32 s5, $0x3;
	[dreg:$0x9] =	wrdreg s14;
	s0 =	sadd.s32 $0x400, s0  }
0x11: {  	s15 =	sadd.s32 $0x1400, s8;
	[dreg:$0x5] =	wrdreg s0;
	s0 =	sadd.s32 s1, s11  }
0x12: {  	s10 =	simm.s32 $0xE400;
	[dreg:$0xa] =	wrdreg s15;
	s16 =	sadd.s32 $0x61800, s0  }
0x13: {  	s4 =	smul.u32 $0x64000, s4;
	s17 =	sadd.s32 $0x61C00, s0;
	[dreg:$0xb] =	wrdreg s16  }
0x14: {  	s5 =	simm.s32 $0x17;
	s18 =	sadd.s32 $0x62000, s0;
	[dreg:$0xc] =	wrdreg s17  }
0x15: {  	s7 =	simm.s32 $0x18;
	s20 =	sadd.s32 $0x62400, s0;
	[dreg:$0xd] =	wrdreg s18  }
0x16: {  	s26 =	simm.s32 $0x40;
	s21 =	sadd.s32 $0x62800, s0;
	[dreg:$0xe] =	wrdreg s20  }
0x17: {  	s12 =	simm.s32 $0x10400;
	s22 =	sadd.s32 $0x62C00, s0;
	[dreg:$0xf] =	wrdreg s21  }
0x18: {  	s1 =	sadd.s32 s19, s1;
	s23 =	sadd.s32 $0x63000, s0;
	[dreg:$0x10] =	wrdreg s22  }
0x19: {  	s19 =	simm.s32 $0x5;
	s24 =	sadd.s32 $0x63400, s0;
	[dreg:$0x11] =	wrdreg s23  }
0x1a: {  	s25 =	sadd.s32 $0x63800, s0;
	s1 =	sadd.s32 s4, s1;
	[dreg:$0x12] =	wrdreg s24  }
0x1b: {  	s0 =	sadd.s32 $0x63C00, s0;
	s4 =	simm.s32 $0x0;
	[dreg:$0x13] =	wrdreg s25  }
0x1c: {  	[dreg:$0x14] =	wrdreg s0;
	s31 =	sadd.s32 $0x2400, s1;
	s25 =	simm.s32 $0xB  }
0x1d: {  	s22 =	simm.s32 $0x11;
	s0 =	simm.s32 $0x14;
	s24 =	simm.s32 $0x15  }
0x1e: {  	s1 =	simm.s32 $0x16;
	s21 =	simm.s32 $0x6;
	[dreg:$0x16] =	wrdreg s31  }
.LBB2_1:
0x1f: {  	[dreg:$0x17] =	wrdreg s4  }
0x20: {  	s9 =	rddreg [dreg:$0x5]  }
0x21: {  	s11 =	simm.s32 $0x80;
	s13 =	simm.s32 $0x400;
	s8 =	simm.s32 $0x19  }
0x22: {  	[tilespmem:s3], [sflag:$0x19] =	stream.strided.gather [hbm4b:s9+s11], $0x6400, s13, s11, $0x38;
	[tilespmem:$0x1E400] =	vst v63  }
0x23: {  	_ =	swait.ge [sflag:s8], $0x6400  }
0x24: {  	[sflag:s8] =	ssyncset.done $0x0  }
0x25: {  	s14 =	simm.s32 $0x6400;
	[sflag:s8] =	ssyncadd.s32 $0xFFFF9C00  }
0x26: {  	[tilespmem:s14], [sflag:$0x1] =	stream.indirect.gather [hbm4b:s2+s26], $0x80, s3, s26, $0xb8;
	[tilespmem:$0x1E400] =	vst v63  }
0x27: {  	s15 =	simm.s32 $0x8400  }
0x28: {  	[tilespmem:s15], [sflag:$0x2] =	stream.indirect.gather [hbm4b:s2+s26], $0x80, s26, s26, $0xb8;
	[tilespmem:$0x1E400] =	vst v63  }
0x29: {  	s17 =	simm.s32 $0xA400  }
0x2a: {  	[tilespmem:s17], [sflag:$0x3] =	stream.indirect.gather [hbm4b:s2+s26], $0x80, s11, s26, $0xb8;
	[tilespmem:$0x1E400] =	vst v63  }
0x2b: {  	s31 =	simm.s32 $0xC400;
	s8 =	simm.s32 $0xC0  }
0x2c: {  	[tilespmem:s31], [sflag:$0x4] =	stream.indirect.gather [hbm4b:s2+s26], $0x80, s8, s26, $0xb8;
	[tilespmem:$0x1E400] =	vst v63  }
0x2d: {  	s11 =	simm.s32 $0x100  }
0x2e: {  	[tilespmem:s10], [sflag:$0x5] =	stream.indirect.gather [hbm4b:s2+s26], $0x80, s11, s26, $0xb8;
	[tilespmem:$0x1E400] =	vst v63  }
0x2f: {  	s13 =	simm.s32 $0x140;
	s8 =	simm.s32 $0x1  }
0x30: {  	[tilespmem:s12], [sflag:$0x6] =	stream.indirect.gather [hbm4b:s2+s26], $0x80, s13, s26, $0xb8;
	[tilespmem:$0x1E400] =	vst v63  }
0x31: {  	_ =	swait.ge [sflag:s8], $0x2000  }
0x32: {  	[sflag:s8] =	ssyncset.done $0x0  }
0x33: {  	s16 =	rddreg [dreg:$0x4];
	[sflag:s8] =	ssyncadd.s32 $0xFFFFE000  }
0x34: {  	[hbm4b:s16+s3] =	stream.linear.scatter [tilespmem:s14], [sflag:$0xD], $0x2000, $0x38;
	[tilespmem:$0x1E400] =	vst v63  }
0x35: {  	s18 =	simm.s32 $0x180;
	s23 =	simm.s32 $0x12400;
	s16 =	simm.s32 $0x2  }
0x36: {  	[tilespmem:s23], [sflag:$0x7] =	stream.indirect.gather [hbm4b:s2+s26], $0x80, s18, s26, $0xb8;
	[tilespmem:$0x1E400] =	vst v63  }
0x37: {  	_ =	swait.ge [sflag:s16], $0x2000  }
0x38: {  	[sflag:s16] =	ssyncset.done $0x0  }
0x39: {  	s20 =	rddreg [dreg:$0x6];
	[sflag:s16] =	ssyncadd.s32 $0xFFFFE000  }
0x3a: {  	[hbm4b:s20+s3] =	stream.linear.scatter [tilespmem:s15], [sflag:$0xE], $0x2000, $0x38;
	[tilespmem:$0x1E400] =	vst v63  }
0x3b: {  	s4 =	simm.s32 $0x1C0;
	s6 =	simm.s32 $0x14400  }
0x3c: {  	[tilespmem:s6], [sflag:$0x8] =	stream.indirect.gather [hbm4b:s2+s26], $0x80, s4, s26, $0xb8;
	[tilespmem:$0x1E400] =	vst v63  }
0x3d: {  	s6 =	simm.s32 $0x3  }
0x3e: {  	_ =	swait.ge [sflag:s6], $0x2000  }
0x3f: {  	[sflag:s6] =	ssyncset.done $0x0  }
0x40: {  	s11 =	rddreg [dreg:$0x7];
	[sflag:s6] =	ssyncadd.s32 $0xFFFFE000  }
0x41: {  	[hbm4b:s11+s3] =	stream.linear.scatter [tilespmem:s17], [sflag:$0xF], $0x2000, $0x38;
	[tilespmem:$0x1E400] =	vst v63  }
0x42: {  	s13 =	simm.s32 $0x200;
	s20 =	simm.s32 $0x16400  }
0x43: {  	[tilespmem:s20], [sflag:$0x9] =	stream.indirect.gather [hbm4b:s2+s26], $0x80, s13, s26, $0xb8;
	[tilespmem:$0x1E400] =	vst v63  }
0x44: {  	s13 =	simm.s32 $0x4  }
0x45: {  	_ =	swait.ge [sflag:s13], $0x2000  }
0x46: {  	[sflag:s13] =	ssyncset.done $0x0  }
0x47: {  	s11 =	rddreg [dreg:$0x8];
	[sflag:s13] =	ssyncadd.s32 $0xFFFFE000  }
0x48: {  	[hbm4b:s11+s3] =	stream.linear.scatter [tilespmem:s31], [sflag:$0x10], $0x2000, $0x38;
	[tilespmem:$0x1E400] =	vst v63  }
0x49: {  	s4 =	simm.s32 $0x240;
	s11 =	simm.s32 $0x18400  }
0x4a: {  	[tilespmem:s11], [sflag:$0xA] =	stream.indirect.gather [hbm4b:s2+s26], $0x80, s4, s26, $0xb8;
	[tilespmem:$0x1E400] =	vst v63  }
0x4b: {  	_ =	swait.ge [sflag:s19], $0x2000  }
0x4c: {  	[sflag:s19] =	ssyncset.done $0x0  }
0x4d: {  	s11 =	rddreg [dreg:$0x9];
	[sflag:s19] =	ssyncadd.s32 $0xFFFFE000  }
0x4e: {  	[hbm4b:s11+s3] =	stream.linear.scatter [tilespmem:s10], [sflag:$0x11], $0x2000, $0x38;
	[tilespmem:$0x1E400] =	vst v63  }
0x4f: {  	s4 =	simm.s32 $0x280;
	s11 =	simm.s32 $0x1A400  }
0x50: {  	[tilespmem:s11], [sflag:$0xB] =	stream.indirect.gather [hbm4b:s2+s26], $0x80, s4, s26, $0xb8;
	[tilespmem:$0x1E400] =	vst v63  }
0x51: {  	_ =	swait.ge [sflag:s21], $0x2000  }
0x52: {  	[sflag:s21] =	ssyncset.done $0x0  }
0x53: {  	s4 =	rddreg [dreg:$0xa];
	[sflag:s21] =	ssyncadd.s32 $0xFFFFE000  }
0x54: {  	[hbm4b:s4+s3] =	stream.linear.scatter [tilespmem:s12], [sflag:$0x12], $0x2000, $0x38;
	[tilespmem:$0x1E400] =	vst v63  }
0x55: {  	s11 =	simm.s32 $0x2C0;
	s4 =	simm.s32 $0x1C400  }
0x56: {  	[tilespmem:s4], [sflag:$0xC] =	stream.indirect.gather [hbm4b:s2+s26], $0x80, s11, s26, $0xb8;
	[tilespmem:$0x1E400] =	vst v63  }
0x57: {  	s11 =	simm.s32 $0x7  }
0x58: {  	_ =	swait.ge [sflag:s11], $0x2000  }
0x59: {  	[sflag:s11] =	ssyncset.done $0x0  }
0x5a: {  	[sflag:s11] =	ssyncadd.s32 $0xFFFFE000;
	s11 =	rddreg [dreg:$0x16]  }
0x5b: {  	s9 =	sadd.s32 $0xFFFFF400, s11  }
0x5c: {  	[hbm4b:s9+s3] =	stream.linear.scatter [tilespmem:s23], [sflag:$0x13], $0x2000, $0x38;
	[tilespmem:$0x1E400] =	vst v63  }
0x5d: {  	s9 =	simm.s32 $0xD  }
0x5e: {  	_ =	swait.ge [sflag:s9], $0x2000  }
0x5f: {  	[sflag:s9] =	ssyncset.done $0x0  }
0x60: {  	[sflag:s9] =	ssyncadd.s32 $0xFFFFE000;
	s9 =	simm.s32 $0x300  }
0x61: {  	[tilespmem:s14], [sflag:$0x1] =	stream.indirect.gather [hbm4b:s2+s26], $0x80, s9, s26, $0xb8;
	[tilespmem:$0x1E400] =	vst v63  }
0x62: {  	s9 =	simm.s32 $0x8  }
0x63: {  	_ =	swait.ge [sflag:s9], $0x2000  }
0x64: {  	[sflag:s9] =	ssyncset.done $0x0  }
0x65: {  	s18 =	simm.s32 $0x14400;
	[sflag:s9] =	ssyncadd.s32 $0xFFFFE000;
	s9 =	sadd.s32 $0xFFFFF800, s11  }
0x66: {  	[hbm4b:s9+s3] =	stream.linear.scatter [tilespmem:s18], [sflag:$0x14], $0x2000, $0x38;
	[tilespmem:$0x1E400] =	vst v63  }
0x67: {  	s18 =	simm.s32 $0xE  }
0x68: {  	_ =	swait.ge [sflag:s18], $0x2000  }
0x69: {  	[sflag:s18] =	ssyncset.done $0x0  }
0x6a: {  	[sflag:s18] =	ssyncadd.s32 $0xFFFFE000;
	s18 =	simm.s32 $0x340  }
0x6b: {  	[tilespmem:s15], [sflag:$0x2] =	stream.indirect.gather [hbm4b:s2+s26], $0x80, s18, s26, $0xb8;
	[tilespmem:$0x1E400] =	vst v63  }
0x6c: {  	s18 =	simm.s32 $0x9  }
0x6d: {  	_ =	swait.ge [sflag:s18], $0x2000  }
0x6e: {  	[sflag:s18] =	ssyncset.done $0x0  }
0x6f: {  	s20 =	simm.s32 $0x16400;
	[sflag:s18] =	ssyncadd.s32 $0xFFFFE000;
	s18 =	sadd.s32 $0xFFFFFC00, s11  }
0x70: {  	[hbm4b:s18+s3] =	stream.linear.scatter [tilespmem:s20], [sflag:$0x15], $0x2000, $0x38;
	[tilespmem:$0x1E400] =	vst v63  }
0x71: {  	s18 =	simm.s32 $0xF  }
0x72: {  	_ =	swait.ge [sflag:s18], $0x2000  }
0x73: {  	[sflag:s18] =	ssyncset.done $0x0  }
0x74: {  	s20 =	simm.s32 $0x380;
	[sflag:s18] =	ssyncadd.s32 $0xFFFFE000;
	s18 =	simm.s32 $0xA  }
0x75: {  	[tilespmem:s17], [sflag:$0x3] =	stream.indirect.gather [hbm4b:s2+s26], $0x80, s20, s26, $0xb8;
	[tilespmem:$0x1E400] =	vst v63  }
0x76: {  	_ =	swait.ge [sflag:s18], $0x2000  }
0x77: {  	[sflag:s18] =	ssyncset.done $0x0  }
0x78: {  	s20 =	simm.s32 $0x18400;
	[sflag:s18] =	ssyncadd.s32 $0xFFFFE000;
	s18 =	simm.s32 $0x10  }
0x79: {  	[hbm4b:s11+s3] =	stream.linear.scatter [tilespmem:s20], [sflag:$0x16], $0x2000, $0x38;
	[tilespmem:$0x1E400] =	vst v63  }
0x7a: {  	_ =	swait.ge [sflag:s18], $0x2000  }
0x7b: {  	[sflag:s18] =	ssyncset.done $0x0  }
0x7c: {  	[sflag:s18] =	ssyncadd.s32 $0xFFFFE000;
	s18 =	simm.s32 $0x3C0  }
0x7d: {  	[tilespmem:s31], [sflag:$0x4] =	stream.indirect.gather [hbm4b:s2+s26], $0x80, s18, s26, $0xb8;
	[tilespmem:$0x1E400] =	vst v63  }
0x7e: {  	_ =	swait.ge [sflag:s25], $0x2000  }
0x7f: {  	[sflag:s25] =	ssyncset.done $0x0  }
0x80: {  	s9 =	sadd.s32 $0x400, s11;
	s18 =	simm.s32 $0x1A400;
	[sflag:s25] =	ssyncadd.s32 $0xFFFFE000  }
0x81: {  	[hbm4b:s9+s3] =	stream.linear.scatter [tilespmem:s18], [sflag:$0x17], $0x2000, $0x38;
	[tilespmem:$0x1E400] =	vst v63  }
0x82: {  	_ =	swait.ge [sflag:s22], $0x2000  }
0x83: {  	[sflag:s22] =	ssyncset.done $0x0  }
0x84: {  	s9 =	simm.s32 $0x400;
	[sflag:s22] =	ssyncadd.s32 $0xFFFFE000  }
0x85: {  	[tilespmem:s10], [sflag:$0x5] =	stream.indirect.gather [hbm4b:s2+s26], $0x80, s9, s26, $0xb8;
	[tilespmem:$0x1E400] =	vst v63  }
0x86: {  	_ =	swait.ge [sflag:s28], $0x2000  }
0x87: {  	[sflag:s28] =	ssyncset.done $0x0  }
0x88: {  	s9 =	sadd.s32 $0x800, s11;
	[sflag:s28] =	ssyncadd.s32 $0xFFFFE000  }
0x89: {  	[hbm4b:s9+s3] =	stream.linear.scatter [tilespmem:s4], [sflag:$0x18], $0x2000, $0x38;
	[tilespmem:$0x1E400] =	vst v63  }
0x8a: {  	_ =	swait.ge [sflag:s29], $0x2000  }
0x8b: {  	[sflag:s29] =	ssyncset.done $0x0  }
0x8c: {  	s4 =	simm.s32 $0x440;
	[sflag:s29] =	ssyncadd.s32 $0xFFFFE000  }
0x8d: {  	[tilespmem:s12], [sflag:$0x6] =	stream.indirect.gather [hbm4b:s2+s26], $0x80, s4, s26, $0xb8;
	[tilespmem:$0x1E400] =	vst v63  }
0x8e: {  	_ =	swait.ge [sflag:s8], $0x2000  }
0x8f: {  	[sflag:s8] =	ssyncset.done $0x0  }
0x90: {  	s4 =	sadd.s32 $0xC00, s11;
	[sflag:s8] =	ssyncadd.s32 $0xFFFFE000  }
0x91: {  	[hbm4b:s4+s3] =	stream.linear.scatter [tilespmem:s14], [sflag:$0xD], $0x2000, $0x38;
	[tilespmem:$0x1E400] =	vst v63  }
0x92: {  	_ =	swait.ge [sflag:s30], $0x2000  }
0x93: {  	[sflag:s30] =	ssyncset.done $0x0  }
0x94: {  	s8 =	simm.s32 $0x480;
	[sflag:s30] =	ssyncadd.s32 $0xFFFFE000  }
0x95: {  	[tilespmem:s23], [sflag:$0x7] =	stream.indirect.gather [hbm4b:s2+s26], $0x80, s8, s26, $0xb8;
	[tilespmem:$0x1E400] =	vst v63  }
0x96: {  	_ =	swait.ge [sflag:s16], $0x2000  }
0x97: {  	[sflag:s16] =	ssyncset.done $0x0  }
0x98: {  	s14 =	sadd.s32 $0x1000, s11;
	[sflag:s16] =	ssyncadd.s32 $0xFFFFE000  }
0x99: {  	[hbm4b:s14+s3] =	stream.linear.scatter [tilespmem:s15], [sflag:$0xE], $0x2000, $0x38;
	[tilespmem:$0x1E400] =	vst v63  }
0x9a: {  	_ =	swait.ge [sflag:s0], $0x2000  }
0x9b: {  	[sflag:s0] =	ssyncset.done $0x0  }
0x9c: {  	s23 =	simm.s32 $0x14400;
	s16 =	simm.s32 $0x4C0;
	[sflag:s0] =	ssyncadd.s32 $0xFFFFE000  }
0x9d: {  	[tilespmem:s23], [sflag:$0x8] =	stream.indirect.gather [hbm4b:s2+s26], $0x80, s16, s26, $0xb8;
	[tilespmem:$0x1E400] =	vst v63  }
0x9e: {  	_ =	swait.ge [sflag:s6], $0x2000  }
0x9f: {  	[sflag:s6] =	ssyncset.done $0x0  }
0xa0: {  	s8 =	sadd.s32 $0x1400, s11;
	[sflag:s6] =	ssyncadd.s32 $0xFFFFE000  }
0xa1: {  	[hbm4b:s8+s3] =	stream.linear.scatter [tilespmem:s17], [sflag:$0xF], $0x2000, $0x38;
	[tilespmem:$0x1E400] =	vst v63  }
0xa2: {  	_ =	swait.ge [sflag:s24], $0x2000  }
0xa3: {  	[sflag:s24] =	ssyncset.done $0x0  }
0xa4: {  	s14 =	simm.s32 $0x500;
	s15 =	simm.s32 $0x16400;
	[sflag:s24] =	ssyncadd.s32 $0xFFFFE000  }
0xa5: {  	[tilespmem:s15], [sflag:$0x9] =	stream.indirect.gather [hbm4b:s2+s26], $0x80, s14, s26, $0xb8;
	[tilespmem:$0x1E400] =	vst v63  }
0xa6: {  	_ =	swait.ge [sflag:s13], $0x2000  }
0xa7: {  	[sflag:s13] =	ssyncset.done $0x0  }
0xa8: {  	s16 =	sadd.s32 $0x1800, s11;
	[sflag:s13] =	ssyncadd.s32 $0xFFFFE000  }
0xa9: {  	[hbm4b:s16+s3] =	stream.linear.scatter [tilespmem:s31], [sflag:$0x10], $0x2000, $0x38;
	[tilespmem:$0x1E400] =	vst v63  }
0xaa: {  	_ =	swait.ge [sflag:s1], $0x2000  }
0xab: {  	[sflag:s1] =	ssyncset.done $0x0  }
0xac: {  	s20 =	simm.s32 $0x18400;
	s17 =	simm.s32 $0x540;
	[sflag:s1] =	ssyncadd.s32 $0xFFFFE000  }
0xad: {  	[tilespmem:s20], [sflag:$0xA] =	stream.indirect.gather [hbm4b:s2+s26], $0x80, s17, s26, $0xb8;
	[tilespmem:$0x1E400] =	vst v63  }
0xae: {  	_ =	swait.ge [sflag:s19], $0x2000  }
0xaf: {  	[sflag:s19] =	ssyncset.done $0x0  }
0xb0: {  	s20 =	sadd.s32 $0x1C00, s11;
	[sflag:s19] =	ssyncadd.s32 $0xFFFFE000  }
0xb1: {  	[hbm4b:s20+s3] =	stream.linear.scatter [tilespmem:s10], [sflag:$0x11], $0x2000, $0x38;
	[tilespmem:$0x1E400] =	vst v63  }
0xb2: {  	_ =	swait.ge [sflag:s5], $0x2000  }
0xb3: {  	[sflag:s5] =	ssyncset.done $0x0  }
0xb4: {  	s18 =	simm.s32 $0x1A400;
	s23 =	simm.s32 $0x580;
	[sflag:s5] =	ssyncadd.s32 $0xFFFFE000  }
0xb5: {  	[tilespmem:s18], [sflag:$0xB] =	stream.indirect.gather [hbm4b:s2+s26], $0x80, s23, s26, $0xb8;
	[tilespmem:$0x1E400] =	vst v63  }
0xb6: {  	_ =	swait.ge [sflag:s21], $0x2000  }
0xb7: {  	[sflag:s21] =	ssyncset.done $0x0  }
0xb8: {  	s31 =	sadd.s32 $0x2000, s11;
	[sflag:s21] =	ssyncadd.s32 $0xFFFFE000  }
0xb9: {  	[hbm4b:s31+s3] =	stream.linear.scatter [tilespmem:s12], [sflag:$0x12], $0x2000, $0x38;
	[tilespmem:$0x1E400] =	vst v63  }
0xba: {  	s9 =	simm.s32 $0xC00;
	_ =	swait.ge [sflag:s7], $0x2000  }
0xbb: {  	s14 =	simm.s32 $0x10400;
	s13 =	simm.s32 $0x5C0;
	[sflag:s7] =	ssyncset.done $0x0  }
0xbc: {  	s11 =	sadd.s32 $0x3000, s11;
	s12 =	simm.s32 $0xE400;
	[sflag:s7] =	ssyncadd.s32 $0xFFFFE000  }
.LBB2_2:
0xbd: {  	s4 =	simm.s32 $0x1C400  }
0xbe: {  	[tilespmem:s4], [sflag:$0xC] =	stream.indirect.gather [hbm4b:s2+s26], $0x80, s13, s26, $0xb8;
	[tilespmem:$0x1E400] =	vst v63  }
0xbf: {  	s6 =	simm.s32 $0x7;
	s13 =	smov.u32 s9  }
0xc0: {  	p0 =	sne.s32 s9, $0x17400;
	s9 =	sadd.s32 $0xC00, s9;
	_ =	swait.ge [sflag:s6], $0x2000  }
0xc1: {  	s15 =	sadd.s32 $0xFFFFF400, s11;
	[sflag:s6] =	ssyncset.done $0x0  }
0xc2: {  	s16 =	simm.s32 $0x12400;
	[sflag:s6] =	ssyncadd.s32 $0xFFFFE000;
	s6 =	simm.s32 $0xD  }
0xc3: {  	[hbm4b:s15+s3] =	stream.linear.scatter [tilespmem:s16], [sflag:$0x13], $0x2000, $0x38;
	[tilespmem:$0x1E400] =	vst v63  }
0xc4: {  	_ =	swait.ge [sflag:s6], $0x2000  }
0xc5: {  	s31 =	simm.s32 $0x6400;
	s13 =	sshra.s32 s13, $0x2;
	[sflag:s6] =	ssyncset.done $0x0  }
0xc6: {  	s15 =	sadd.s32 $0x300, s13;
	[sflag:s6] =	ssyncadd.s32 $0xFFFFE000;
	s6 =	simm.s32 $0x8  }
0xc7: {  	[tilespmem:s31], [sflag:$0x1] =	stream.indirect.gather [hbm4b:s2+s26], $0x80, s15, s26, $0xb8;
	[tilespmem:$0x1E400] =	vst v63  }
0xc8: {  	_ =	swait.ge [sflag:s6], $0x2000  }
0xc9: {  	s23 =	simm.s32 $0x14400;
	[sflag:s6] =	ssyncset.done $0x0  }
0xca: {  	s15 =	sadd.s32 $0xFFFFF800, s11;
	[sflag:s6] =	ssyncadd.s32 $0xFFFFE000;
	s6 =	simm.s32 $0xE  }
0xcb: {  	[hbm4b:s15+s3] =	stream.linear.scatter [tilespmem:s23], [sflag:$0x14], $0x2000, $0x38;
	[tilespmem:$0x1E400] =	vst v63  }
0xcc: {  	_ =	swait.ge [sflag:s6], $0x2000  }
0xcd: {  	s8 =	simm.s32 $0x9;
	[sflag:s6] =	ssyncset.done $0x0  }
0xce: {  	s15 =	sadd.s32 $0x340, s13;
	[sflag:s6] =	ssyncadd.s32 $0xFFFFE000;
	s6 =	simm.s32 $0x8400  }
0xcf: {  	[tilespmem:s6], [sflag:$0x2] =	stream.indirect.gather [hbm4b:s2+s26], $0x80, s15, s26, $0xb8;
	[tilespmem:$0x1E400] =	vst v63  }
0xd0: {  	_ =	swait.ge [sflag:s8], $0x2000  }
0xd1: {  	s17 =	simm.s32 $0x16400;
	[sflag:s8] =	ssyncset.done $0x0  }
0xd2: {  	s15 =	sadd.s32 $0xFFFFFC00, s11;
	[sflag:s8] =	ssyncadd.s32 $0xFFFFE000;
	s8 =	simm.s32 $0xF  }
0xd3: {  	[hbm4b:s15+s3] =	stream.linear.scatter [tilespmem:s17], [sflag:$0x15], $0x2000, $0x38;
	[tilespmem:$0x1E400] =	vst v63  }
0xd4: {  	_ =	swait.ge [sflag:s8], $0x2000  }
0xd5: {  	s10 =	simm.s32 $0xA;
	[sflag:s8] =	ssyncset.done $0x0  }
0xd6: {  	s15 =	sadd.s32 $0x380, s13;
	[sflag:s8] =	ssyncadd.s32 $0xFFFFE000;
	s8 =	simm.s32 $0xA400  }
0xd7: {  	[tilespmem:s8], [sflag:$0x3] =	stream.indirect.gather [hbm4b:s2+s26], $0x80, s15, s26, $0xb8;
	[tilespmem:$0x1E400] =	vst v63  }
0xd8: {  	_ =	swait.ge [sflag:s10], $0x2000  }
0xd9: {  	[sflag:s10] =	ssyncset.done $0x0  }
0xda: {  	s18 =	simm.s32 $0x18400;
	[sflag:s10] =	ssyncadd.s32 $0xFFFFE000;
	s10 =	simm.s32 $0x10  }
0xdb: {  	[hbm4b:s11+s3] =	stream.linear.scatter [tilespmem:s18], [sflag:$0x16], $0x2000, $0x38;
	[tilespmem:$0x1E400] =	vst v63  }
0xdc: {  	_ =	swait.ge [sflag:s10], $0x2000  }
0xdd: {  	[sflag:s10] =	ssyncset.done $0x0  }
0xde: {  	s15 =	sadd.s32 $0x3C0, s13;
	[sflag:s10] =	ssyncadd.s32 $0xFFFFE000;
	s10 =	simm.s32 $0xC400  }
0xdf: {  	[tilespmem:s10], [sflag:$0x4] =	stream.indirect.gather [hbm4b:s2+s26], $0x80, s15, s26, $0xb8;
	[tilespmem:$0x1E400] =	vst v63  }
0xe0: {  	_ =	swait.ge [sflag:s25], $0x2000  }
0xe1: {  	[sflag:s25] =	ssyncset.done $0x0  }
0xe2: {  	s20 =	simm.s32 $0x1A400;
	s15 =	sadd.s32 $0x400, s11;
	[sflag:s25] =	ssyncadd.s32 $0xFFFFE000  }
0xe3: {  	[hbm4b:s15+s3] =	stream.linear.scatter [tilespmem:s20], [sflag:$0x17], $0x2000, $0x38;
	[tilespmem:$0x1E400] =	vst v63  }
0xe4: {  	_ =	swait.ge [sflag:s22], $0x2000  }
0xe5: {  	[sflag:s22] =	ssyncset.done $0x0  }
0xe6: {  	s15 =	sadd.s32 $0x400, s13;
	[sflag:s22] =	ssyncadd.s32 $0xFFFFE000  }
0xe7: {  	[tilespmem:s12], [sflag:$0x5] =	stream.indirect.gather [hbm4b:s2+s26], $0x80, s15, s26, $0xb8;
	[tilespmem:$0x1E400] =	vst v63  }
0xe8: {  	_ =	swait.ge [sflag:s28], $0x2000  }
0xe9: {  	[sflag:s28] =	ssyncset.done $0x0  }
0xea: {  	s15 =	sadd.s32 $0x800, s11;
	[sflag:s28] =	ssyncadd.s32 $0xFFFFE000  }
0xeb: {  	[hbm4b:s15+s3] =	stream.linear.scatter [tilespmem:s4], [sflag:$0x18], $0x2000, $0x38;
	[tilespmem:$0x1E400] =	vst v63  }
0xec: {  	_ =	swait.ge [sflag:s29], $0x2000  }
0xed: {  	[sflag:s29] =	ssyncset.done $0x0  }
0xee: {  	s15 =	sadd.s32 $0x440, s13;
	[sflag:s29] =	ssyncadd.s32 $0xFFFFE000  }
0xef: {  	[tilespmem:s14], [sflag:$0x6] =	stream.indirect.gather [hbm4b:s2+s26], $0x80, s15, s26, $0xb8;
	[tilespmem:$0x1E400] =	vst v63  }
0xf0: {  	s15 =	simm.s32 $0x1  }
0xf1: {  	_ =	swait.ge [sflag:s15], $0x2000  }
0xf2: {  	[sflag:s15] =	ssyncset.done $0x0  }
0xf3: {  	[sflag:s15] =	ssyncadd.s32 $0xFFFFE000;
	s15 =	sadd.s32 $0xC00, s11  }
0xf4: {  	[hbm4b:s15+s3] =	stream.linear.scatter [tilespmem:s31], [sflag:$0xD], $0x2000, $0x38;
	[tilespmem:$0x1E400] =	vst v63  }
0xf5: {  	_ =	swait.ge [sflag:s30], $0x2000  }
0xf6: {  	[sflag:s30] =	ssyncset.done $0x0  }
0xf7: {  	s15 =	sadd.s32 $0x480, s13;
	[sflag:s30] =	ssyncadd.s32 $0xFFFFE000  }
0xf8: {  	[tilespmem:s16], [sflag:$0x7] =	stream.indirect.gather [hbm4b:s2+s26], $0x80, s15, s26, $0xb8;
	[tilespmem:$0x1E400] =	vst v63  }
0xf9: {  	s31 =	simm.s32 $0x12400;
	s15 =	simm.s32 $0x2  }
0xfa: {  	_ =	swait.ge [sflag:s15], $0x2000  }
0xfb: {  	[sflag:s15] =	ssyncset.done $0x0  }
0xfc: {  	[sflag:s15] =	ssyncadd.s32 $0xFFFFE000;
	s15 =	sadd.s32 $0x1000, s11  }
0xfd: {  	[hbm4b:s15+s3] =	stream.linear.scatter [tilespmem:s6], [sflag:$0xE], $0x2000, $0x38;
	[tilespmem:$0x1E400] =	vst v63  }
0xfe: {  	_ =	swait.ge [sflag:s0], $0x2000  }
0xff: {  	[sflag:s0] =	ssyncset.done $0x0  }
0x100: {  	s15 =	sadd.s32 $0x4C0, s13;
	[sflag:s0] =	ssyncadd.s32 $0xFFFFE000  }
0x101: {  	[tilespmem:s23], [sflag:$0x8] =	stream.indirect.gather [hbm4b:s2+s26], $0x80, s15, s26, $0xb8;
	[tilespmem:$0x1E400] =	vst v63  }
0x102: {  	s6 =	simm.s32 $0x14400;
	s15 =	simm.s32 $0x3  }
0x103: {  	_ =	swait.ge [sflag:s15], $0x2000  }
0x104: {  	[sflag:s15] =	ssyncset.done $0x0  }
0x105: {  	[sflag:s15] =	ssyncadd.s32 $0xFFFFE000;
	s15 =	sadd.s32 $0x1400, s11  }
0x106: {  	[hbm4b:s15+s3] =	stream.linear.scatter [tilespmem:s8], [sflag:$0xF], $0x2000, $0x38;
	[tilespmem:$0x1E400] =	vst v63  }
0x107: {  	_ =	swait.ge [sflag:s24], $0x2000  }
0x108: {  	[sflag:s24] =	ssyncset.done $0x0  }
0x109: {  	s15 =	sadd.s32 $0x500, s13;
	[sflag:s24] =	ssyncadd.s32 $0xFFFFE000  }
0x10a: {  	[tilespmem:s17], [sflag:$0x9] =	stream.indirect.gather [hbm4b:s2+s26], $0x80, s15, s26, $0xb8;
	[tilespmem:$0x1E400] =	vst v63  }
0x10b: {  	s8 =	simm.s32 $0x16400;
	s15 =	simm.s32 $0x4  }
0x10c: {  	_ =	swait.ge [sflag:s15], $0x2000  }
0x10d: {  	[sflag:s15] =	ssyncset.done $0x0  }
0x10e: {  	[sflag:s15] =	ssyncadd.s32 $0xFFFFE000;
	s15 =	sadd.s32 $0x1800, s11  }
0x10f: {  	[hbm4b:s15+s3] =	stream.linear.scatter [tilespmem:s10], [sflag:$0x10], $0x2000, $0x38;
	[tilespmem:$0x1E400] =	vst v63  }
0x110: {  	_ =	swait.ge [sflag:s1], $0x2000  }
0x111: {  	[sflag:s1] =	ssyncset.done $0x0  }
0x112: {  	s15 =	sadd.s32 $0x540, s13;
	s10 =	simm.s32 $0x18400;
	[sflag:s1] =	ssyncadd.s32 $0xFFFFE000  }
0x113: {  	[tilespmem:s18], [sflag:$0xA] =	stream.indirect.gather [hbm4b:s2+s26], $0x80, s15, s26, $0xb8;
	[tilespmem:$0x1E400] =	vst v63  }
0x114: {  	_ =	swait.ge [sflag:s19], $0x2000  }
0x115: {  	[sflag:s19] =	ssyncset.done $0x0  }
0x116: {  	s15 =	sadd.s32 $0x1C00, s11;
	[sflag:s19] =	ssyncadd.s32 $0xFFFFE000  }
0x117: {  	[hbm4b:s15+s3] =	stream.linear.scatter [tilespmem:s12], [sflag:$0x11], $0x2000, $0x38;
	[tilespmem:$0x1E400] =	vst v63  }
0x118: {  	_ =	swait.ge [sflag:s5], $0x2000  }
0x119: {  	[sflag:s5] =	ssyncset.done $0x0  }
0x11a: {  	s16 =	simm.s32 $0x1A400;
	s15 =	sadd.s32 $0x580, s13;
	[sflag:s5] =	ssyncadd.s32 $0xFFFFE000  }
0x11b: {  	[tilespmem:s20], [sflag:$0xB] =	stream.indirect.gather [hbm4b:s2+s26], $0x80, s15, s26, $0xb8;
	[tilespmem:$0x1E400] =	vst v63  }
0x11c: {  	_ =	swait.ge [sflag:s21], $0x2000  }
0x11d: {  	[sflag:s21] =	ssyncset.done $0x0  }
.Ltmp0:
0x11e: {  	s15 =	sadd.s32 $0x2000, s11;
	[sflag:s21] =	ssyncadd.s32 $0xFFFFE000;
	(pc) =	sbr.rel @p0 .LBB2_2-.Ltmp0, $4  }
0x11f: {  	[hbm4b:s15+s3] =	stream.linear.scatter [tilespmem:s14], [sflag:$0x12], $0x2000, $0x38;
	[tilespmem:$0x1E400] =	vst v63  }
0x120: {  	_ =	swait.ge [sflag:s7], $0x2000  }
0x121: {  	[sflag:s7] =	ssyncset.done $0x0  }
0x122: {  	s13 =	sadd.s32 $0x5C0, s13;
	s11 =	sadd.s32 $0x3000, s11;
	[sflag:s7] =	ssyncadd.s32 $0xFFFFE000  }
0x123: {  	s4 =	simm.s32 $0x1C400;
	s9 =	simm.s32 $0x7  }
0x124: {  	[tilespmem:s4], [sflag:$0xC] =	stream.indirect.gather [hbm4b:s2+s26], $0x80, s13, s26, $0xb8;
	[tilespmem:$0x1E400] =	vst v63  }
0x125: {  	_ =	swait.ge [sflag:s9], $0x2000  }
0x126: {  	[sflag:s9] =	ssyncset.done $0x0  }
0x127: {  	s12 =	rddreg [dreg:$0xb];
	[sflag:s9] =	ssyncadd.s32 $0xFFFFE000  }
0x128: {  	[hbm4b:s12+s3] =	stream.linear.scatter [tilespmem:s31], [sflag:$0x13], $0x2000, $0x38;
	[tilespmem:$0x1E400] =	vst v63  }
0x129: {  	s12 =	simm.s32 $0xD  }
0x12a: {  	_ =	swait.ge [sflag:s12], $0x2000  }
0x12b: {  	s11 =	simm.s32 $0x6400;
	[sflag:s12] =	ssyncset.done $0x0  }
0x12c: {  	s14 =	simm.s32 $0x8;
	s13 =	simm.s32 $0x6300;
	[sflag:s12] =	ssyncadd.s32 $0xFFFFE000  }
0x12d: {  	[tilespmem:s11], [sflag:$0x1] =	stream.indirect.gather [hbm4b:s2+s26], $0x80, s13, s26, $0xb8;
	[tilespmem:$0x1E400] =	vst v63  }
0x12e: {  	_ =	swait.ge [sflag:s14], $0x2000  }
0x12f: {  	[sflag:s14] =	ssyncset.done $0x0  }
0x130: {  	s13 =	simm.s32 $0xE;
	s15 =	rddreg [dreg:$0xc];
	[sflag:s14] =	ssyncadd.s32 $0xFFFFE000  }
0x131: {  	[hbm4b:s15+s3] =	stream.linear.scatter [tilespmem:s6], [sflag:$0x14], $0x2000, $0x38;
	[tilespmem:$0x1E400] =	vst v63  }
0x132: {  	_ =	swait.ge [sflag:s13], $0x2000  }
0x133: {  	s17 =	simm.s32 $0x6340;
	[sflag:s13] =	ssyncset.done $0x0  }
0x134: {  	s18 =	simm.s32 $0x9;
	s6 =	simm.s32 $0x8400;
	[sflag:s13] =	ssyncadd.s32 $0xFFFFE000  }
0x135: {  	[tilespmem:s6], [sflag:$0x2] =	stream.indirect.gather [hbm4b:s2+s26], $0x80, s17, s26, $0xb8;
	[tilespmem:$0x1E400] =	vst v63  }
0x136: {  	_ =	swait.ge [sflag:s18], $0x2000  }
0x137: {  	[sflag:s18] =	ssyncset.done $0x0  }
0x138: {  	s14 =	simm.s32 $0xF;
	s20 =	rddreg [dreg:$0xd];
	[sflag:s18] =	ssyncadd.s32 $0xFFFFE000  }
0x139: {  	[hbm4b:s20+s3] =	stream.linear.scatter [tilespmem:s8], [sflag:$0x15], $0x2000, $0x38;
	[tilespmem:$0x1E400] =	vst v63  }
0x13a: {  	_ =	swait.ge [sflag:s14], $0x2000  }
0x13b: {  	s23 =	simm.s32 $0x6380;
	[sflag:s14] =	ssyncset.done $0x0  }
0x13c: {  	s31 =	simm.s32 $0xA;
	s8 =	simm.s32 $0xA400;
	[sflag:s14] =	ssyncadd.s32 $0xFFFFE000  }
0x13d: {  	[tilespmem:s8], [sflag:$0x3] =	stream.indirect.gather [hbm4b:s2+s26], $0x80, s23, s26, $0xb8;
	[tilespmem:$0x1E400] =	vst v63  }
0x13e: {  	_ =	swait.ge [sflag:s31], $0x2000  }
0x13f: {  	[sflag:s31] =	ssyncset.done $0x0  }
0x140: {  	s15 =	rddreg [dreg:$0xe];
	[sflag:s31] =	ssyncadd.s32 $0xFFFFE000  }
0x141: {  	[hbm4b:s15+s3] =	stream.linear.scatter [tilespmem:s10], [sflag:$0x16], $0x2000, $0x38;
	[tilespmem:$0x1E400] =	vst v63  }
0x142: {  	s15 =	simm.s32 $0x10  }
0x143: {  	_ =	swait.ge [sflag:s15], $0x2000  }
0x144: {  	[sflag:s15] =	ssyncset.done $0x0  }
0x145: {  	s17 =	simm.s32 $0x63C0;
	s10 =	simm.s32 $0xC400;
	[sflag:s15] =	ssyncadd.s32 $0xFFFFE000  }
0x146: {  	[tilespmem:s10], [sflag:$0x4] =	stream.indirect.gather [hbm4b:s2+s26], $0x80, s17, s26, $0xb8;
	[tilespmem:$0x1E400] =	vst v63  }
0x147: {  	_ =	swait.ge [sflag:s25], $0x2000  }
0x148: {  	[sflag:s25] =	ssyncset.done $0x0  }
0x149: {  	s18 =	rddreg [dreg:$0xf];
	[sflag:s25] =	ssyncadd.s32 $0xFFFFE000  }
0x14a: {  	[hbm4b:s18+s3] =	stream.linear.scatter [tilespmem:s16], [sflag:$0x17], $0x2000, $0x38;
	[tilespmem:$0x1E400] =	vst v63  }
0x14b: {  	_ =	swait.ge [sflag:s22], $0x2000  }
0x14c: {  	[sflag:s22] =	ssyncset.done $0x0  }
0x14d: {  	[sflag:s22] =	ssyncadd.s32 $0xFFFFE000  }
0x14e: {  	_ =	swait.ge [sflag:s28], $0x2000  }
0x14f: {  	[sflag:s28] =	ssyncset.done $0x0  }
0x150: {  	s20 =	rddreg [dreg:$0x10];
	[sflag:s28] =	ssyncadd.s32 $0xFFFFE000  }
0x151: {  	[hbm4b:s20+s3] =	stream.linear.scatter [tilespmem:s4], [sflag:$0x18], $0x2000, $0x38;
	[tilespmem:$0x1E400] =	vst v63  }
0x152: {  	_ =	swait.ge [sflag:s29], $0x2000  }
0x153: {  	[sflag:s29] =	ssyncset.done $0x0  }
0x154: {  	s23 =	simm.s32 $0x1;
	[sflag:s29] =	ssyncadd.s32 $0xFFFFE000  }
0x155: {  	_ =	swait.ge [sflag:s23], $0x2000  }
0x156: {  	[sflag:s23] =	ssyncset.done $0x0  }
0x157: {  	s31 =	rddreg [dreg:$0x11];
	[sflag:s23] =	ssyncadd.s32 $0xFFFFE000  }
0x158: {  	[hbm4b:s31+s3] =	stream.linear.scatter [tilespmem:s11], [sflag:$0xD], $0x2000, $0x38;
	[tilespmem:$0x1E400] =	vst v63  }
0x159: {  	_ =	swait.ge [sflag:s30], $0x2000  }
0x15a: {  	[sflag:s30] =	ssyncset.done $0x0  }
0x15b: {  	s4 =	simm.s32 $0x2;
	[sflag:s30] =	ssyncadd.s32 $0xFFFFE000  }
0x15c: {  	_ =	swait.ge [sflag:s4], $0x2000  }
0x15d: {  	[sflag:s4] =	ssyncset.done $0x0  }
0x15e: {  	s11 =	rddreg [dreg:$0x12];
	[sflag:s4] =	ssyncadd.s32 $0xFFFFE000  }
0x15f: {  	[hbm4b:s11+s3] =	stream.linear.scatter [tilespmem:s6], [sflag:$0xE], $0x2000, $0x38;
	[tilespmem:$0x1E400] =	vst v63  }
0x160: {  	_ =	swait.ge [sflag:s0], $0x2000  }
0x161: {  	[sflag:s0] =	ssyncset.done $0x0  }
0x162: {  	s16 =	simm.s32 $0x3;
	[sflag:s0] =	ssyncadd.s32 $0xFFFFE000  }
0x163: {  	_ =	swait.ge [sflag:s16], $0x2000  }
0x164: {  	[sflag:s16] =	ssyncset.done $0x0  }
0x165: {  	s17 =	rddreg [dreg:$0x13];
	[sflag:s16] =	ssyncadd.s32 $0xFFFFE000  }
0x166: {  	[hbm4b:s17+s3] =	stream.linear.scatter [tilespmem:s8], [sflag:$0xF], $0x2000, $0x38;
	[tilespmem:$0x1E400] =	vst v63  }
0x167: {  	_ =	swait.ge [sflag:s24], $0x2000  }
0x168: {  	[sflag:s24] =	ssyncset.done $0x0  }
0x169: {  	s18 =	simm.s32 $0x4;
	[sflag:s24] =	ssyncadd.s32 $0xFFFFE000  }
0x16a: {  	_ =	swait.ge [sflag:s18], $0x2000  }
0x16b: {  	[sflag:s18] =	ssyncset.done $0x0  }
0x16c: {  	s20 =	rddreg [dreg:$0x14];
	[sflag:s18] =	ssyncadd.s32 $0xFFFFE000  }
0x16d: {  	[hbm4b:s20+s3] =	stream.linear.scatter [tilespmem:s10], [sflag:$0x10], $0x2000, $0x38;
	[tilespmem:$0x1E400] =	vst v63  }
0x16e: {  	_ =	swait.ge [sflag:s1], $0x2000  }
0x16f: {  	[sflag:s1] =	ssyncset.done $0x0  }
0x170: {  	[sflag:s1] =	ssyncadd.s32 $0xFFFFE000  }
0x171: {  	_ =	swait.ge [sflag:s5], $0x2000  }
0x172: {  	[sflag:s5] =	ssyncset.done $0x0  }
0x173: {  	[sflag:s5] =	ssyncadd.s32 $0xFFFFE000  }
0x174: {  	_ =	swait.ge [sflag:s7], $0x2000  }
0x175: {  	[sflag:s7] =	ssyncset.done $0x0  }
0x176: {  	[sflag:s7] =	ssyncadd.s32 $0xFFFFE000  }
0x177: {  	_ =	swait.ge [sflag:s12], $0x2000  }
0x178: {  	[sflag:s12] =	ssyncset.done $0x0  }
0x179: {  	[sflag:s12] =	ssyncadd.s32 $0xFFFFE000  }
0x17a: {  	_ =	swait.ge [sflag:s13], $0x2000  }
0x17b: {  	[sflag:s13] =	ssyncset.done $0x0  }
0x17c: {  	[sflag:s13] =	ssyncadd.s32 $0xFFFFE000  }
0x17d: {  	_ =	swait.ge [sflag:s14], $0x2000  }
0x17e: {  	[sflag:s14] =	ssyncset.done $0x0  }
0x17f: {  	[sflag:s14] =	ssyncadd.s32 $0xFFFFE000  }
0x180: {  	_ =	swait.ge [sflag:s15], $0x2000  }
0x181: {  	s23 =	rddreg [dreg:$0x17]  }
0x182: {  	s31 =	rddreg [dreg:$0x15];
	s4 =	sadd.s32 $0x1, s23  }
0x183: {  	p0 =	sne.s32 s4, s31  }
.Ltmp1:
0x184: {  	_ = 	snop;
	(pc) =	sbr.rel @p0 .LBB2_1-.Ltmp1, $3  }
0x185: {  	_ =	sdelay $0x1  }
0x186: {  	[sflag:s15] =	ssyncset.done $0x0  }
0x187: {  	s10 =	simm.s32 $0xE400;
	s12 =	simm.s32 $0x10400;
	[sflag:s15] =	ssyncadd.s32 $0xFFFFE000  }
0x188: {  	_ =	sfence.sel $0x180000  }
0x189: {  	[bflag:$0x0] =	sbarrier.arrive $0xFFFF  }
0x18a: {  	_ =	strace $0x90000047  }
0x18b: {  	s0 =	stileid.u32;
	[bflag:$0x2] =	sbarrier.arrive $0xFFFF  }
0x18c: {  	p0 =	sne.s32 s0, $0x0;
	s0 =	rddreg [dreg:$0x3]  }
0x18d: {  	s0 =	sadd.s32 @!p0 $0x100000, s0  }
0x18e: {  	[sflag:s0] =	ssyncadd.tile.s32 @!p0 $0x1;
	_ =	shalt  }
.Lfunc_end2:
_tile_overlayer_lowered:
.L_overlay_start_2:
0x18f: {  	(tag) =	ssettag $0x2  }
0x190: {  	s0 =	rddreg [dreg:$0x0];
	s2 =	stileid.u32  }
0x191: {  	s1 =	rddreg [dreg:$0x1];
	p0 =	sne.s32 s2, $0x0  }
0x192: {  	s3 =	rddreg [dreg:$0x2];
	[bflag:$0x3] =	sbarrier.arrive $0xFFFF;
	s2 =	simm.s32 @!p0 $0x1C19  }
0x193: {  	[timem:s3], [sflag:s2] =	dma.local @!p0 [hbm:s0], s1  }
0x194: {  	s0 =	simm.s32 @!p0 $0x19  }
0x195: {  	_ =	swait.ge @!p0 [sflag:s0], s1  }
0x196: {  	s1 =	ssub.s32 @!p0 $0x0, s1;
	[sflag:s0] =	ssyncset.done @!p0 $0x0  }
0x197: {  	[sflag:s0] =	ssyncadd.s32 @!p0 s1  }
0x198: {  	[bflag:$0x3] =	sbarrier.arrive $0xFFFF  }
0x199: {  	_ =	shalt  }

</sc_bundles>
